<compile_context>
chip_gen: v7x
topology: tpu7x:2x2x1
jax: 0.10.2.dev20260603
libtpu: 0.0.44.dev20260713+nightly
codegen_flags: <defaults>
</compile_context>

<pallas_src>
import functools

import jax
import jax.numpy as jnp
from jax import lax
from jax.experimental import pallas as pl
from jax.experimental.pallas import tpu as pltpu
from jax.experimental.pallas import tpu_sc as plsc

B = 16384
NC = 2
NS = 16
NW = NC * NS
BPW = B // NW

DU = 32
DI = 32
DC = 16

UBC, IBC, CBC = 65536, 16384, 1024
UV = ((1000000 + UBC - 1) // UBC) * UBC
IV = ((100000 + IBC - 1) // IBC) * IBC
CV = 1024


def _make_retile(V, W, BC):
    pack = 128 // W
    q = BC // pack
    grid = (V + BC - 1) // BC
    vpad = grid * BC

    def body(in_ref, out_ref):
        stacked = jnp.concatenate(
            [in_ref[:, i * q:(i + 1) * q] for i in range(pack)], axis=0)
        out_ref[...] = stacked.T

    return pl.pallas_call(
        body,
        grid=(grid,),
        in_specs=[pl.BlockSpec((W, BC), lambda i: (0, i))],
        out_specs=pl.BlockSpec((BC // pack, 128), lambda i: (i, 0)),
        out_shape=jax.ShapeDtypeStruct((vpad * W // 128, 128), jnp.float32),
    )


_mesh = plsc.VectorSubcoreMesh(core_axis_name="c", subcore_axis_name="s")


def _permute_idx(src_ref, dst_ref, bc, q):
    pack = bc // q
    for i in range(BPW // 16):
        r = src_ref[pl.ds(i * 16, 16)]
        j = lax.rem(r, bc)
        dst_ref[pl.ds(i * 16, 16)] = (
            r - j + (lax.rem(j, q) * pack) + lax.div(j, q))


@functools.partial(
    pl.kernel,
    mesh=_mesh,
    compiler_params=pltpu.CompilerParams(use_tc_tiling_on_sc=False),
    out_type=(
        jax.ShapeDtypeStruct((B, DU), jnp.float32),
        jax.ShapeDtypeStruct((B, DI), jnp.float32),
        jax.ShapeDtypeStruct((B, DC), jnp.float32),
    ),
    scratch_types=[
        pltpu.VMEM((BPW,), jnp.int32),
        pltpu.VMEM((BPW,), jnp.int32),
        pltpu.VMEM((BPW,), jnp.int32),
        pltpu.VMEM((BPW, DU), jnp.float32),
        pltpu.VMEM((BPW, DI), jnp.float32),
        pltpu.VMEM((BPW, DC), jnp.float32),
        pltpu.SemaphoreType.DMA,
        pltpu.SemaphoreType.DMA,
        pltpu.SemaphoreType.DMA,
    ],
)
def _sc_gather(uid_hbm, iid_hbm, cid_hbm, emb_u_hbm, emb_i_hbm, emb_c_hbm,
               out_u, out_i, out_c,
               idx_raw, idx_u, idx_i, rows_u, rows_i, rows_c,
               sem_u, sem_i, sem_c):
    wid = lax.axis_index("s") * NC + lax.axis_index("c")
    base = wid * BPW

    pltpu.sync_copy(uid_hbm.at[pl.ds(base, BPW)], idx_raw)
    _permute_idx(idx_raw, idx_u, UBC, UBC // (128 // DU))
    cu = pltpu.async_copy(emb_u_hbm.at[idx_u], rows_u, sem_u)

    pltpu.sync_copy(iid_hbm.at[pl.ds(base, BPW)], idx_raw)
    _permute_idx(idx_raw, idx_i, IBC, IBC // (128 // DI))
    ci = pltpu.async_copy(emb_i_hbm.at[idx_i], rows_i, sem_i)

    pltpu.sync_copy(cid_hbm.at[pl.ds(base, BPW)], idx_raw)
    _permute_idx(idx_raw, idx_raw, CBC, CBC // (128 // DC))
    cc = pltpu.async_copy(emb_c_hbm.at[idx_raw], rows_c, sem_c)

    cu.wait()
    pltpu.sync_copy(rows_u, out_u.at[pl.ds(base, BPW)])
    ci.wait()
    pltpu.sync_copy(rows_i, out_i.at[pl.ds(base, BPW)])
    cc.wait()
    pltpu.sync_copy(rows_c, out_c.at[pl.ds(base, BPW)])


BLK = 2048


def _tdot(lhs_t, rhs):
    return jax.lax.dot_general(lhs_t, rhs, (((0,), (0,)), ((), ())),
                               preferred_element_type=jnp.float32)


def _mlp_body(Xt_ref, eu_ref, ei_ref, ec_ref, tagst_ref,
              WtT_ref, bt_ref, W1x_ref, W1u_ref, W1i_ref, W1c_ref, W1t_ref,
              b1_ref, W2T_ref, b2_ref, W3T_ref, b3_ref, out_ref):
    f32 = jnp.float32
    At = jnp.dot(WtT_ref[...], W1t_ref[...], preferred_element_type=f32)
    bias1 = b1_ref[...] + jnp.dot(bt_ref[...], W1t_ref[...],
                                  preferred_element_type=f32)
    h = _tdot(Xt_ref[...], W1x_ref[...])
    h = h + jnp.dot(eu_ref[...], W1u_ref[...], preferred_element_type=f32)
    h = h + jnp.dot(ei_ref[...], W1i_ref[...], preferred_element_type=f32)
    h = h + jnp.dot(ec_ref[...], W1c_ref[...], preferred_element_type=f32)
    h = h + _tdot(tagst_ref[...], At)
    h = jnp.maximum(h + bias1, 0.0)
    h2 = jnp.maximum(
        jnp.dot(h, W2T_ref[...], preferred_element_type=f32) + b2_ref[...], 0.0)
    out_ref[...] = (jnp.dot(h2, W3T_ref[...], preferred_element_type=f32)
                    + b3_ref[...])


def _row_spec(width):
    return pl.BlockSpec((BLK, width), lambda i: (i, 0))


def _full_spec(r, c):
    return pl.BlockSpec((r, c), lambda i: (0, 0))


def kernel(X, user_id, item_id, category, tags, emb_user, emb_item, emb_cat,
           W_tags, b_tags, W1, b1, W2, b2, W3, b3):
    uid = user_id.astype(jnp.int32)
    iid = item_id.astype(jnp.int32)
    cid = category.astype(jnp.int32)

    emb_user_rm = _make_retile(1000000, DU, UBC)(emb_user.T).reshape(UV, DU)
    emb_item_rm = _make_retile(100000, DI, IBC)(emb_item.T).reshape(IV, DI)
    emb_cat_rm = _make_retile(1000, DC, CBC)(emb_cat.T).reshape(CV, DC)

    e_user, e_item, e_cat = _sc_gather(uid, iid, cid, emb_user_rm,
                                       emb_item_rm, emb_cat_rm)

    W1T = W1.T
    W1x = W1T[0:13]
    W1u = W1T[13:45]
    W1i = W1T[45:77]
    W1c = W1T[77:93]
    W1t = W1T[93:157]

    out = pl.pallas_call(
        _mlp_body,
        grid=(B // BLK,),
        in_specs=[
            pl.BlockSpec((13, BLK), lambda i: (0, i)),
            _row_spec(DU), _row_spec(DI), _row_spec(DC),
            pl.BlockSpec((64, BLK), lambda i: (0, i)),
            _full_spec(64, 64),
            _full_spec(1, 64),
            _full_spec(13, 64), _full_spec(32, 64), _full_spec(32, 64),
            _full_spec(16, 64), _full_spec(64, 64),
            _full_spec(1, 64),
            _full_spec(64, 16),
            _full_spec(1, 16),
            _full_spec(16, 1),
            _full_spec(1, 1),
        ],
        out_specs=_row_spec(1),
        out_shape=jax.ShapeDtypeStruct((B, 1), jnp.float32),
    )(X.T, e_user, e_item, e_cat, tags.T,
      W_tags.T, b_tags.reshape(1, 64),
      W1x, W1u, W1i, W1c, W1t,
      b1.reshape(1, 64), W2.T, b2.reshape(1, 16), W3.T, b3.reshape(1, 1))
    return out[:, 0]

# --- scband reference (transcript-rebuilt; emitter-appended) ---
"""Pipeline reference for scband-baseline-model-37065567764738 (READ-ONLY COPY).

The authoritative reference and input builder live on the scoring server;
editing this copy changes nothing except your own understanding.
"""

import jax, jax.numpy as jnp
import numpy as np


def setup_inputs(seed: int = 0) -> dict:
    key = jax.random.key(seed)
    ks = jax.random.split(key, 12)
    B = 16384
    X = jax.random.normal(ks[0], (B, 13), dtype=jnp.float32)
    user_id = jax.random.randint(ks[1], (B,), 0, 1000000, dtype=jnp.int64) if jax.config.jax_enable_x64 else jax.random.randint(ks[1], (B,), 0, 1000000)
    item_id = jax.random.randint(ks[2], (B,), 0, 100000)
    category = jax.random.randint(ks[3], (B,), 0, 1000)
    tags = jax.random.normal(ks[4], (B, 64), dtype=jnp.float32)
    emb_user = jax.random.normal(ks[5], (1000000, 32), dtype=jnp.float32) * 0.02
    emb_item = jax.random.normal(ks[6], (100000, 32), dtype=jnp.float32) * 0.02
    emb_cat = jax.random.normal(ks[7], (1000, 16), dtype=jnp.float32) * 0.02
    W_tags = jax.random.normal(ks[8], (64, 64), dtype=jnp.float32) * 0.05
    b_tags = jnp.zeros((64,), dtype=jnp.float32)
    W1 = jax.random.normal(ks[9], (64, 157), dtype=jnp.float32) * 0.05
    b1 = jnp.zeros((64,), dtype=jnp.float32)
    W2 = jax.random.normal(ks[10], (16, 64), dtype=jnp.float32) * 0.05
    b2 = jnp.zeros((16,), dtype=jnp.float32)
    W3 = jax.random.normal(ks[11], (1, 16), dtype=jnp.float32) * 0.05
    b3 = jnp.zeros((1,), dtype=jnp.float32)
    return {
        "X": X, "user_id": user_id, "item_id": item_id, "category": category, "tags": tags,
        "emb_user": emb_user, "emb_item": emb_item, "emb_cat": emb_cat,
        "W_tags": W_tags, "b_tags": b_tags,
        "W1": W1, "b1": b1, "W2": W2, "b2": b2, "W3": W3, "b3": b3,
    }


def reference(X, user_id, item_id, category, tags,
              emb_user, emb_item, emb_cat,
              W_tags, b_tags, W1, b1, W2, b2, W3, b3):
    # categorical embedding lookups (SparseCore gathers)
    e_user = jnp.take(emb_user, user_id, axis=0)
    e_item = jnp.take(emb_item, item_id, axis=0)
    e_cat = jnp.take(emb_cat, category, axis=0)
    # multi-hot linear projection
    mh = tags @ W_tags.T + b_tags
    batch = jnp.concatenate([X, e_user, e_item, e_cat, mh], axis=1)
    # MLP (dropout is identity at inference)
    h = jax.nn.relu(batch @ W1.T + b1)
    h = jax.nn.relu(h @ W2.T + b2)
    out = h @ W3.T + b3
    return out.squeeze(-1)

if __name__ == "__main__":
    import jax
    _d = setup_inputs()
    print(jax.jit(kernel)(*tuple(_d.values())))

</pallas_src>

<mosaic_0001>
#map = affine_map<(d0, d1) -> (0)>
#map1 = affine_map<(d0, d1) -> (0, 0)>
module attributes {stable_mosaic.version = 14 : i64} {
  func.func @_sc_gather(%arg0: i32, %arg1: i32, %arg2: memref<16384xi32, #tpu.memory_space<hbm>>, %arg3: memref<16384xi32, #tpu.memory_space<hbm>>, %arg4: memref<16384xi32, #tpu.memory_space<hbm>>, %arg5: memref<1048576x32xf32, #tpu.memory_space<hbm>>, %arg6: memref<114688x32xf32, #tpu.memory_space<hbm>>, %arg7: memref<1024x16xf32, #tpu.memory_space<hbm>>, %arg8: memref<16384x32xf32, #tpu.memory_space<hbm>>, %arg9: memref<16384x32xf32, #tpu.memory_space<hbm>>, %arg10: memref<16384x16xf32, #tpu.memory_space<hbm>>, %arg11: memref<512xi32, #tpu.memory_space<vmem>>, %arg12: memref<512xi32, #tpu.memory_space<vmem>>, %arg13: memref<512xi32, #tpu.memory_space<vmem>>, %arg14: memref<512x32xf32, #tpu.memory_space<vmem>>, %arg15: memref<512x32xf32, #tpu.memory_space<vmem>>, %arg16: memref<512x16xf32, #tpu.memory_space<vmem>>, %arg17: memref<!tpu.dma_semaphore, #tpu.memory_space<semaphore_mem>>, %arg18: memref<!tpu.dma_semaphore, #tpu.memory_space<semaphore_mem>>, %arg19: memref<!tpu.dma_semaphore, #tpu.memory_space<semaphore_mem>>) attributes {dimension_semantics = [#tpu.dimension_semantics<core_parallel>, #tpu.dimension_semantics<subcore_parallel>], iteration_bounds = array<i64: 2, 16>, scalar_prefetch = 0 : i64, scratch_operands = 9 : i64, tpu.core_type = #tpu.core_type<sc_vector_subcore>, window_params = [{transform_indices = #map}, {transform_indices = #map}, {transform_indices = #map}, {transform_indices = #map1}, {transform_indices = #map1}, {transform_indices = #map1}, {transform_indices = #map1}, {transform_indices = #map1}, {transform_indices = #map1}]} {
    %mul3A = arith.constant 2 : i32
    %mul3A_0 = arith.muli %arg1, %mul3A : i32
    %add3A = arith.addi %mul3A_0, %arg0 : i32
    %mul3A_1 = arith.constant 512 : i32
    %mul3A_2 = arith.muli %add3A, %mul3A_1 : i32
    "tpu.region"() ({
      %run_scoped3A = tpu.sem_alloc : memref<!tpu.dma_semaphore, #tpu.memory_space<semaphore_mem>>
      %dma_start3A_2126 = tpu.memref_slice %arg2[%mul3A_2] : memref<16384xi32, #tpu.memory_space<hbm>> -> memref<512xi32, #tpu.memory_space<hbm>>
      %dma_start3A_2127 = tpu.memref_slice %arg2[%mul3A_2] : memref<16384xi32, #tpu.memory_space<hbm>> -> memref<512xi32, #tpu.memory_space<hbm>>
      tpu.enqueue_dma source(%dma_start3A_2127 : memref<512xi32, #tpu.memory_space<hbm>>) target(%arg11 : memref<512xi32, #tpu.memory_space<vmem>>) target_semaphore(%run_scoped3A : memref<!tpu.dma_semaphore, #tpu.memory_space<semaphore_mem>>)
      %dma_wait3A_2128 = tpu.memref_slice %arg2[%mul3A_2] : memref<16384xi32, #tpu.memory_space<hbm>> -> memref<512xi32, #tpu.memory_space<hbm>>
      %dma_wait3A_2129 = tpu.memref_slice %arg2[%mul3A_2] : memref<16384xi32, #tpu.memory_space<hbm>> -> memref<512xi32, #tpu.memory_space<hbm>>
      tpu.wait_dma2 semaphore(%run_scoped3A : memref<!tpu.dma_semaphore, #tpu.memory_space<semaphore_mem>>) src(%dma_wait3A_2129 : memref<512xi32, #tpu.memory_space<hbm>>) dst(%arg11 : memref<512xi32, #tpu.memory_space<vmem>>)
      tpu.yield
    }) : () -> ()
    %get3A = arith.constant 0 : index
    %get3A_3 = tpu.vector_load %arg11[%get3A] {strides = array<i32>} : memref<512xi32, #tpu.memory_space<vmem>>, vector<16xi32>,
    %get3A_4 = vector.shape_cast %get3A_3 : vector<16xi32> to vector<16xi32>
    %rem3A = arith.constant 65536 : i32
    %rem3A_5 = vector.broadcast %rem3A : i32 to vector<16xi32>
    %rem3A_6 = arith.remsi %get3A_4, %rem3A_5 : vector<16xi32>
    %sub3A = arith.subi %get3A_4, %rem3A_6 : vector<16xi32>
    %rem3A_7 = arith.constant 16384 : i32
    %rem3A_8 = vector.broadcast %rem3A_7 : i32 to vector<16xi32>
    %rem3A_9 = arith.remsi %rem3A_6, %rem3A_8 : vector<16xi32>
    %mul3A_10 = arith.constant 4 : i32
    %mul3A_11 = vector.broadcast %mul3A_10 : i32 to vector<16xi32>
    %mul3A_12 = arith.muli %rem3A_9, %mul3A_11 : vector<16xi32>
    %add3A_13 = arith.addi %sub3A, %mul3A_12 : vector<16xi32>
    %div3A = arith.constant 16384 : i32
    %div3A_14 = vector.broadcast %div3A : i32 to vector<16xi32>
    %div3A_15 = arith.divsi %rem3A_6, %div3A_14 : vector<16xi32>
    %add3A_16 = arith.addi %add3A_13, %div3A_15 : vector<16xi32>
    %swap3A = arith.constant 0 : index
    %swap3A_17 = tpu.vector_load %arg12[%swap3A] {strides = array<i32>} : memref<512xi32, #tpu.memory_space<vmem>>, vector<16xi32>,
    %swap3A_18 = vector.shape_cast %swap3A_17 : vector<16xi32> to vector<16xi32>
    %swap3A_19 = vector.shape_cast %add3A_16 : vector<16xi32> to vector<16xi32>
    tpu.vector_store %arg12[%swap3A], %swap3A_19 {strides = array<i32>} : memref<512xi32, #tpu.memory_space<vmem>>, vector<16xi32>,
    %get3A_20 = arith.constant 16 : index
    %get3A_21 = tpu.vector_load %arg11[%get3A_20] {strides = array<i32>} : memref<512xi32, #tpu.memory_space<vmem>>, vector<16xi32>,
    %get3A_22 = vector.shape_cast %get3A_21 : vector<16xi32> to vector<16xi32>
    %rem3A_23 = arith.constant 65536 : i32
    %rem3A_24 = vector.broadcast %rem3A_23 : i32 to vector<16xi32>
    %rem3A_25 = arith.remsi %get3A_22, %rem3A_24 : vector<16xi32>
    %sub3A_26 = arith.subi %get3A_22, %rem3A_25 : vector<16xi32>
    %rem3A_27 = arith.constant 16384 : i32
    %rem3A_28 = vector.broadcast %rem3A_27 : i32 to vector<16xi32>
    %rem3A_29 = arith.remsi %rem3A_25, %rem3A_28 : vector<16xi32>
    %mul3A_30 = arith.constant 4 : i32
    %mul3A_31 = vector.broadcast %mul3A_30 : i32 to vector<16xi32>
    %mul3A_32 = arith.muli %rem3A_29, %mul3A_31 : vector<16xi32>
    %add3A_33 = arith.addi %sub3A_26, %mul3A_32 : vector<16xi32>
    %div3A_34 = arith.constant 16384 : i32
    %div3A_35 = vector.broadcast %div3A_34 : i32 to vector<16xi32>
    %div3A_36 = arith.divsi %rem3A_25, %div3A_35 : vector<16xi32>
    %add3A_37 = arith.addi %add3A_33, %div3A_36 : vector<16xi32>
    %swap3A_38 = arith.constant 16 : index
    %swap3A_39 = tpu.vector_load %arg12[%swap3A_38] {strides = array<i32>} : memref<512xi32, #tpu.memory_space<vmem>>, vector<16xi32>,
    %swap3A_40 = vector.shape_cast %swap3A_39 : vector<16xi32> to vector<16xi32>
    %swap3A_41 = vector.shape_cast %add3A_37 : vector<16xi32> to vector<16xi32>
    tpu.vector_store %arg12[%swap3A_38], %swap3A_41 {strides = array<i32>} : memref<512xi32, #tpu.memory_space<vmem>>, vector<16xi32>,
    %get3A_42 = arith.constant 32 : index
    %get3A_43 = tpu.vector_load %arg11[%get3A_42] {strides = array<i32>} : memref<512xi32, #tpu.memory_space<vmem>>, vector<16xi32>,
    %get3A_44 = vector.shape_cast %get3A_43 : vector<16xi32> to vector<16xi32>
    %rem3A_45 = arith.constant 65536 : i32
    %rem3A_46 = vector.broadcast %rem3A_45 : i32 to vector<16xi32>
    %rem3A_47 = arith.remsi %get3A_44, %rem3A_46 : vector<16xi32>
    %sub3A_48 = arith.subi %get3A_44, %rem3A_47 : vector<16xi32>
    %rem3A_49 = arith.constant 16384 : i32
    %rem3A_50 = vector.broadcast %rem3A_49 : i32 to vector<16xi32>
    %rem3A_51 = arith.remsi %rem3A_47, %rem3A_50 : vector<16xi32>
    %mul3A_52 = arith.constant 4 : i32
    %mul3A_53 = vector.broadcast %mul3A_52 : i32 to vector<16xi32>
    %mul3A_54 = arith.muli %rem3A_51, %mul3A_53 : vector<16xi32>
    %add3A_55 = arith.addi %sub3A_48, %mul3A_54 : vector<16xi32>
    %div3A_56 = arith.constant 16384 : i32
    %div3A_57 = vector.broadcast %div3A_56 : i32 to vector<16xi32>
    %div3A_58 = arith.divsi %rem3A_47, %div3A_57 : vector<16xi32>
    %add3A_59 = arith.addi %add3A_55, %div3A_58 : vector<16xi32>
    %swap3A_60 = arith.constant 32 : index
    %swap3A_61 = tpu.vector_load %arg12[%swap3A_60] {strides = array<i32>} : memref<512xi32, #tpu.memory_space<vmem>>, vector<16xi32>,
    %swap3A_62 = vector.shape_cast %swap3A_61 : vector<16xi32> to vector<16xi32>
    %swap3A_63 = vector.shape_cast %add3A_59 : vector<16xi32> to vector<16xi32>
    tpu.vector_store %arg12[%swap3A_60], %swap3A_63 {strides = array<i32>} : memref<512xi32, #tpu.memory_space<vmem>>, vector<16xi32>,
    %get3A_64 = arith.constant 48 : index
    %get3A_65 = tpu.vector_load %arg11[%get3A_64] {strides = array<i32>} : memref<512xi32, #tpu.memory_space<vmem>>, vector<16xi32>,
    %get3A_66 = vector.shape_cast %get3A_65 : vector<16xi32> to vector<16xi32>
    %rem3A_67 = arith.constant 65536 : i32
    %rem3A_68 = vector.broadcast %rem3A_67 : i32 to vector<16xi32>
    %rem3A_69 = arith.remsi %get3A_66, %rem3A_68 : vector<16xi32>
    %sub3A_70 = arith.subi %get3A_66, %rem3A_69 : vector<16xi32>
    %rem3A_71 = arith.constant 16384 : i32
    %rem3A_72 = vector.broadcast %rem3A_71 : i32 to vector<16xi32>
    %rem3A_73 = arith.remsi %rem3A_69, %rem3A_72 : vector<16xi32>
    %mul3A_74 = arith.constant 4 : i32
    %mul3A_75 = vector.broadcast %mul3A_74 : i32 to vector<16xi32>
    %mul3A_76 = arith.muli %rem3A_73, %mul3A_75 : vector<16xi32>
    %add3A_77 = arith.addi %sub3A_70, %mul3A_76 : vector<16xi32>
    %div3A_78 = arith.constant 16384 : i32
    %div3A_79 = vector.broadcast %div3A_78 : i32 to vector<16xi32>
    %div3A_80 = arith.divsi %rem3A_69, %div3A_79 : vector<16xi32>
    %add3A_81 = arith.addi %add3A_77, %div3A_80 : vector<16xi32>
    %swap3A_82 = arith.constant 48 : index
    %swap3A_83 = tpu.vector_load %arg12[%swap3A_82] {strides = array<i32>} : memref<512xi32, #tpu.memory_space<vmem>>, vector<16xi32>,
    %swap3A_84 = vector.shape_cast %swap3A_83 : vector<16xi32> to vector<16xi32>
    %swap3A_85 = vector.shape_cast %add3A_81 : vector<16xi32> to vector<16xi32>
    tpu.vector_store %arg12[%swap3A_82], %swap3A_85 {strides = array<i32>} : memref<512xi32, #tpu.memory_space<vmem>>, vector<16xi32>,
    %get3A_86 = arith.constant 64 : index
    %get3A_87 = tpu.vector_load %arg11[%get3A_86] {strides = array<i32>} : memref<512xi32, #tpu.memory_space<vmem>>, vector<16xi32>,
    %get3A_88 = vector.shape_cast %get3A_87 : vector<16xi32> to vector<16xi32>
    %rem3A_89 = arith.constant 65536 : i32
    %rem3A_90 = vector.broadcast %rem3A_89 : i32 to vector<16xi32>
    %rem3A_91 = arith.remsi %get3A_88, %rem3A_90 : vector<16xi32>
    %sub3A_92 = arith.subi %get3A_88, %rem3A_91 : vector<16xi32>
    %rem3A_93 = arith.constant 16384 : i32
    %rem3A_94 = vector.broadcast %rem3A_93 : i32 to vector<16xi32>
    %rem3A_95 = arith.remsi %rem3A_91, %rem3A_94 : vector<16xi32>
    %mul3A_96 = arith.constant 4 : i32
    %mul3A_97 = vector.broadcast %mul3A_96 : i32 to vector<16xi32>
    %mul3A_98 = arith.muli %rem3A_95, %mul3A_97 : vector<16xi32>
    %add3A_99 = arith.addi %sub3A_92, %mul3A_98 : vector<16xi32>
    %div3A_100 = arith.constant 16384 : i32
    %div3A_101 = vector.broadcast %div3A_100 : i32 to vector<16xi32>
    %div3A_102 = arith.divsi %rem3A_91, %div3A_101 : vector<16xi32>
    %add3A_103 = arith.addi %add3A_99, %div3A_102 : vector<16xi32>
    %swap3A_104 = arith.constant 64 : index
    %swap3A_105 = tpu.vector_load %arg12[%swap3A_104] {strides = array<i32>} : memref<512xi32, #tpu.memory_space<vmem>>, vector<16xi32>,
    %swap3A_106 = vector.shape_cast %swap3A_105 : vector<16xi32> to vector<16xi32>
    %swap3A_107 = vector.shape_cast %add3A_103 : vector<16xi32> to vector<16xi32>
    tpu.vector_store %arg12[%swap3A_104], %swap3A_107 {strides = array<i32>} : memref<512xi32, #tpu.memory_space<vmem>>, vector<16xi32>,
    %get3A_108 = arith.constant 80 : index
    %get3A_109 = tpu.vector_load %arg11[%get3A_108] {strides = array<i32>} : memref<512xi32, #tpu.memory_space<vmem>>, vector<16xi32>,
    %get3A_110 = vector.shape_cast %get3A_109 : vector<16xi32> to vector<16xi32>
    %rem3A_111 = arith.constant 65536 : i32
    %rem3A_112 = vector.broadcast %rem3A_111 : i32 to vector<16xi32>
    %rem3A_113 = arith.remsi %get3A_110, %rem3A_112 : vector<16xi32>
    %sub3A_114 = arith.subi %get3A_110, %rem3A_113 : vector<16xi32>
    %rem3A_115 = arith.constant 16384 : i32
    %rem3A_116 = vector.broadcast %rem3A_115 : i32 to vector<16xi32>
    %rem3A_117 = arith.remsi %rem3A_113, %rem3A_116 : vector<16xi32>
    %mul3A_118 = arith.constant 4 : i32
    %mul3A_119 = vector.broadcast %mul3A_118 : i32 to vector<16xi32>
    %mul3A_120 = arith.muli %rem3A_117, %mul3A_119 : vector<16xi32>
    %add3A_121 = arith.addi %sub3A_114, %mul3A_120 : vector<16xi32>
    %div3A_122 = arith.constant 16384 : i32
    %div3A_123 = vector.broadcast %div3A_122 : i32 to vector<16xi32>
    %div3A_124 = arith.divsi %rem3A_113, %div3A_123 : vector<16xi32>
    %add3A_125 = arith.addi %add3A_121, %div3A_124 : vector<16xi32>
    %swap3A_126 = arith.constant 80 : index
    %swap3A_127 = tpu.vector_load %arg12[%swap3A_126] {strides = array<i32>} : memref<512xi32, #tpu.memory_space<vmem>>, vector<16xi32>,
    %swap3A_128 = vector.shape_cast %swap3A_127 : vector<16xi32> to vector<16xi32>
    %swap3A_129 = vector.shape_cast %add3A_125 : vector<16xi32> to vector<16xi32>
    tpu.vector_store %arg12[%swap3A_126], %swap3A_129 {strides = array<i32>} : memref<512xi32, #tpu.memory_space<vmem>>, vector<16xi32>,
    %get3A_130 = arith.constant 96 : index
    %get3A_131 = tpu.vector_load %arg11[%get3A_130] {strides = array<i32>} : memref<512xi32, #tpu.memory_space<vmem>>, vector<16xi32>,
    %get3A_132 = vector.shape_cast %get3A_131 : vector<16xi32> to vector<16xi32>
    %rem3A_133 = arith.constant 65536 : i32
    %rem3A_134 = vector.broadcast %rem3A_133 : i32 to vector<16xi32>
    %rem3A_135 = arith.remsi %get3A_132, %rem3A_134 : vector<16xi32>
    %sub3A_136 = arith.subi %get3A_132, %rem3A_135 : vector<16xi32>
    %rem3A_137 = arith.constant 16384 : i32
    %rem3A_138 = vector.broadcast %rem3A_137 : i32 to vector<16xi32>
    %rem3A_139 = arith.remsi %rem3A_135, %rem3A_138 : vector<16xi32>
    %mul3A_140 = arith.constant 4 : i32
    %mul3A_141 = vector.broadcast %mul3A_140 : i32 to vector<16xi32>
    %mul3A_142 = arith.muli %rem3A_139, %mul3A_141 : vector<16xi32>
    %add3A_143 = arith.addi %sub3A_136, %mul3A_142 : vector<16xi32>
    %div3A_144 = arith.constant 16384 : i32
    %div3A_145 = vector.broadcast %div3A_144 : i32 to vector<16xi32>
    %div3A_146 = arith.divsi %rem3A_135, %div3A_145 : vector<16xi32>
    %add3A_147 = arith.addi %add3A_143, %div3A_146 : vector<16xi32>
    %swap3A_148 = arith.constant 96 : index
    %swap3A_149 = tpu.vector_load %arg12[%swap3A_148] {strides = array<i32>} : memref<512xi32, #tpu.memory_space<vmem>>, vector<16xi32>,
    %swap3A_150 = vector.shape_cast %swap3A_149 : vector<16xi32> to vector<16xi32>
    %swap3A_151 = vector.shape_cast %add3A_147 : vector<16xi32> to vector<16xi32>
    tpu.vector_store %arg12[%swap3A_148], %swap3A_151 {strides = array<i32>} : memref<512xi32, #tpu.memory_space<vmem>>, vector<16xi32>,
    %get3A_152 = arith.constant 112 : index
    %get3A_153 = tpu.vector_load %arg11[%get3A_152] {strides = array<i32>} : memref<512xi32, #tpu.memory_space<vmem>>, vector<16xi32>,
    %get3A_154 = vector.shape_cast %get3A_153 : vector<16xi32> to vector<16xi32>
    %rem3A_155 = arith.constant 65536 : i32
    %rem3A_156 = vector.broadcast %rem3A_155 : i32 to vector<16xi32>
    %rem3A_157 = arith.remsi %get3A_154, %rem3A_156 : vector<16xi32>
    %sub3A_158 = arith.subi %get3A_154, %rem3A_157 : vector<16xi32>
    %rem3A_159 = arith.constant 16384 : i32
    %rem3A_160 = vector.broadcast %rem3A_159 : i32 to vector<16xi32>
    %rem3A_161 = arith.remsi %rem3A_157, %rem3A_160 : vector<16xi32>
    %mul3A_162 = arith.constant 4 : i32
    %mul3A_163 = vector.broadcast %mul3A_162 : i32 to vector<16xi32>
    %mul3A_164 = arith.muli %rem3A_161, %mul3A_163 : vector<16xi32>
    %add3A_165 = arith.addi %sub3A_158, %mul3A_164 : vector<16xi32>
    %div3A_166 = arith.constant 16384 : i32
    %div3A_167 = vector.broadcast %div3A_166 : i32 to vector<16xi32>
    %div3A_168 = arith.divsi %rem3A_157, %div3A_167 : vector<16xi32>
    %add3A_169 = arith.addi %add3A_165, %div3A_168 : vector<16xi32>
    %swap3A_170 = arith.constant 112 : index
    %swap3A_171 = tpu.vector_load %arg12[%swap3A_170] {strides = array<i32>} : memref<512xi32, #tpu.memory_space<vmem>>, vector<16xi32>,
    %swap3A_172 = vector.shape_cast %swap3A_171 : vector<16xi32> to vector<16xi32>
    %swap3A_173 = vector.shape_cast %add3A_169 : vector<16xi32> to vector<16xi32>
    tpu.vector_store %arg12[%swap3A_170], %swap3A_173 {strides = array<i32>} : memref<512xi32, #tpu.memory_space<vmem>>, vector<16xi32>,
    %get3A_174 = arith.constant 128 : index
    %get3A_175 = tpu.vector_load %arg11[%get3A_174] {strides = array<i32>} : memref<512xi32, #tpu.memory_space<vmem>>, vector<16xi32>,
    %get3A_176 = vector.shape_cast %get3A_175 : vector<16xi32> to vector<16xi32>
    %rem3A_177 = arith.constant 65536 : i32
    %rem3A_178 = vector.broadcast %rem3A_177 : i32 to vector<16xi32>
    %rem3A_179 = arith.remsi %get3A_176, %rem3A_178 : vector<16xi32>
    %sub3A_180 = arith.subi %get3A_176, %rem3A_179 : vector<16xi32>
    %rem3A_181 = arith.constant 16384 : i32
    %rem3A_182 = vector.broadcast %rem3A_181 : i32 to vector<16xi32>
    %rem3A_183 = arith.remsi %rem3A_179, %rem3A_182 : vector<16xi32>
    %mul3A_184 = arith.constant 4 : i32
    %mul3A_185 = vector.broadcast %mul3A_184 : i32 to vector<16xi32>
    %mul3A_186 = arith.muli %rem3A_183, %mul3A_185 : vector<16xi32>
    %add3A_187 = arith.addi %sub3A_180, %mul3A_186 : vector<16xi32>
    %div3A_188 = arith.constant 16384 : i32
    %div3A_189 = vector.broadcast %div3A_188 : i32 to vector<16xi32>
    %div3A_190 = arith.divsi %rem3A_179, %div3A_189 : vector<16xi32>
    %add3A_191 = arith.addi %add3A_187, %div3A_190 : vector<16xi32>
    %swap3A_192 = arith.constant 128 : index
    %swap3A_193 = tpu.vector_load %arg12[%swap3A_192] {strides = array<i32>} : memref<512xi32, #tpu.memory_space<vmem>>, vector<16xi32>,
    %swap3A_194 = vector.shape_cast %swap3A_193 : vector<16xi32> to vector<16xi32>
    %swap3A_195 = vector.shape_cast %add3A_191 : vector<16xi32> to vector<16xi32>
    tpu.vector_store %arg12[%swap3A_192], %swap3A_195 {strides = array<i32>} : memref<512xi32, #tpu.memory_space<vmem>>, vector<16xi32>,
    %get3A_196 = arith.constant 144 : index
    %get3A_197 = tpu.vector_load %arg11[%get3A_196] {strides = array<i32>} : memref<512xi32, #tpu.memory_space<vmem>>, vector<16xi32>,
    %get3A_198 = vector.shape_cast %get3A_197 : vector<16xi32> to vector<16xi32>
    %rem3A_199 = arith.constant 65536 : i32
    %rem3A_200 = vector.broadcast %rem3A_199 : i32 to vector<16xi32>
    %rem3A_201 = arith.remsi %get3A_198, %rem3A_200 : vector<16xi32>
    %sub3A_202 = arith.subi %get3A_198, %rem3A_201 : vector<16xi32>
    %rem3A_203 = arith.constant 16384 : i32
    %rem3A_204 = vector.broadcast %rem3A_203 : i32 to vector<16xi32>
    %rem3A_205 = arith.remsi %rem3A_201, %rem3A_204 : vector<16xi32>
    %mul3A_206 = arith.constant 4 : i32
    %mul3A_207 = vector.broadcast %mul3A_206 : i32 to vector<16xi32>
    %mul3A_208 = arith.muli %rem3A_205, %mul3A_207 : vector<16xi32>
    %add3A_209 = arith.addi %sub3A_202, %mul3A_208 : vector<16xi32>
    %div3A_210 = arith.constant 16384 : i32
    %div3A_211 = vector.broadcast %div3A_210 : i32 to vector<16xi32>
    %div3A_212 = arith.divsi %rem3A_201, %div3A_211 : vector<16xi32>
    %add3A_213 = arith.addi %add3A_209, %div3A_212 : vector<16xi32>
    %swap3A_214 = arith.constant 144 : index
    %swap3A_215 = tpu.vector_load %arg12[%swap3A_214] {strides = array<i32>} : memref<512xi32, #tpu.memory_space<vmem>>, vector<16xi32>,
    %swap3A_216 = vector.shape_cast %swap3A_215 : vector<16xi32> to vector<16xi32>
    %swap3A_217 = vector.shape_cast %add3A_213 : vector<16xi32> to vector<16xi32>
    tpu.vector_store %arg12[%swap3A_214], %swap3A_217 {strides = array<i32>} : memref<512xi32, #tpu.memory_space<vmem>>, vector<16xi32>,
    %get3A_218 = arith.constant 160 : index
    %get3A_219 = tpu.vector_load %arg11[%get3A_218] {strides = array<i32>} : memref<512xi32, #tpu.memory_space<vmem>>, vector<16xi32>,
    %get3A_220 = vector.shape_cast %get3A_219 : vector<16xi32> to vector<16xi32>
    %rem3A_221 = arith.constant 65536 : i32
    %rem3A_222 = vector.broadcast %rem3A_221 : i32 to vector<16xi32>
    %rem3A_223 = arith.remsi %get3A_220, %rem3A_222 : vector<16xi32>
    %sub3A_224 = arith.subi %get3A_220, %rem3A_223 : vector<16xi32>
    %rem3A_225 = arith.constant 16384 : i32
    %rem3A_226 = vector.broadcast %rem3A_225 : i32 to vector<16xi32>
    %rem3A_227 = arith.remsi %rem3A_223, %rem3A_226 : vector<16xi32>
    %mul3A_228 = arith.constant 4 : i32
    %mul3A_229 = vector.broadcast %mul3A_228 : i32 to vector<16xi32>
    %mul3A_230 = arith.muli %rem3A_227, %mul3A_229 : vector<16xi32>
    %add3A_231 = arith.addi %sub3A_224, %mul3A_230 : vector<16xi32>
    %div3A_232 = arith.constant 16384 : i32
    %div3A_233 = vector.broadcast %div3A_232 : i32 to vector<16xi32>
    %div3A_234 = arith.divsi %rem3A_223, %div3A_233 : vector<16xi32>
    %add3A_235 = arith.addi %add3A_231, %div3A_234 : vector<16xi32>
    %swap3A_236 = arith.constant 160 : index
    %swap3A_237 = tpu.vector_load %arg12[%swap3A_236] {strides = array<i32>} : memref<512xi32, #tpu.memory_space<vmem>>, vector<16xi32>,
    %swap3A_238 = vector.shape_cast %swap3A_237 : vector<16xi32> to vector<16xi32>
    %swap3A_239 = vector.shape_cast %add3A_235 : vector<16xi32> to vector<16xi32>
    tpu.vector_store %arg12[%swap3A_236], %swap3A_239 {strides = array<i32>} : memref<512xi32, #tpu.memory_space<vmem>>, vector<16xi32>,
    %get3A_240 = arith.constant 176 : index
    %get3A_241 = tpu.vector_load %arg11[%get3A_240] {strides = array<i32>} : memref<512xi32, #tpu.memory_space<vmem>>, vector<16xi32>,
    %get3A_242 = vector.shape_cast %get3A_241 : vector<16xi32> to vector<16xi32>
    %rem3A_243 = arith.constant 65536 : i32
    %rem3A_244 = vector.broadcast %rem3A_243 : i32 to vector<16xi32>
    %rem3A_245 = arith.remsi %get3A_242, %rem3A_244 : vector<16xi32>
    %sub3A_246 = arith.subi %get3A_242, %rem3A_245 : vector<16xi32>
    %rem3A_247 = arith.constant 16384 : i32
    %rem3A_248 = vector.broadcast %rem3A_247 : i32 to vector<16xi32>
    %rem3A_249 = arith.remsi %rem3A_245, %rem3A_248 : vector<16xi32>
    %mul3A_250 = arith.constant 4 : i32
    %mul3A_251 = vector.broadcast %mul3A_250 : i32 to vector<16xi32>
    %mul3A_252 = arith.muli %rem3A_249, %mul3A_251 : vector<16xi32>
    %add3A_253 = arith.addi %sub3A_246, %mul3A_252 : vector<16xi32>
    %div3A_254 = arith.constant 16384 : i32
    %div3A_255 = vector.broadcast %div3A_254 : i32 to vector<16xi32>
    %div3A_256 = arith.divsi %rem3A_245, %div3A_255 : vector<16xi32>
    %add3A_257 = arith.addi %add3A_253, %div3A_256 : vector<16xi32>
    %swap3A_258 = arith.constant 176 : index
    %swap3A_259 = tpu.vector_load %arg12[%swap3A_258] {strides = array<i32>} : memref<512xi32, #tpu.memory_space<vmem>>, vector<16xi32>,
    %swap3A_260 = vector.shape_cast %swap3A_259 : vector<16xi32> to vector<16xi32>
    %swap3A_261 = vector.shape_cast %add3A_257 : vector<16xi32> to vector<16xi32>
    tpu.vector_store %arg12[%swap3A_258], %swap3A_261 {strides = array<i32>} : memref<512xi32, #tpu.memory_space<vmem>>, vector<16xi32>,
    %get3A_262 = arith.constant 192 : index
    %get3A_263 = tpu.vector_load %arg11[%get3A_262] {strides = array<i32>} : memref<512xi32, #tpu.memory_space<vmem>>, vector<16xi32>,
    %get3A_264 = vector.shape_cast %get3A_263 : vector<16xi32> to vector<16xi32>
    %rem3A_265 = arith.constant 65536 : i32
    %rem3A_266 = vector.broadcast %rem3A_265 : i32 to vector<16xi32>
    %rem3A_267 = arith.remsi %get3A_264, %rem3A_266 : vector<16xi32>
    %sub3A_268 = arith.subi %get3A_264, %rem3A_267 : vector<16xi32>
    %rem3A_269 = arith.constant 16384 : i32
    %rem3A_270 = vector.broadcast %rem3A_269 : i32 to vector<16xi32>
    %rem3A_271 = arith.remsi %rem3A_267, %rem3A_270 : vector<16xi32>
    %mul3A_272 = arith.constant 4 : i32
    %mul3A_273 = vector.broadcast %mul3A_272 : i32 to vector<16xi32>
    %mul3A_274 = arith.muli %rem3A_271, %mul3A_273 : vector<16xi32>
    %add3A_275 = arith.addi %sub3A_268, %mul3A_274 : vector<16xi32>
    %div3A_276 = arith.constant 16384 : i32
    %div3A_277 = vector.broadcast %div3A_276 : i32 to vector<16xi32>
    %div3A_278 = arith.divsi %rem3A_267, %div3A_277 : vector<16xi32>
    %add3A_279 = arith.addi %add3A_275, %div3A_278 : vector<16xi32>
    %swap3A_280 = arith.constant 192 : index
    %swap3A_281 = tpu.vector_load %arg12[%swap3A_280] {strides = array<i32>} : memref<512xi32, #tpu.memory_space<vmem>>, vector<16xi32>,
    %swap3A_282 = vector.shape_cast %swap3A_281 : vector<16xi32> to vector<16xi32>
    %swap3A_283 = vector.shape_cast %add3A_279 : vector<16xi32> to vector<16xi32>
    tpu.vector_store %arg12[%swap3A_280], %swap3A_283 {strides = array<i32>} : memref<512xi32, #tpu.memory_space<vmem>>, vector<16xi32>,
    %get3A_284 = arith.constant 208 : index
    %get3A_285 = tpu.vector_load %arg11[%get3A_284] {strides = array<i32>} : memref<512xi32, #tpu.memory_space<vmem>>, vector<16xi32>,
    %get3A_286 = vector.shape_cast %get3A_285 : vector<16xi32> to vector<16xi32>
    %rem3A_287 = arith.constant 65536 : i32
    %rem3A_288 = vector.broadcast %rem3A_287 : i32 to vector<16xi32>
    %rem3A_289 = arith.remsi %get3A_286, %rem3A_288 : vector<16xi32>
    %sub3A_290 = arith.subi %get3A_286, %rem3A_289 : vector<16xi32>
    %rem3A_291 = arith.constant 16384 : i32
    %rem3A_292 = vector.broadcast %rem3A_291 : i32 to vector<16xi32>
    %rem3A_293 = arith.remsi %rem3A_289, %rem3A_292 : vector<16xi32>
    %mul3A_294 = arith.constant 4 : i32
    %mul3A_295 = vector.broadcast %mul3A_294 : i32 to vector<16xi32>
    %mul3A_296 = arith.muli %rem3A_293, %mul3A_295 : vector<16xi32>
    %add3A_297 = arith.addi %sub3A_290, %mul3A_296 : vector<16xi32>
    %div3A_298 = arith.constant 16384 : i32
    %div3A_299 = vector.broadcast %div3A_298 : i32 to vector<16xi32>
    %div3A_300 = arith.divsi %rem3A_289, %div3A_299 : vector<16xi32>
    %add3A_301 = arith.addi %add3A_297, %div3A_300 : vector<16xi32>
    %swap3A_302 = arith.constant 208 : index
    %swap3A_303 = tpu.vector_load %arg12[%swap3A_302] {strides = array<i32>} : memref<512xi32, #tpu.memory_space<vmem>>, vector<16xi32>,
    %swap3A_304 = vector.shape_cast %swap3A_303 : vector<16xi32> to vector<16xi32>
    %swap3A_305 = vector.shape_cast %add3A_301 : vector<16xi32> to vector<16xi32>
    tpu.vector_store %arg12[%swap3A_302], %swap3A_305 {strides = array<i32>} : memref<512xi32, #tpu.memory_space<vmem>>, vector<16xi32>,
    %get3A_306 = arith.constant 224 : index
    %get3A_307 = tpu.vector_load %arg11[%get3A_306] {strides = array<i32>} : memref<512xi32, #tpu.memory_space<vmem>>, vector<16xi32>,
    %get3A_308 = vector.shape_cast %get3A_307 : vector<16xi32> to vector<16xi32>
    %rem3A_309 = arith.constant 65536 : i32
    %rem3A_310 = vector.broadcast %rem3A_309 : i32 to vector<16xi32>
    %rem3A_311 = arith.remsi %get3A_308, %rem3A_310 : vector<16xi32>
    %sub3A_312 = arith.subi %get3A_308, %rem3A_311 : vector<16xi32>
    %rem3A_313 = arith.constant 16384 : i32
    %rem3A_314 = vector.broadcast %rem3A_313 : i32 to vector<16xi32>
    %rem3A_315 = arith.remsi %rem3A_311, %rem3A_314 : vector<16xi32>
    %mul3A_316 = arith.constant 4 : i32
    %mul3A_317 = vector.broadcast %mul3A_316 : i32 to vector<16xi32>
    %mul3A_318 = arith.muli %rem3A_315, %mul3A_317 : vector<16xi32>
    %add3A_319 = arith.addi %sub3A_312, %mul3A_318 : vector<16xi32>
    %div3A_320 = arith.constant 16384 : i32
    %div3A_321 = vector.broadcast %div3A_320 : i32 to vector<16xi32>
    %div3A_322 = arith.divsi %rem3A_311, %div3A_321 : vector<16xi32>
    %add3A_323 = arith.addi %add3A_319, %div3A_322 : vector<16xi32>
    %swap3A_324 = arith.constant 224 : index
    %swap3A_325 = tpu.vector_load %arg12[%swap3A_324] {strides = array<i32>} : memref<512xi32, #tpu.memory_space<vmem>>, vector<16xi32>,
    %swap3A_326 = vector.shape_cast %swap3A_325 : vector<16xi32> to vector<16xi32>
    %swap3A_327 = vector.shape_cast %add3A_323 : vector<16xi32> to vector<16xi32>
    tpu.vector_store %arg12[%swap3A_324], %swap3A_327 {strides = array<i32>} : memref<512xi32, #tpu.memory_space<vmem>>, vector<16xi32>,
    %get3A_328 = arith.constant 240 : index
    %get3A_329 = tpu.vector_load %arg11[%get3A_328] {strides = array<i32>} : memref<512xi32, #tpu.memory_space<vmem>>, vector<16xi32>,
    %get3A_330 = vector.shape_cast %get3A_329 : vector<16xi32> to vector<16xi32>
    %rem3A_331 = arith.constant 65536 : i32
    %rem3A_332 = vector.broadcast %rem3A_331 : i32 to vector<16xi32>
    %rem3A_333 = arith.remsi %get3A_330, %rem3A_332 : vector<16xi32>
    %sub3A_334 = arith.subi %get3A_330, %rem3A_333 : vector<16xi32>
    %rem3A_335 = arith.constant 16384 : i32
    %rem3A_336 = vector.broadcast %rem3A_335 : i32 to vector<16xi32>
    %rem3A_337 = arith.remsi %rem3A_333, %rem3A_336 : vector<16xi32>
    %mul3A_338 = arith.constant 4 : i32
    %mul3A_339 = vector.broadcast %mul3A_338 : i32 to vector<16xi32>
    %mul3A_340 = arith.muli %rem3A_337, %mul3A_339 : vector<16xi32>
    %add3A_341 = arith.addi %sub3A_334, %mul3A_340 : vector<16xi32>
    %div3A_342 = arith.constant 16384 : i32
    %div3A_343 = vector.broadcast %div3A_342 : i32 to vector<16xi32>
    %div3A_344 = arith.divsi %rem3A_333, %div3A_343 : vector<16xi32>
    %add3A_345 = arith.addi %add3A_341, %div3A_344 : vector<16xi32>
    %swap3A_346 = arith.constant 240 : index
    %swap3A_347 = tpu.vector_load %arg12[%swap3A_346] {strides = array<i32>} : memref<512xi32, #tpu.memory_space<vmem>>, vector<16xi32>,
    %swap3A_348 = vector.shape_cast %swap3A_347 : vector<16xi32> to vector<16xi32>
    %swap3A_349 = vector.shape_cast %add3A_345 : vector<16xi32> to vector<16xi32>
    tpu.vector_store %arg12[%swap3A_346], %swap3A_349 {strides = array<i32>} : memref<512xi32, #tpu.memory_space<vmem>>, vector<16xi32>,
    %get3A_350 = arith.constant 256 : index
    %get3A_351 = tpu.vector_load %arg11[%get3A_350] {strides = array<i32>} : memref<512xi32, #tpu.memory_space<vmem>>, vector<16xi32>,
    %get3A_352 = vector.shape_cast %get3A_351 : vector<16xi32> to vector<16xi32>
    %rem3A_353 = arith.constant 65536 : i32
    %rem3A_354 = vector.broadcast %rem3A_353 : i32 to vector<16xi32>
    %rem3A_355 = arith.remsi %get3A_352, %rem3A_354 : vector<16xi32>
    %sub3A_356 = arith.subi %get3A_352, %rem3A_355 : vector<16xi32>
    %rem3A_357 = arith.constant 16384 : i32
    %rem3A_358 = vector.broadcast %rem3A_357 : i32 to vector<16xi32>
    %rem3A_359 = arith.remsi %rem3A_355, %rem3A_358 : vector<16xi32>
    %mul3A_360 = arith.constant 4 : i32
    %mul3A_361 = vector.broadcast %mul3A_360 : i32 to vector<16xi32>
    %mul3A_362 = arith.muli %rem3A_359, %mul3A_361 : vector<16xi32>
    %add3A_363 = arith.addi %sub3A_356, %mul3A_362 : vector<16xi32>
    %div3A_364 = arith.constant 16384 : i32
    %div3A_365 = vector.broadcast %div3A_364 : i32 to vector<16xi32>
    %div3A_366 = arith.divsi %rem3A_355, %div3A_365 : vector<16xi32>
    %add3A_367 = arith.addi %add3A_363, %div3A_366 : vector<16xi32>
    %swap3A_368 = arith.constant 256 : index
    %swap3A_369 = tpu.vector_load %arg12[%swap3A_368] {strides = array<i32>} : memref<512xi32, #tpu.memory_space<vmem>>, vector<16xi32>,
    %swap3A_370 = vector.shape_cast %swap3A_369 : vector<16xi32> to vector<16xi32>
    %swap3A_371 = vector.shape_cast %add3A_367 : vector<16xi32> to vector<16xi32>
    tpu.vector_store %arg12[%swap3A_368], %swap3A_371 {strides = array<i32>} : memref<512xi32, #tpu.memory_space<vmem>>, vector<16xi32>,
    %get3A_372 = arith.constant 272 : index
    %get3A_373 = tpu.vector_load %arg11[%get3A_372] {strides = array<i32>} : memref<512xi32, #tpu.memory_space<vmem>>, vector<16xi32>,
    %get3A_374 = vector.shape_cast %get3A_373 : vector<16xi32> to vector<16xi32>
    %rem3A_375 = arith.constant 65536 : i32
    %rem3A_376 = vector.broadcast %rem3A_375 : i32 to vector<16xi32>
    %rem3A_377 = arith.remsi %get3A_374, %rem3A_376 : vector<16xi32>
    %sub3A_378 = arith.subi %get3A_374, %rem3A_377 : vector<16xi32>
    %rem3A_379 = arith.constant 16384 : i32
    %rem3A_380 = vector.broadcast %rem3A_379 : i32 to vector<16xi32>
    %rem3A_381 = arith.remsi %rem3A_377, %rem3A_380 : vector<16xi32>
    %mul3A_382 = arith.constant 4 : i32
    %mul3A_383 = vector.broadcast %mul3A_382 : i32 to vector<16xi32>
    %mul3A_384 = arith.muli %rem3A_381, %mul3A_383 : vector<16xi32>
    %add3A_385 = arith.addi %sub3A_378, %mul3A_384 : vector<16xi32>
    %div3A_386 = arith.constant 16384 : i32
    %div3A_387 = vector.broadcast %div3A_386 : i32 to vector<16xi32>
    %div3A_388 = arith.divsi %rem3A_377, %div3A_387 : vector<16xi32>
    %add3A_389 = arith.addi %add3A_385, %div3A_388 : vector<16xi32>
    %swap3A_390 = arith.constant 272 : index
    %swap3A_391 = tpu.vector_load %arg12[%swap3A_390] {strides = array<i32>} : memref<512xi32, #tpu.memory_space<vmem>>, vector<16xi32>,
    %swap3A_392 = vector.shape_cast %swap3A_391 : vector<16xi32> to vector<16xi32>
    %swap3A_393 = vector.shape_cast %add3A_389 : vector<16xi32> to vector<16xi32>
    tpu.vector_store %arg12[%swap3A_390], %swap3A_393 {strides = array<i32>} : memref<512xi32, #tpu.memory_space<vmem>>, vector<16xi32>,
    %get3A_394 = arith.constant 288 : index
    %get3A_395 = tpu.vector_load %arg11[%get3A_394] {strides = array<i32>} : memref<512xi32, #tpu.memory_space<vmem>>, vector<16xi32>,
    %get3A_396 = vector.shape_cast %get3A_395 : vector<16xi32> to vector<16xi32>
    %rem3A_397 = arith.constant 65536 : i32
    %rem3A_398 = vector.broadcast %rem3A_397 : i32 to vector<16xi32>
    %rem3A_399 = arith.remsi %get3A_396, %rem3A_398 : vector<16xi32>
    %sub3A_400 = arith.subi %get3A_396, %rem3A_399 : vector<16xi32>
    %rem3A_401 = arith.constant 16384 : i32
    %rem3A_402 = vector.broadcast %rem3A_401 : i32 to vector<16xi32>
    %rem3A_403 = arith.remsi %rem3A_399, %rem3A_402 : vector<16xi32>
    %mul3A_404 = arith.constant 4 : i32
    %mul3A_405 = vector.broadcast %mul3A_404 : i32 to vector<16xi32>
    %mul3A_406 = arith.muli %rem3A_403, %mul3A_405 : vector<16xi32>
    %add3A_407 = arith.addi %sub3A_400, %mul3A_406 : vector<16xi32>
    %div3A_408 = arith.constant 16384 : i32
    %div3A_409 = vector.broadcast %div3A_408 : i32 to vector<16xi32>
    %div3A_410 = arith.divsi %rem3A_399, %div3A_409 : vector<16xi32>
    %add3A_411 = arith.addi %add3A_407, %div3A_410 : vector<16xi32>
    %swap3A_412 = arith.constant 288 : index
    %swap3A_413 = tpu.vector_load %arg12[%swap3A_412] {strides = array<i32>} : memref<512xi32, #tpu.memory_space<vmem>>, vector<16xi32>,
    %swap3A_414 = vector.shape_cast %swap3A_413 : vector<16xi32> to vector<16xi32>
    %swap3A_415 = vector.shape_cast %add3A_411 : vector<16xi32> to vector<16xi32>
    tpu.vector_store %arg12[%swap3A_412], %swap3A_415 {strides = array<i32>} : memref<512xi32, #tpu.memory_space<vmem>>, vector<16xi32>,
    %get3A_416 = arith.constant 304 : index
    %get3A_417 = tpu.vector_load %arg11[%get3A_416] {strides = array<i32>} : memref<512xi32, #tpu.memory_space<vmem>>, vector<16xi32>,
    %get3A_418 = vector.shape_cast %get3A_417 : vector<16xi32> to vector<16xi32>
    %rem3A_419 = arith.constant 65536 : i32
    %rem3A_420 = vector.broadcast %rem3A_419 : i32 to vector<16xi32>
    %rem3A_421 = arith.remsi %get3A_418, %rem3A_420 : vector<16xi32>
    %sub3A_422 = arith.subi %get3A_418, %rem3A_421 : vector<16xi32>
    %rem3A_423 = arith.constant 16384 : i32
    %rem3A_424 = vector.broadcast %rem3A_423 : i32 to vector<16xi32>
    %rem3A_425 = arith.remsi %rem3A_421, %rem3A_424 : vector<16xi32>
    %mul3A_426 = arith.constant 4 : i32
    %mul3A_427 = vector.broadcast %mul3A_426 : i32 to vector<16xi32>
    %mul3A_428 = arith.muli %rem3A_425, %mul3A_427 : vector<16xi32>
    %add3A_429 = arith.addi %sub3A_422, %mul3A_428 : vector<16xi32>
    %div3A_430 = arith.constant 16384 : i32
    %div3A_431 = vector.broadcast %div3A_430 : i32 to vector<16xi32>
    %div3A_432 = arith.divsi %rem3A_421, %div3A_431 : vector<16xi32>
    %add3A_433 = arith.addi %add3A_429, %div3A_432 : vector<16xi32>
    %swap3A_434 = arith.constant 304 : index
    %swap3A_435 = tpu.vector_load %arg12[%swap3A_434] {strides = array<i32>} : memref<512xi32, #tpu.memory_space<vmem>>, vector<16xi32>,
    %swap3A_436 = vector.shape_cast %swap3A_435 : vector<16xi32> to vector<16xi32>
    %swap3A_437 = vector.shape_cast %add3A_433 : vector<16xi32> to vector<16xi32>
    tpu.vector_store %arg12[%swap3A_434], %swap3A_437 {strides = array<i32>} : memref<512xi32, #tpu.memory_space<vmem>>, vector<16xi32>,
    %get3A_438 = arith.constant 320 : index
    %get3A_439 = tpu.vector_load %arg11[%get3A_438] {strides = array<i32>} : memref<512xi32, #tpu.memory_space<vmem>>, vector<16xi32>,
    %get3A_440 = vector.shape_cast %get3A_439 : vector<16xi32> to vector<16xi32>
    %rem3A_441 = arith.constant 65536 : i32
    %rem3A_442 = vector.broadcast %rem3A_441 : i32 to vector<16xi32>
    %rem3A_443 = arith.remsi %get3A_440, %rem3A_442 : vector<16xi32>
    %sub3A_444 = arith.subi %get3A_440, %rem3A_443 : vector<16xi32>
    %rem3A_445 = arith.constant 16384 : i32
    %rem3A_446 = vector.broadcast %rem3A_445 : i32 to vector<16xi32>
    %rem3A_447 = arith.remsi %rem3A_443, %rem3A_446 : vector<16xi32>
    %mul3A_448 = arith.constant 4 : i32
    %mul3A_449 = vector.broadcast %mul3A_448 : i32 to vector<16xi32>
    %mul3A_450 = arith.muli %rem3A_447, %mul3A_449 : vector<16xi32>
    %add3A_451 = arith.addi %sub3A_444, %mul3A_450 : vector<16xi32>
    %div3A_452 = arith.constant 16384 : i32
    %div3A_453 = vector.broadcast %div3A_452 : i32 to vector<16xi32>
    %div3A_454 = arith.divsi %rem3A_443, %div3A_453 : vector<16xi32>
    %add3A_455 = arith.addi %add3A_451, %div3A_454 : vector<16xi32>
    %swap3A_456 = arith.constant 320 : index
    %swap3A_457 = tpu.vector_load %arg12[%swap3A_456] {strides = array<i32>} : memref<512xi32, #tpu.memory_space<vmem>>, vector<16xi32>,
    %swap3A_458 = vector.shape_cast %swap3A_457 : vector<16xi32> to vector<16xi32>
    %swap3A_459 = vector.shape_cast %add3A_455 : vector<16xi32> to vector<16xi32>
    tpu.vector_store %arg12[%swap3A_456], %swap3A_459 {strides = array<i32>} : memref<512xi32, #tpu.memory_space<vmem>>, vector<16xi32>,
    %get3A_460 = arith.constant 336 : index
    %get3A_461 = tpu.vector_load %arg11[%get3A_460] {strides = array<i32>} : memref<512xi32, #tpu.memory_space<vmem>>, vector<16xi32>,
    %get3A_462 = vector.shape_cast %get3A_461 : vector<16xi32> to vector<16xi32>
    %rem3A_463 = arith.constant 65536 : i32
    %rem3A_464 = vector.broadcast %rem3A_463 : i32 to vector<16xi32>
    %rem3A_465 = arith.remsi %get3A_462, %rem3A_464 : vector<16xi32>
    %sub3A_466 = arith.subi %get3A_462, %rem3A_465 : vector<16xi32>
    %rem3A_467 = arith.constant 16384 : i32
    %rem3A_468 = vector.broadcast %rem3A_467 : i32 to vector<16xi32>
    %rem3A_469 = arith.remsi %rem3A_465, %rem3A_468 : vector<16xi32>
    %mul3A_470 = arith.constant 4 : i32
    %mul3A_471 = vector.broadcast %mul3A_470 : i32 to vector<16xi32>
    %mul3A_472 = arith.muli %rem3A_469, %mul3A_471 : vector<16xi32>
    %add3A_473 = arith.addi %sub3A_466, %mul3A_472 : vector<16xi32>
    %div3A_474 = arith.constant 16384 : i32
    %div3A_475 = vector.broadcast %div3A_474 : i32 to vector<16xi32>
    %div3A_476 = arith.divsi %rem3A_465, %div3A_475 : vector<16xi32>
    %add3A_477 = arith.addi %add3A_473, %div3A_476 : vector<16xi32>
    %swap3A_478 = arith.constant 336 : index
    %swap3A_479 = tpu.vector_load %arg12[%swap3A_478] {strides = array<i32>} : memref<512xi32, #tpu.memory_space<vmem>>, vector<16xi32>,
    %swap3A_480 = vector.shape_cast %swap3A_479 : vector<16xi32> to vector<16xi32>
    %swap3A_481 = vector.shape_cast %add3A_477 : vector<16xi32> to vector<16xi32>
    tpu.vector_store %arg12[%swap3A_478], %swap3A_481 {strides = array<i32>} : memref<512xi32, #tpu.memory_space<vmem>>, vector<16xi32>,
    %get3A_482 = arith.constant 352 : index
    %get3A_483 = tpu.vector_load %arg11[%get3A_482] {strides = array<i32>} : memref<512xi32, #tpu.memory_space<vmem>>, vector<16xi32>,
    %get3A_484 = vector.shape_cast %get3A_483 : vector<16xi32> to vector<16xi32>
    %rem3A_485 = arith.constant 65536 : i32
    %rem3A_486 = vector.broadcast %rem3A_485 : i32 to vector<16xi32>
    %rem3A_487 = arith.remsi %get3A_484, %rem3A_486 : vector<16xi32>
    %sub3A_488 = arith.subi %get3A_484, %rem3A_487 : vector<16xi32>
    %rem3A_489 = arith.constant 16384 : i32
    %rem3A_490 = vector.broadcast %rem3A_489 : i32 to vector<16xi32>
    %rem3A_491 = arith.remsi %rem3A_487, %rem3A_490 : vector<16xi32>
    %mul3A_492 = arith.constant 4 : i32
    %mul3A_493 = vector.broadcast %mul3A_492 : i32 to vector<16xi32>
    %mul3A_494 = arith.muli %rem3A_491, %mul3A_493 : vector<16xi32>
    %add3A_495 = arith.addi %sub3A_488, %mul3A_494 : vector<16xi32>
    %div3A_496 = arith.constant 16384 : i32
    %div3A_497 = vector.broadcast %div3A_496 : i32 to vector<16xi32>
    %div3A_498 = arith.divsi %rem3A_487, %div3A_497 : vector<16xi32>
    %add3A_499 = arith.addi %add3A_495, %div3A_498 : vector<16xi32>
    %swap3A_500 = arith.constant 352 : index
    %swap3A_501 = tpu.vector_load %arg12[%swap3A_500] {strides = array<i32>} : memref<512xi32, #tpu.memory_space<vmem>>, vector<16xi32>,
    %swap3A_502 = vector.shape_cast %swap3A_501 : vector<16xi32> to vector<16xi32>
    %swap3A_503 = vector.shape_cast %add3A_499 : vector<16xi32> to vector<16xi32>
    tpu.vector_store %arg12[%swap3A_500], %swap3A_503 {strides = array<i32>} : memref<512xi32, #tpu.memory_space<vmem>>, vector<16xi32>,
    %get3A_504 = arith.constant 368 : index
    %get3A_505 = tpu.vector_load %arg11[%get3A_504] {strides = array<i32>} : memref<512xi32, #tpu.memory_space<vmem>>, vector<16xi32>,
    %get3A_506 = vector.shape_cast %get3A_505 : vector<16xi32> to vector<16xi32>
    %rem3A_507 = arith.constant 65536 : i32
    %rem3A_508 = vector.broadcast %rem3A_507 : i32 to vector<16xi32>
    %rem3A_509 = arith.remsi %get3A_506, %rem3A_508 : vector<16xi32>
    %sub3A_510 = arith.subi %get3A_506, %rem3A_509 : vector<16xi32>
    %rem3A_511 = arith.constant 16384 : i32
    %rem3A_512 = vector.broadcast %rem3A_511 : i32 to vector<16xi32>
    %rem3A_513 = arith.remsi %rem3A_509, %rem3A_512 : vector<16xi32>
    %mul3A_514 = arith.constant 4 : i32
    %mul3A_515 = vector.broadcast %mul3A_514 : i32 to vector<16xi32>
    %mul3A_516 = arith.muli %rem3A_513, %mul3A_515 : vector<16xi32>
    %add3A_517 = arith.addi %sub3A_510, %mul3A_516 : vector<16xi32>
    %div3A_518 = arith.constant 16384 : i32
    %div3A_519 = vector.broadcast %div3A_518 : i32 to vector<16xi32>
    %div3A_520 = arith.divsi %rem3A_509, %div3A_519 : vector<16xi32>
    %add3A_521 = arith.addi %add3A_517, %div3A_520 : vector<16xi32>
    %swap3A_522 = arith.constant 368 : index
    %swap3A_523 = tpu.vector_load %arg12[%swap3A_522] {strides = array<i32>} : memref<512xi32, #tpu.memory_space<vmem>>, vector<16xi32>,
    %swap3A_524 = vector.shape_cast %swap3A_523 : vector<16xi32> to vector<16xi32>
    %swap3A_525 = vector.shape_cast %add3A_521 : vector<16xi32> to vector<16xi32>
    tpu.vector_store %arg12[%swap3A_522], %swap3A_525 {strides = array<i32>} : memref<512xi32, #tpu.memory_space<vmem>>, vector<16xi32>,
    %get3A_526 = arith.constant 384 : index
    %get3A_527 = tpu.vector_load %arg11[%get3A_526] {strides = array<i32>} : memref<512xi32, #tpu.memory_space<vmem>>, vector<16xi32>,
    %get3A_528 = vector.shape_cast %get3A_527 : vector<16xi32> to vector<16xi32>
    %rem3A_529 = arith.constant 65536 : i32
    %rem3A_530 = vector.broadcast %rem3A_529 : i32 to vector<16xi32>
    %rem3A_531 = arith.remsi %get3A_528, %rem3A_530 : vector<16xi32>
    %sub3A_532 = arith.subi %get3A_528, %rem3A_531 : vector<16xi32>
    %rem3A_533 = arith.constant 16384 : i32
    %rem3A_534 = vector.broadcast %rem3A_533 : i32 to vector<16xi32>
    %rem3A_535 = arith.remsi %rem3A_531, %rem3A_534 : vector<16xi32>
    %mul3A_536 = arith.constant 4 : i32
    %mul3A_537 = vector.broadcast %mul3A_536 : i32 to vector<16xi32>
    %mul3A_538 = arith.muli %rem3A_535, %mul3A_537 : vector<16xi32>
    %add3A_539 = arith.addi %sub3A_532, %mul3A_538 : vector<16xi32>
    %div3A_540 = arith.constant 16384 : i32
    %div3A_541 = vector.broadcast %div3A_540 : i32 to vector<16xi32>
    %div3A_542 = arith.divsi %rem3A_531, %div3A_541 : vector<16xi32>
    %add3A_543 = arith.addi %add3A_539, %div3A_542 : vector<16xi32>
    %swap3A_544 = arith.constant 384 : index
    %swap3A_545 = tpu.vector_load %arg12[%swap3A_544] {strides = array<i32>} : memref<512xi32, #tpu.memory_space<vmem>>, vector<16xi32>,
    %swap3A_546 = vector.shape_cast %swap3A_545 : vector<16xi32> to vector<16xi32>
    %swap3A_547 = vector.shape_cast %add3A_543 : vector<16xi32> to vector<16xi32>
    tpu.vector_store %arg12[%swap3A_544], %swap3A_547 {strides = array<i32>} : memref<512xi32, #tpu.memory_space<vmem>>, vector<16xi32>,
    %get3A_548 = arith.constant 400 : index
    %get3A_549 = tpu.vector_load %arg11[%get3A_548] {strides = array<i32>} : memref<512xi32, #tpu.memory_space<vmem>>, vector<16xi32>,
    %get3A_550 = vector.shape_cast %get3A_549 : vector<16xi32> to vector<16xi32>
    %rem3A_551 = arith.constant 65536 : i32
    %rem3A_552 = vector.broadcast %rem3A_551 : i32 to vector<16xi32>
    %rem3A_553 = arith.remsi %get3A_550, %rem3A_552 : vector<16xi32>
    %sub3A_554 = arith.subi %get3A_550, %rem3A_553 : vector<16xi32>
    %rem3A_555 = arith.constant 16384 : i32
    %rem3A_556 = vector.broadcast %rem3A_555 : i32 to vector<16xi32>
    %rem3A_557 = arith.remsi %rem3A_553, %rem3A_556 : vector<16xi32>
    %mul3A_558 = arith.constant 4 : i32
    %mul3A_559 = vector.broadcast %mul3A_558 : i32 to vector<16xi32>
    %mul3A_560 = arith.muli %rem3A_557, %mul3A_559 : vector<16xi32>
    %add3A_561 = arith.addi %sub3A_554, %mul3A_560 : vector<16xi32>
    %div3A_562 = arith.constant 16384 : i32
    %div3A_563 = vector.broadcast %div3A_562 : i32 to vector<16xi32>
    %div3A_564 = arith.divsi %rem3A_553, %div3A_563 : vector<16xi32>
    %add3A_565 = arith.addi %add3A_561, %div3A_564 : vector<16xi32>
    %swap3A_566 = arith.constant 400 : index
    %swap3A_567 = tpu.vector_load %arg12[%swap3A_566] {strides = array<i32>} : memref<512xi32, #tpu.memory_space<vmem>>, vector<16xi32>,
    %swap3A_568 = vector.shape_cast %swap3A_567 : vector<16xi32> to vector<16xi32>
    %swap3A_569 = vector.shape_cast %add3A_565 : vector<16xi32> to vector<16xi32>
    tpu.vector_store %arg12[%swap3A_566], %swap3A_569 {strides = array<i32>} : memref<512xi32, #tpu.memory_space<vmem>>, vector<16xi32>,
    %get3A_570 = arith.constant 416 : index
    %get3A_571 = tpu.vector_load %arg11[%get3A_570] {strides = array<i32>} : memref<512xi32, #tpu.memory_space<vmem>>, vector<16xi32>,
    %get3A_572 = vector.shape_cast %get3A_571 : vector<16xi32> to vector<16xi32>
    %rem3A_573 = arith.constant 65536 : i32
    %rem3A_574 = vector.broadcast %rem3A_573 : i32 to vector<16xi32>
    %rem3A_575 = arith.remsi %get3A_572, %rem3A_574 : vector<16xi32>
    %sub3A_576 = arith.subi %get3A_572, %rem3A_575 : vector<16xi32>
    %rem3A_577 = arith.constant 16384 : i32
    %rem3A_578 = vector.broadcast %rem3A_577 : i32 to vector<16xi32>
    %rem3A_579 = arith.remsi %rem3A_575, %rem3A_578 : vector<16xi32>
    %mul3A_580 = arith.constant 4 : i32
    %mul3A_581 = vector.broadcast %mul3A_580 : i32 to vector<16xi32>
    %mul3A_582 = arith.muli %rem3A_579, %mul3A_581 : vector<16xi32>
    %add3A_583 = arith.addi %sub3A_576, %mul3A_582 : vector<16xi32>
    %div3A_584 = arith.constant 16384 : i32
    %div3A_585 = vector.broadcast %div3A_584 : i32 to vector<16xi32>
    %div3A_586 = arith.divsi %rem3A_575, %div3A_585 : vector<16xi32>
    %add3A_587 = arith.addi %add3A_583, %div3A_586 : vector<16xi32>
    %swap3A_588 = arith.constant 416 : index
    %swap3A_589 = tpu.vector_load %arg12[%swap3A_588] {strides = array<i32>} : memref<512xi32, #tpu.memory_space<vmem>>, vector<16xi32>,
    %swap3A_590 = vector.shape_cast %swap3A_589 : vector<16xi32> to vector<16xi32>
    %swap3A_591 = vector.shape_cast %add3A_587 : vector<16xi32> to vector<16xi32>
    tpu.vector_store %arg12[%swap3A_588], %swap3A_591 {strides = array<i32>} : memref<512xi32, #tpu.memory_space<vmem>>, vector<16xi32>,
    %get3A_592 = arith.constant 432 : index
    %get3A_593 = tpu.vector_load %arg11[%get3A_592] {strides = array<i32>} : memref<512xi32, #tpu.memory_space<vmem>>, vector<16xi32>,
    %get3A_594 = vector.shape_cast %get3A_593 : vector<16xi32> to vector<16xi32>
    %rem3A_595 = arith.constant 65536 : i32
    %rem3A_596 = vector.broadcast %rem3A_595 : i32 to vector<16xi32>
    %rem3A_597 = arith.remsi %get3A_594, %rem3A_596 : vector<16xi32>
    %sub3A_598 = arith.subi %get3A_594, %rem3A_597 : vector<16xi32>
    %rem3A_599 = arith.constant 16384 : i32
    %rem3A_600 = vector.broadcast %rem3A_599 : i32 to vector<16xi32>
    %rem3A_601 = arith.remsi %rem3A_597, %rem3A_600 : vector<16xi32>
    %mul3A_602 = arith.constant 4 : i32
    %mul3A_603 = vector.broadcast %mul3A_602 : i32 to vector<16xi32>
    %mul3A_604 = arith.muli %rem3A_601, %mul3A_603 : vector<16xi32>
    %add3A_605 = arith.addi %sub3A_598, %mul3A_604 : vector<16xi32>
    %div3A_606 = arith.constant 16384 : i32
    %div3A_607 = vector.broadcast %div3A_606 : i32 to vector<16xi32>
    %div3A_608 = arith.divsi %rem3A_597, %div3A_607 : vector<16xi32>
    %add3A_609 = arith.addi %add3A_605, %div3A_608 : vector<16xi32>
    %swap3A_610 = arith.constant 432 : index
    %swap3A_611 = tpu.vector_load %arg12[%swap3A_610] {strides = array<i32>} : memref<512xi32, #tpu.memory_space<vmem>>, vector<16xi32>,
    %swap3A_612 = vector.shape_cast %swap3A_611 : vector<16xi32> to vector<16xi32>
    %swap3A_613 = vector.shape_cast %add3A_609 : vector<16xi32> to vector<16xi32>
    tpu.vector_store %arg12[%swap3A_610], %swap3A_613 {strides = array<i32>} : memref<512xi32, #tpu.memory_space<vmem>>, vector<16xi32>,
    %get3A_614 = arith.constant 448 : index
    %get3A_615 = tpu.vector_load %arg11[%get3A_614] {strides = array<i32>} : memref<512xi32, #tpu.memory_space<vmem>>, vector<16xi32>,
    %get3A_616 = vector.shape_cast %get3A_615 : vector<16xi32> to vector<16xi32>
    %rem3A_617 = arith.constant 65536 : i32
    %rem3A_618 = vector.broadcast %rem3A_617 : i32 to vector<16xi32>
    %rem3A_619 = arith.remsi %get3A_616, %rem3A_618 : vector<16xi32>
    %sub3A_620 = arith.subi %get3A_616, %rem3A_619 : vector<16xi32>
    %rem3A_621 = arith.constant 16384 : i32
    %rem3A_622 = vector.broadcast %rem3A_621 : i32 to vector<16xi32>
    %rem3A_623 = arith.remsi %rem3A_619, %rem3A_622 : vector<16xi32>
    %mul3A_624 = arith.constant 4 : i32
    %mul3A_625 = vector.broadcast %mul3A_624 : i32 to vector<16xi32>
    %mul3A_626 = arith.muli %rem3A_623, %mul3A_625 : vector<16xi32>
    %add3A_627 = arith.addi %sub3A_620, %mul3A_626 : vector<16xi32>
    %div3A_628 = arith.constant 16384 : i32
    %div3A_629 = vector.broadcast %div3A_628 : i32 to vector<16xi32>
    %div3A_630 = arith.divsi %rem3A_619, %div3A_629 : vector<16xi32>
    %add3A_631 = arith.addi %add3A_627, %div3A_630 : vector<16xi32>
    %swap3A_632 = arith.constant 448 : index
    %swap3A_633 = tpu.vector_load %arg12[%swap3A_632] {strides = array<i32>} : memref<512xi32, #tpu.memory_space<vmem>>, vector<16xi32>,
    %swap3A_634 = vector.shape_cast %swap3A_633 : vector<16xi32> to vector<16xi32>
    %swap3A_635 = vector.shape_cast %add3A_631 : vector<16xi32> to vector<16xi32>
    tpu.vector_store %arg12[%swap3A_632], %swap3A_635 {strides = array<i32>} : memref<512xi32, #tpu.memory_space<vmem>>, vector<16xi32>,
    %get3A_636 = arith.constant 464 : index
    %get3A_637 = tpu.vector_load %arg11[%get3A_636] {strides = array<i32>} : memref<512xi32, #tpu.memory_space<vmem>>, vector<16xi32>,
    %get3A_638 = vector.shape_cast %get3A_637 : vector<16xi32> to vector<16xi32>
    %rem3A_639 = arith.constant 65536 : i32
    %rem3A_640 = vector.broadcast %rem3A_639 : i32 to vector<16xi32>
    %rem3A_641 = arith.remsi %get3A_638, %rem3A_640 : vector<16xi32>
    %sub3A_642 = arith.subi %get3A_638, %rem3A_641 : vector<16xi32>
    %rem3A_643 = arith.constant 16384 : i32
    %rem3A_644 = vector.broadcast %rem3A_643 : i32 to vector<16xi32>
    %rem3A_645 = arith.remsi %rem3A_641, %rem3A_644 : vector<16xi32>
    %mul3A_646 = arith.constant 4 : i32
    %mul3A_647 = vector.broadcast %mul3A_646 : i32 to vector<16xi32>
    %mul3A_648 = arith.muli %rem3A_645, %mul3A_647 : vector<16xi32>
    %add3A_649 = arith.addi %sub3A_642, %mul3A_648 : vector<16xi32>
    %div3A_650 = arith.constant 16384 : i32
    %div3A_651 = vector.broadcast %div3A_650 : i32 to vector<16xi32>
    %div3A_652 = arith.divsi %rem3A_641, %div3A_651 : vector<16xi32>
    %add3A_653 = arith.addi %add3A_649, %div3A_652 : vector<16xi32>
    %swap3A_654 = arith.constant 464 : index
    %swap3A_655 = tpu.vector_load %arg12[%swap3A_654] {strides = array<i32>} : memref<512xi32, #tpu.memory_space<vmem>>, vector<16xi32>,
    %swap3A_656 = vector.shape_cast %swap3A_655 : vector<16xi32> to vector<16xi32>
    %swap3A_657 = vector.shape_cast %add3A_653 : vector<16xi32> to vector<16xi32>
    tpu.vector_store %arg12[%swap3A_654], %swap3A_657 {strides = array<i32>} : memref<512xi32, #tpu.memory_space<vmem>>, vector<16xi32>,
    %get3A_658 = arith.constant 480 : index
    %get3A_659 = tpu.vector_load %arg11[%get3A_658] {strides = array<i32>} : memref<512xi32, #tpu.memory_space<vmem>>, vector<16xi32>,
    %get3A_660 = vector.shape_cast %get3A_659 : vector<16xi32> to vector<16xi32>
    %rem3A_661 = arith.constant 65536 : i32
    %rem3A_662 = vector.broadcast %rem3A_661 : i32 to vector<16xi32>
    %rem3A_663 = arith.remsi %get3A_660, %rem3A_662 : vector<16xi32>
    %sub3A_664 = arith.subi %get3A_660, %rem3A_663 : vector<16xi32>
    %rem3A_665 = arith.constant 16384 : i32
    %rem3A_666 = vector.broadcast %rem3A_665 : i32 to vector<16xi32>
    %rem3A_667 = arith.remsi %rem3A_663, %rem3A_666 : vector<16xi32>
    %mul3A_668 = arith.constant 4 : i32
    %mul3A_669 = vector.broadcast %mul3A_668 : i32 to vector<16xi32>
    %mul3A_670 = arith.muli %rem3A_667, %mul3A_669 : vector<16xi32>
    %add3A_671 = arith.addi %sub3A_664, %mul3A_670 : vector<16xi32>
    %div3A_672 = arith.constant 16384 : i32
    %div3A_673 = vector.broadcast %div3A_672 : i32 to vector<16xi32>
    %div3A_674 = arith.divsi %rem3A_663, %div3A_673 : vector<16xi32>
    %add3A_675 = arith.addi %add3A_671, %div3A_674 : vector<16xi32>
    %swap3A_676 = arith.constant 480 : index
    %swap3A_677 = tpu.vector_load %arg12[%swap3A_676] {strides = array<i32>} : memref<512xi32, #tpu.memory_space<vmem>>, vector<16xi32>,
    %swap3A_678 = vector.shape_cast %swap3A_677 : vector<16xi32> to vector<16xi32>
    %swap3A_679 = vector.shape_cast %add3A_675 : vector<16xi32> to vector<16xi32>
    tpu.vector_store %arg12[%swap3A_676], %swap3A_679 {strides = array<i32>} : memref<512xi32, #tpu.memory_space<vmem>>, vector<16xi32>,
    %get3A_680 = arith.constant 496 : index
    %get3A_681 = tpu.vector_load %arg11[%get3A_680] {strides = array<i32>} : memref<512xi32, #tpu.memory_space<vmem>>, vector<16xi32>,
    %get3A_682 = vector.shape_cast %get3A_681 : vector<16xi32> to vector<16xi32>
    %rem3A_683 = arith.constant 65536 : i32
    %rem3A_684 = vector.broadcast %rem3A_683 : i32 to vector<16xi32>
    %rem3A_685 = arith.remsi %get3A_682, %rem3A_684 : vector<16xi32>
    %sub3A_686 = arith.subi %get3A_682, %rem3A_685 : vector<16xi32>
    %rem3A_687 = arith.constant 16384 : i32
    %rem3A_688 = vector.broadcast %rem3A_687 : i32 to vector<16xi32>
    %rem3A_689 = arith.remsi %rem3A_685, %rem3A_688 : vector<16xi32>
    %mul3A_690 = arith.constant 4 : i32
    %mul3A_691 = vector.broadcast %mul3A_690 : i32 to vector<16xi32>
    %mul3A_692 = arith.muli %rem3A_689, %mul3A_691 : vector<16xi32>
    %add3A_693 = arith.addi %sub3A_686, %mul3A_692 : vector<16xi32>
    %div3A_694 = arith.constant 16384 : i32
    %div3A_695 = vector.broadcast %div3A_694 : i32 to vector<16xi32>
    %div3A_696 = arith.divsi %rem3A_685, %div3A_695 : vector<16xi32>
    %add3A_697 = arith.addi %add3A_693, %div3A_696 : vector<16xi32>
    %swap3A_698 = arith.constant 496 : index
    %swap3A_699 = tpu.vector_load %arg12[%swap3A_698] {strides = array<i32>} : memref<512xi32, #tpu.memory_space<vmem>>, vector<16xi32>,
    %swap3A_700 = vector.shape_cast %swap3A_699 : vector<16xi32> to vector<16xi32>
    %swap3A_701 = vector.shape_cast %add3A_697 : vector<16xi32> to vector<16xi32>
    tpu.vector_store %arg12[%swap3A_698], %swap3A_701 {strides = array<i32>} : memref<512xi32, #tpu.memory_space<vmem>>, vector<16xi32>,
    %dma_start3A = arith.constant 0 : i32
    %dma_start3A_702 = arith.constant 0 : i32
    %dma_start3A_703 = tpu.memref_slice %arg5[%dma_start3A, %dma_start3A_702] : memref<1048576x32xf32, #tpu.memory_space<hbm>> -> memref<1048576x32xf32, #tpu.memory_space<hbm>>
    tpu.enqueue_indirect_dma source(%dma_start3A_703 : memref<1048576x32xf32, #tpu.memory_space<hbm>>) target(%arg14 : memref<512x32xf32, #tpu.memory_space<vmem>>) offsets(%arg12 : memref<512xi32, #tpu.memory_space<vmem>>) semaphore(%arg17 : memref<!tpu.dma_semaphore, #tpu.memory_space<semaphore_mem>>)
    "tpu.region"() ({
      %run_scoped3A = tpu.sem_alloc : memref<!tpu.dma_semaphore, #tpu.memory_space<semaphore_mem>>
      %dma_start3A_2126 = tpu.memref_slice %arg3[%mul3A_2] : memref<16384xi32, #tpu.memory_space<hbm>> -> memref<512xi32, #tpu.memory_space<hbm>>
      %dma_start3A_2127 = tpu.memref_slice %arg3[%mul3A_2] : memref<16384xi32, #tpu.memory_space<hbm>> -> memref<512xi32, #tpu.memory_space<hbm>>
      tpu.enqueue_dma source(%dma_start3A_2127 : memref<512xi32, #tpu.memory_space<hbm>>) target(%arg11 : memref<512xi32, #tpu.memory_space<vmem>>) target_semaphore(%run_scoped3A : memref<!tpu.dma_semaphore, #tpu.memory_space<semaphore_mem>>)
      %dma_wait3A_2128 = tpu.memref_slice %arg3[%mul3A_2] : memref<16384xi32, #tpu.memory_space<hbm>> -> memref<512xi32, #tpu.memory_space<hbm>>
      %dma_wait3A_2129 = tpu.memref_slice %arg3[%mul3A_2] : memref<16384xi32, #tpu.memory_space<hbm>> -> memref<512xi32, #tpu.memory_space<hbm>>
      tpu.wait_dma2 semaphore(%run_scoped3A : memref<!tpu.dma_semaphore, #tpu.memory_space<semaphore_mem>>) src(%dma_wait3A_2129 : memref<512xi32, #tpu.memory_space<hbm>>) dst(%arg11 : memref<512xi32, #tpu.memory_space<vmem>>)
      tpu.yield
    }) : () -> ()
    %get3A_704 = arith.constant 0 : index
    %get3A_705 = tpu.vector_load %arg11[%get3A_704] {strides = array<i32>} : memref<512xi32, #tpu.memory_space<vmem>>, vector<16xi32>,
    %get3A_706 = vector.shape_cast %get3A_705 : vector<16xi32> to vector<16xi32>
    %rem3A_707 = arith.constant 16384 : i32
    %rem3A_708 = vector.broadcast %rem3A_707 : i32 to vector<16xi32>
    %rem3A_709 = arith.remsi %get3A_706, %rem3A_708 : vector<16xi32>
    %sub3A_710 = arith.subi %get3A_706, %rem3A_709 : vector<16xi32>
    %rem3A_711 = arith.constant 4096 : i32
    %rem3A_712 = vector.broadcast %rem3A_711 : i32 to vector<16xi32>
    %rem3A_713 = arith.remsi %rem3A_709, %rem3A_712 : vector<16xi32>
    %mul3A_714 = arith.constant 4 : i32
    %mul3A_715 = vector.broadcast %mul3A_714 : i32 to vector<16xi32>
    %mul3A_716 = arith.muli %rem3A_713, %mul3A_715 : vector<16xi32>
    %add3A_717 = arith.addi %sub3A_710, %mul3A_716 : vector<16xi32>
    %div3A_718 = arith.constant 4096 : i32
    %div3A_719 = vector.broadcast %div3A_718 : i32 to vector<16xi32>
    %div3A_720 = arith.divsi %rem3A_709, %div3A_719 : vector<16xi32>
    %add3A_721 = arith.addi %add3A_717, %div3A_720 : vector<16xi32>
    %swap3A_722 = arith.constant 0 : index
    %swap3A_723 = tpu.vector_load %arg13[%swap3A_722] {strides = array<i32>} : memref<512xi32, #tpu.memory_space<vmem>>, vector<16xi32>,
    %swap3A_724 = vector.shape_cast %swap3A_723 : vector<16xi32> to vector<16xi32>
    %swap3A_725 = vector.shape_cast %add3A_721 : vector<16xi32> to vector<16xi32>
    tpu.vector_store %arg13[%swap3A_722], %swap3A_725 {strides = array<i32>} : memref<512xi32, #tpu.memory_space<vmem>>, vector<16xi32>,
    %get3A_726 = arith.constant 16 : index
    %get3A_727 = tpu.vector_load %arg11[%get3A_726] {strides = array<i32>} : memref<512xi32, #tpu.memory_space<vmem>>, vector<16xi32>,
    %get3A_728 = vector.shape_cast %get3A_727 : vector<16xi32> to vector<16xi32>
    %rem3A_729 = arith.constant 16384 : i32
    %rem3A_730 = vector.broadcast %rem3A_729 : i32 to vector<16xi32>
    %rem3A_731 = arith.remsi %get3A_728, %rem3A_730 : vector<16xi32>
    %sub3A_732 = arith.subi %get3A_728, %rem3A_731 : vector<16xi32>
    %rem3A_733 = arith.constant 4096 : i32
    %rem3A_734 = vector.broadcast %rem3A_733 : i32 to vector<16xi32>
    %rem3A_735 = arith.remsi %rem3A_731, %rem3A_734 : vector<16xi32>
    %mul3A_736 = arith.constant 4 : i32
    %mul3A_737 = vector.broadcast %mul3A_736 : i32 to vector<16xi32>
    %mul3A_738 = arith.muli %rem3A_735, %mul3A_737 : vector<16xi32>
    %add3A_739 = arith.addi %sub3A_732, %mul3A_738 : vector<16xi32>
    %div3A_740 = arith.constant 4096 : i32
    %div3A_741 = vector.broadcast %div3A_740 : i32 to vector<16xi32>
    %div3A_742 = arith.divsi %rem3A_731, %div3A_741 : vector<16xi32>
    %add3A_743 = arith.addi %add3A_739, %div3A_742 : vector<16xi32>
    %swap3A_744 = arith.constant 16 : index
    %swap3A_745 = tpu.vector_load %arg13[%swap3A_744] {strides = array<i32>} : memref<512xi32, #tpu.memory_space<vmem>>, vector<16xi32>,
    %swap3A_746 = vector.shape_cast %swap3A_745 : vector<16xi32> to vector<16xi32>
    %swap3A_747 = vector.shape_cast %add3A_743 : vector<16xi32> to vector<16xi32>
    tpu.vector_store %arg13[%swap3A_744], %swap3A_747 {strides = array<i32>} : memref<512xi32, #tpu.memory_space<vmem>>, vector<16xi32>,
    %get3A_748 = arith.constant 32 : index
    %get3A_749 = tpu.vector_load %arg11[%get3A_748] {strides = array<i32>} : memref<512xi32, #tpu.memory_space<vmem>>, vector<16xi32>,
    %get3A_750 = vector.shape_cast %get3A_749 : vector<16xi32> to vector<16xi32>
    %rem3A_751 = arith.constant 16384 : i32
    %rem3A_752 = vector.broadcast %rem3A_751 : i32 to vector<16xi32>
    %rem3A_753 = arith.remsi %get3A_750, %rem3A_752 : vector<16xi32>
    %sub3A_754 = arith.subi %get3A_750, %rem3A_753 : vector<16xi32>
    %rem3A_755 = arith.constant 4096 : i32
    %rem3A_756 = vector.broadcast %rem3A_755 : i32 to vector<16xi32>
    %rem3A_757 = arith.remsi %rem3A_753, %rem3A_756 : vector<16xi32>
    %mul3A_758 = arith.constant 4 : i32
    %mul3A_759 = vector.broadcast %mul3A_758 : i32 to vector<16xi32>
    %mul3A_760 = arith.muli %rem3A_757, %mul3A_759 : vector<16xi32>
    %add3A_761 = arith.addi %sub3A_754, %mul3A_760 : vector<16xi32>
    %div3A_762 = arith.constant 4096 : i32
    %div3A_763 = vector.broadcast %div3A_762 : i32 to vector<16xi32>
    %div3A_764 = arith.divsi %rem3A_753, %div3A_763 : vector<16xi32>
    %add3A_765 = arith.addi %add3A_761, %div3A_764 : vector<16xi32>
    %swap3A_766 = arith.constant 32 : index
    %swap3A_767 = tpu.vector_load %arg13[%swap3A_766] {strides = array<i32>} : memref<512xi32, #tpu.memory_space<vmem>>, vector<16xi32>,
    %swap3A_768 = vector.shape_cast %swap3A_767 : vector<16xi32> to vector<16xi32>
    %swap3A_769 = vector.shape_cast %add3A_765 : vector<16xi32> to vector<16xi32>
    tpu.vector_store %arg13[%swap3A_766], %swap3A_769 {strides = array<i32>} : memref<512xi32, #tpu.memory_space<vmem>>, vector<16xi32>,
    %get3A_770 = arith.constant 48 : index
    %get3A_771 = tpu.vector_load %arg11[%get3A_770] {strides = array<i32>} : memref<512xi32, #tpu.memory_space<vmem>>, vector<16xi32>,
    %get3A_772 = vector.shape_cast %get3A_771 : vector<16xi32> to vector<16xi32>
    %rem3A_773 = arith.constant 16384 : i32
    %rem3A_774 = vector.broadcast %rem3A_773 : i32 to vector<16xi32>
    %rem3A_775 = arith.remsi %get3A_772, %rem3A_774 : vector<16xi32>
    %sub3A_776 = arith.subi %get3A_772, %rem3A_775 : vector<16xi32>
    %rem3A_777 = arith.constant 4096 : i32
    %rem3A_778 = vector.broadcast %rem3A_777 : i32 to vector<16xi32>
    %rem3A_779 = arith.remsi %rem3A_775, %rem3A_778 : vector<16xi32>
    %mul3A_780 = arith.constant 4 : i32
    %mul3A_781 = vector.broadcast %mul3A_780 : i32 to vector<16xi32>
    %mul3A_782 = arith.muli %rem3A_779, %mul3A_781 : vector<16xi32>
    %add3A_783 = arith.addi %sub3A_776, %mul3A_782 : vector<16xi32>
    %div3A_784 = arith.constant 4096 : i32
    %div3A_785 = vector.broadcast %div3A_784 : i32 to vector<16xi32>
    %div3A_786 = arith.divsi %rem3A_775, %div3A_785 : vector<16xi32>
    %add3A_787 = arith.addi %add3A_783, %div3A_786 : vector<16xi32>
    %swap3A_788 = arith.constant 48 : index
    %swap3A_789 = tpu.vector_load %arg13[%swap3A_788] {strides = array<i32>} : memref<512xi32, #tpu.memory_space<vmem>>, vector<16xi32>,
    %swap3A_790 = vector.shape_cast %swap3A_789 : vector<16xi32> to vector<16xi32>
    %swap3A_791 = vector.shape_cast %add3A_787 : vector<16xi32> to vector<16xi32>
    tpu.vector_store %arg13[%swap3A_788], %swap3A_791 {strides = array<i32>} : memref<512xi32, #tpu.memory_space<vmem>>, vector<16xi32>,
    %get3A_792 = arith.constant 64 : index
    %get3A_793 = tpu.vector_load %arg11[%get3A_792] {strides = array<i32>} : memref<512xi32, #tpu.memory_space<vmem>>, vector<16xi32>,
    %get3A_794 = vector.shape_cast %get3A_793 : vector<16xi32> to vector<16xi32>
    %rem3A_795 = arith.constant 16384 : i32
    %rem3A_796 = vector.broadcast %rem3A_795 : i32 to vector<16xi32>
    %rem3A_797 = arith.remsi %get3A_794, %rem3A_796 : vector<16xi32>
    %sub3A_798 = arith.subi %get3A_794, %rem3A_797 : vector<16xi32>
    %rem3A_799 = arith.constant 4096 : i32
    %rem3A_800 = vector.broadcast %rem3A_799 : i32 to vector<16xi32>
    %rem3A_801 = arith.remsi %rem3A_797, %rem3A_800 : vector<16xi32>
    %mul3A_802 = arith.constant 4 : i32
    %mul3A_803 = vector.broadcast %mul3A_802 : i32 to vector<16xi32>
    %mul3A_804 = arith.muli %rem3A_801, %mul3A_803 : vector<16xi32>
    %add3A_805 = arith.addi %sub3A_798, %mul3A_804 : vector<16xi32>
    %div3A_806 = arith.constant 4096 : i32
    %div3A_807 = vector.broadcast %div3A_806 : i32 to vector<16xi32>
    %div3A_808 = arith.divsi %rem3A_797, %div3A_807 : vector<16xi32>
    %add3A_809 = arith.addi %add3A_805, %div3A_808 : vector<16xi32>
    %swap3A_810 = arith.constant 64 : index
    %swap3A_811 = tpu.vector_load %arg13[%swap3A_810] {strides = array<i32>} : memref<512xi32, #tpu.memory_space<vmem>>, vector<16xi32>,
    %swap3A_812 = vector.shape_cast %swap3A_811 : vector<16xi32> to vector<16xi32>
    %swap3A_813 = vector.shape_cast %add3A_809 : vector<16xi32> to vector<16xi32>
    tpu.vector_store %arg13[%swap3A_810], %swap3A_813 {strides = array<i32>} : memref<512xi32, #tpu.memory_space<vmem>>, vector<16xi32>,
    %get3A_814 = arith.constant 80 : index
    %get3A_815 = tpu.vector_load %arg11[%get3A_814] {strides = array<i32>} : memref<512xi32, #tpu.memory_space<vmem>>, vector<16xi32>,
    %get3A_816 = vector.shape_cast %get3A_815 : vector<16xi32> to vector<16xi32>
    %rem3A_817 = arith.constant 16384 : i32
    %rem3A_818 = vector.broadcast %rem3A_817 : i32 to vector<16xi32>
    %rem3A_819 = arith.remsi %get3A_816, %rem3A_818 : vector<16xi32>
    %sub3A_820 = arith.subi %get3A_816, %rem3A_819 : vector<16xi32>
    %rem3A_821 = arith.constant 4096 : i32
    %rem3A_822 = vector.broadcast %rem3A_821 : i32 to vector<16xi32>
    %rem3A_823 = arith.remsi %rem3A_819, %rem3A_822 : vector<16xi32>
    %mul3A_824 = arith.constant 4 : i32
    %mul3A_825 = vector.broadcast %mul3A_824 : i32 to vector<16xi32>
    %mul3A_826 = arith.muli %rem3A_823, %mul3A_825 : vector<16xi32>
    %add3A_827 = arith.addi %sub3A_820, %mul3A_826 : vector<16xi32>
    %div3A_828 = arith.constant 4096 : i32
    %div3A_829 = vector.broadcast %div3A_828 : i32 to vector<16xi32>
    %div3A_830 = arith.divsi %rem3A_819, %div3A_829 : vector<16xi32>
    %add3A_831 = arith.addi %add3A_827, %div3A_830 : vector<16xi32>
    %swap3A_832 = arith.constant 80 : index
    %swap3A_833 = tpu.vector_load %arg13[%swap3A_832] {strides = array<i32>} : memref<512xi32, #tpu.memory_space<vmem>>, vector<16xi32>,
    %swap3A_834 = vector.shape_cast %swap3A_833 : vector<16xi32> to vector<16xi32>
    %swap3A_835 = vector.shape_cast %add3A_831 : vector<16xi32> to vector<16xi32>
    tpu.vector_store %arg13[%swap3A_832], %swap3A_835 {strides = array<i32>} : memref<512xi32, #tpu.memory_space<vmem>>, vector<16xi32>,
    %get3A_836 = arith.constant 96 : index
    %get3A_837 = tpu.vector_load %arg11[%get3A_836] {strides = array<i32>} : memref<512xi32, #tpu.memory_space<vmem>>, vector<16xi32>,
    %get3A_838 = vector.shape_cast %get3A_837 : vector<16xi32> to vector<16xi32>
    %rem3A_839 = arith.constant 16384 : i32
    %rem3A_840 = vector.broadcast %rem3A_839 : i32 to vector<16xi32>
    %rem3A_841 = arith.remsi %get3A_838, %rem3A_840 : vector<16xi32>
    %sub3A_842 = arith.subi %get3A_838, %rem3A_841 : vector<16xi32>
    %rem3A_843 = arith.constant 4096 : i32
    %rem3A_844 = vector.broadcast %rem3A_843 : i32 to vector<16xi32>
    %rem3A_845 = arith.remsi %rem3A_841, %rem3A_844 : vector<16xi32>
    %mul3A_846 = arith.constant 4 : i32
    %mul3A_847 = vector.broadcast %mul3A_846 : i32 to vector<16xi32>
    %mul3A_848 = arith.muli %rem3A_845, %mul3A_847 : vector<16xi32>
    %add3A_849 = arith.addi %sub3A_842, %mul3A_848 : vector<16xi32>
    %div3A_850 = arith.constant 4096 : i32
    %div3A_851 = vector.broadcast %div3A_850 : i32 to vector<16xi32>
    %div3A_852 = arith.divsi %rem3A_841, %div3A_851 : vector<16xi32>
    %add3A_853 = arith.addi %add3A_849, %div3A_852 : vector<16xi32>
    %swap3A_854 = arith.constant 96 : index
    %swap3A_855 = tpu.vector_load %arg13[%swap3A_854] {strides = array<i32>} : memref<512xi32, #tpu.memory_space<vmem>>, vector<16xi32>,
    %swap3A_856 = vector.shape_cast %swap3A_855 : vector<16xi32> to vector<16xi32>
    %swap3A_857 = vector.shape_cast %add3A_853 : vector<16xi32> to vector<16xi32>
    tpu.vector_store %arg13[%swap3A_854], %swap3A_857 {strides = array<i32>} : memref<512xi32, #tpu.memory_space<vmem>>, vector<16xi32>,
    %get3A_858 = arith.constant 112 : index
    %get3A_859 = tpu.vector_load %arg11[%get3A_858] {strides = array<i32>} : memref<512xi32, #tpu.memory_space<vmem>>, vector<16xi32>,
    %get3A_860 = vector.shape_cast %get3A_859 : vector<16xi32> to vector<16xi32>
    %rem3A_861 = arith.constant 16384 : i32
    %rem3A_862 = vector.broadcast %rem3A_861 : i32 to vector<16xi32>
    %rem3A_863 = arith.remsi %get3A_860, %rem3A_862 : vector<16xi32>
    %sub3A_864 = arith.subi %get3A_860, %rem3A_863 : vector<16xi32>
    %rem3A_865 = arith.constant 4096 : i32
    %rem3A_866 = vector.broadcast %rem3A_865 : i32 to vector<16xi32>
    %rem3A_867 = arith.remsi %rem3A_863, %rem3A_866 : vector<16xi32>
    %mul3A_868 = arith.constant 4 : i32
    %mul3A_869 = vector.broadcast %mul3A_868 : i32 to vector<16xi32>
    %mul3A_870 = arith.muli %rem3A_867, %mul3A_869 : vector<16xi32>
    %add3A_871 = arith.addi %sub3A_864, %mul3A_870 : vector<16xi32>
    %div3A_872 = arith.constant 4096 : i32
    %div3A_873 = vector.broadcast %div3A_872 : i32 to vector<16xi32>
    %div3A_874 = arith.divsi %rem3A_863, %div3A_873 : vector<16xi32>
    %add3A_875 = arith.addi %add3A_871, %div3A_874 : vector<16xi32>
    %swap3A_876 = arith.constant 112 : index
    %swap3A_877 = tpu.vector_load %arg13[%swap3A_876] {strides = array<i32>} : memref<512xi32, #tpu.memory_space<vmem>>, vector<16xi32>,
    %swap3A_878 = vector.shape_cast %swap3A_877 : vector<16xi32> to vector<16xi32>
    %swap3A_879 = vector.shape_cast %add3A_875 : vector<16xi32> to vector<16xi32>
    tpu.vector_store %arg13[%swap3A_876], %swap3A_879 {strides = array<i32>} : memref<512xi32, #tpu.memory_space<vmem>>, vector<16xi32>,
    %get3A_880 = arith.constant 128 : index
    %get3A_881 = tpu.vector_load %arg11[%get3A_880] {strides = array<i32>} : memref<512xi32, #tpu.memory_space<vmem>>, vector<16xi32>,
    %get3A_882 = vector.shape_cast %get3A_881 : vector<16xi32> to vector<16xi32>
    %rem3A_883 = arith.constant 16384 : i32
    %rem3A_884 = vector.broadcast %rem3A_883 : i32 to vector<16xi32>
    %rem3A_885 = arith.remsi %get3A_882, %rem3A_884 : vector<16xi32>
    %sub3A_886 = arith.subi %get3A_882, %rem3A_885 : vector<16xi32>
    %rem3A_887 = arith.constant 4096 : i32
    %rem3A_888 = vector.broadcast %rem3A_887 : i32 to vector<16xi32>
    %rem3A_889 = arith.remsi %rem3A_885, %rem3A_888 : vector<16xi32>
    %mul3A_890 = arith.constant 4 : i32
    %mul3A_891 = vector.broadcast %mul3A_890 : i32 to vector<16xi32>
    %mul3A_892 = arith.muli %rem3A_889, %mul3A_891 : vector<16xi32>
    %add3A_893 = arith.addi %sub3A_886, %mul3A_892 : vector<16xi32>
    %div3A_894 = arith.constant 4096 : i32
    %div3A_895 = vector.broadcast %div3A_894 : i32 to vector<16xi32>
    %div3A_896 = arith.divsi %rem3A_885, %div3A_895 : vector<16xi32>
    %add3A_897 = arith.addi %add3A_893, %div3A_896 : vector<16xi32>
    %swap3A_898 = arith.constant 128 : index
    %swap3A_899 = tpu.vector_load %arg13[%swap3A_898] {strides = array<i32>} : memref<512xi32, #tpu.memory_space<vmem>>, vector<16xi32>,
    %swap3A_900 = vector.shape_cast %swap3A_899 : vector<16xi32> to vector<16xi32>
    %swap3A_901 = vector.shape_cast %add3A_897 : vector<16xi32> to vector<16xi32>
    tpu.vector_store %arg13[%swap3A_898], %swap3A_901 {strides = array<i32>} : memref<512xi32, #tpu.memory_space<vmem>>, vector<16xi32>,
    %get3A_902 = arith.constant 144 : index
    %get3A_903 = tpu.vector_load %arg11[%get3A_902] {strides = array<i32>} : memref<512xi32, #tpu.memory_space<vmem>>, vector<16xi32>,
    %get3A_904 = vector.shape_cast %get3A_903 : vector<16xi32> to vector<16xi32>
    %rem3A_905 = arith.constant 16384 : i32
    %rem3A_906 = vector.broadcast %rem3A_905 : i32 to vector<16xi32>
    %rem3A_907 = arith.remsi %get3A_904, %rem3A_906 : vector<16xi32>
    %sub3A_908 = arith.subi %get3A_904, %rem3A_907 : vector<16xi32>
    %rem3A_909 = arith.constant 4096 : i32
    %rem3A_910 = vector.broadcast %rem3A_909 : i32 to vector<16xi32>
    %rem3A_911 = arith.remsi %rem3A_907, %rem3A_910 : vector<16xi32>
    %mul3A_912 = arith.constant 4 : i32
    %mul3A_913 = vector.broadcast %mul3A_912 : i32 to vector<16xi32>
    %mul3A_914 = arith.muli %rem3A_911, %mul3A_913 : vector<16xi32>
    %add3A_915 = arith.addi %sub3A_908, %mul3A_914 : vector<16xi32>
    %div3A_916 = arith.constant 4096 : i32
    %div3A_917 = vector.broadcast %div3A_916 : i32 to vector<16xi32>
    %div3A_918 = arith.divsi %rem3A_907, %div3A_917 : vector<16xi32>
    %add3A_919 = arith.addi %add3A_915, %div3A_918 : vector<16xi32>
    %swap3A_920 = arith.constant 144 : index
    %swap3A_921 = tpu.vector_load %arg13[%swap3A_920] {strides = array<i32>} : memref<512xi32, #tpu.memory_space<vmem>>, vector<16xi32>,
    %swap3A_922 = vector.shape_cast %swap3A_921 : vector<16xi32> to vector<16xi32>
    %swap3A_923 = vector.shape_cast %add3A_919 : vector<16xi32> to vector<16xi32>
    tpu.vector_store %arg13[%swap3A_920], %swap3A_923 {strides = array<i32>} : memref<512xi32, #tpu.memory_space<vmem>>, vector<16xi32>,
    %get3A_924 = arith.constant 160 : index
    %get3A_925 = tpu.vector_load %arg11[%get3A_924] {strides = array<i32>} : memref<512xi32, #tpu.memory_space<vmem>>, vector<16xi32>,
    %get3A_926 = vector.shape_cast %get3A_925 : vector<16xi32> to vector<16xi32>
    %rem3A_927 = arith.constant 16384 : i32
    %rem3A_928 = vector.broadcast %rem3A_927 : i32 to vector<16xi32>
    %rem3A_929 = arith.remsi %get3A_926, %rem3A_928 : vector<16xi32>
    %sub3A_930 = arith.subi %get3A_926, %rem3A_929 : vector<16xi32>
    %rem3A_931 = arith.constant 4096 : i32
    %rem3A_932 = vector.broadcast %rem3A_931 : i32 to vector<16xi32>
    %rem3A_933 = arith.remsi %rem3A_929, %rem3A_932 : vector<16xi32>
    %mul3A_934 = arith.constant 4 : i32
    %mul3A_935 = vector.broadcast %mul3A_934 : i32 to vector<16xi32>
    %mul3A_936 = arith.muli %rem3A_933, %mul3A_935 : vector<16xi32>
    %add3A_937 = arith.addi %sub3A_930, %mul3A_936 : vector<16xi32>
    %div3A_938 = arith.constant 4096 : i32
    %div3A_939 = vector.broadcast %div3A_938 : i32 to vector<16xi32>
    %div3A_940 = arith.divsi %rem3A_929, %div3A_939 : vector<16xi32>
    %add3A_941 = arith.addi %add3A_937, %div3A_940 : vector<16xi32>
    %swap3A_942 = arith.constant 160 : index
    %swap3A_943 = tpu.vector_load %arg13[%swap3A_942] {strides = array<i32>} : memref<512xi32, #tpu.memory_space<vmem>>, vector<16xi32>,
    %swap3A_944 = vector.shape_cast %swap3A_943 : vector<16xi32> to vector<16xi32>
    %swap3A_945 = vector.shape_cast %add3A_941 : vector<16xi32> to vector<16xi32>
    tpu.vector_store %arg13[%swap3A_942], %swap3A_945 {strides = array<i32>} : memref<512xi32, #tpu.memory_space<vmem>>, vector<16xi32>,
    %get3A_946 = arith.constant 176 : index
    %get3A_947 = tpu.vector_load %arg11[%get3A_946] {strides = array<i32>} : memref<512xi32, #tpu.memory_space<vmem>>, vector<16xi32>,
    %get3A_948 = vector.shape_cast %get3A_947 : vector<16xi32> to vector<16xi32>
    %rem3A_949 = arith.constant 16384 : i32
    %rem3A_950 = vector.broadcast %rem3A_949 : i32 to vector<16xi32>
    %rem3A_951 = arith.remsi %get3A_948, %rem3A_950 : vector<16xi32>
    %sub3A_952 = arith.subi %get3A_948, %rem3A_951 : vector<16xi32>
    %rem3A_953 = arith.constant 4096 : i32
    %rem3A_954 = vector.broadcast %rem3A_953 : i32 to vector<16xi32>
    %rem3A_955 = arith.remsi %rem3A_951, %rem3A_954 : vector<16xi32>
    %mul3A_956 = arith.constant 4 : i32
    %mul3A_957 = vector.broadcast %mul3A_956 : i32 to vector<16xi32>
    %mul3A_958 = arith.muli %rem3A_955, %mul3A_957 : vector<16xi32>
    %add3A_959 = arith.addi %sub3A_952, %mul3A_958 : vector<16xi32>
    %div3A_960 = arith.constant 4096 : i32
    %div3A_961 = vector.broadcast %div3A_960 : i32 to vector<16xi32>
    %div3A_962 = arith.divsi %rem3A_951, %div3A_961 : vector<16xi32>
    %add3A_963 = arith.addi %add3A_959, %div3A_962 : vector<16xi32>
    %swap3A_964 = arith.constant 176 : index
    %swap3A_965 = tpu.vector_load %arg13[%swap3A_964] {strides = array<i32>} : memref<512xi32, #tpu.memory_space<vmem>>, vector<16xi32>,
    %swap3A_966 = vector.shape_cast %swap3A_965 : vector<16xi32> to vector<16xi32>
    %swap3A_967 = vector.shape_cast %add3A_963 : vector<16xi32> to vector<16xi32>
    tpu.vector_store %arg13[%swap3A_964], %swap3A_967 {strides = array<i32>} : memref<512xi32, #tpu.memory_space<vmem>>, vector<16xi32>,
    %get3A_968 = arith.constant 192 : index
    %get3A_969 = tpu.vector_load %arg11[%get3A_968] {strides = array<i32>} : memref<512xi32, #tpu.memory_space<vmem>>, vector<16xi32>,
    %get3A_970 = vector.shape_cast %get3A_969 : vector<16xi32> to vector<16xi32>
    %rem3A_971 = arith.constant 16384 : i32
    %rem3A_972 = vector.broadcast %rem3A_971 : i32 to vector<16xi32>
    %rem3A_973 = arith.remsi %get3A_970, %rem3A_972 : vector<16xi32>
    %sub3A_974 = arith.subi %get3A_970, %rem3A_973 : vector<16xi32>
    %rem3A_975 = arith.constant 4096 : i32
    %rem3A_976 = vector.broadcast %rem3A_975 : i32 to vector<16xi32>
    %rem3A_977 = arith.remsi %rem3A_973, %rem3A_976 : vector<16xi32>
    %mul3A_978 = arith.constant 4 : i32
    %mul3A_979 = vector.broadcast %mul3A_978 : i32 to vector<16xi32>
    %mul3A_980 = arith.muli %rem3A_977, %mul3A_979 : vector<16xi32>
    %add3A_981 = arith.addi %sub3A_974, %mul3A_980 : vector<16xi32>
    %div3A_982 = arith.constant 4096 : i32
    %div3A_983 = vector.broadcast %div3A_982 : i32 to vector<16xi32>
    %div3A_984 = arith.divsi %rem3A_973, %div3A_983 : vector<16xi32>
    %add3A_985 = arith.addi %add3A_981, %div3A_984 : vector<16xi32>
    %swap3A_986 = arith.constant 192 : index
    %swap3A_987 = tpu.vector_load %arg13[%swap3A_986] {strides = array<i32>} : memref<512xi32, #tpu.memory_space<vmem>>, vector<16xi32>,
    %swap3A_988 = vector.shape_cast %swap3A_987 : vector<16xi32> to vector<16xi32>
    %swap3A_989 = vector.shape_cast %add3A_985 : vector<16xi32> to vector<16xi32>
    tpu.vector_store %arg13[%swap3A_986], %swap3A_989 {strides = array<i32>} : memref<512xi32, #tpu.memory_space<vmem>>, vector<16xi32>,
    %get3A_990 = arith.constant 208 : index
    %get3A_991 = tpu.vector_load %arg11[%get3A_990] {strides = array<i32>} : memref<512xi32, #tpu.memory_space<vmem>>, vector<16xi32>,
    %get3A_992 = vector.shape_cast %get3A_991 : vector<16xi32> to vector<16xi32>
    %rem3A_993 = arith.constant 16384 : i32
    %rem3A_994 = vector.broadcast %rem3A_993 : i32 to vector<16xi32>
    %rem3A_995 = arith.remsi %get3A_992, %rem3A_994 : vector<16xi32>
    %sub3A_996 = arith.subi %get3A_992, %rem3A_995 : vector<16xi32>
    %rem3A_997 = arith.constant 4096 : i32
    %rem3A_998 = vector.broadcast %rem3A_997 : i32 to vector<16xi32>
    %rem3A_999 = arith.remsi %rem3A_995, %rem3A_998 : vector<16xi32>
    %mul3A_1000 = arith.constant 4 : i32
    %mul3A_1001 = vector.broadcast %mul3A_1000 : i32 to vector<16xi32>
    %mul3A_1002 = arith.muli %rem3A_999, %mul3A_1001 : vector<16xi32>
    %add3A_1003 = arith.addi %sub3A_996, %mul3A_1002 : vector<16xi32>
    %div3A_1004 = arith.constant 4096 : i32
    %div3A_1005 = vector.broadcast %div3A_1004 : i32 to vector<16xi32>
    %div3A_1006 = arith.divsi %rem3A_995, %div3A_1005 : vector<16xi32>
    %add3A_1007 = arith.addi %add3A_1003, %div3A_1006 : vector<16xi32>
    %swap3A_1008 = arith.constant 208 : index
    %swap3A_1009 = tpu.vector_load %arg13[%swap3A_1008] {strides = array<i32>} : memref<512xi32, #tpu.memory_space<vmem>>, vector<16xi32>,
    %swap3A_1010 = vector.shape_cast %swap3A_1009 : vector<16xi32> to vector<16xi32>
    %swap3A_1011 = vector.shape_cast %add3A_1007 : vector<16xi32> to vector<16xi32>
    tpu.vector_store %arg13[%swap3A_1008], %swap3A_1011 {strides = array<i32>} : memref<512xi32, #tpu.memory_space<vmem>>, vector<16xi32>,
    %get3A_1012 = arith.constant 224 : index
    %get3A_1013 = tpu.vector_load %arg11[%get3A_1012] {strides = array<i32>} : memref<512xi32, #tpu.memory_space<vmem>>, vector<16xi32>,
    %get3A_1014 = vector.shape_cast %get3A_1013 : vector<16xi32> to vector<16xi32>
    %rem3A_1015 = arith.constant 16384 : i32
    %rem3A_1016 = vector.broadcast %rem3A_1015 : i32 to vector<16xi32>
    %rem3A_1017 = arith.remsi %get3A_1014, %rem3A_1016 : vector<16xi32>
    %sub3A_1018 = arith.subi %get3A_1014, %rem3A_1017 : vector<16xi32>
    %rem3A_1019 = arith.constant 4096 : i32
    %rem3A_1020 = vector.broadcast %rem3A_1019 : i32 to vector<16xi32>
    %rem3A_1021 = arith.remsi %rem3A_1017, %rem3A_1020 : vector<16xi32>
    %mul3A_1022 = arith.constant 4 : i32
    %mul3A_1023 = vector.broadcast %mul3A_1022 : i32 to vector<16xi32>
    %mul3A_1024 = arith.muli %rem3A_1021, %mul3A_1023 : vector<16xi32>
    %add3A_1025 = arith.addi %sub3A_1018, %mul3A_1024 : vector<16xi32>
    %div3A_1026 = arith.constant 4096 : i32
    %div3A_1027 = vector.broadcast %div3A_1026 : i32 to vector<16xi32>
    %div3A_1028 = arith.divsi %rem3A_1017, %div3A_1027 : vector<16xi32>
    %add3A_1029 = arith.addi %add3A_1025, %div3A_1028 : vector<16xi32>
    %swap3A_1030 = arith.constant 224 : index
    %swap3A_1031 = tpu.vector_load %arg13[%swap3A_1030] {strides = array<i32>} : memref<512xi32, #tpu.memory_space<vmem>>, vector<16xi32>,
    %swap3A_1032 = vector.shape_cast %swap3A_1031 : vector<16xi32> to vector<16xi32>
    %swap3A_1033 = vector.shape_cast %add3A_1029 : vector<16xi32> to vector<16xi32>
    tpu.vector_store %arg13[%swap3A_1030], %swap3A_1033 {strides = array<i32>} : memref<512xi32, #tpu.memory_space<vmem>>, vector<16xi32>,
    %get3A_1034 = arith.constant 240 : index
    %get3A_1035 = tpu.vector_load %arg11[%get3A_1034] {strides = array<i32>} : memref<512xi32, #tpu.memory_space<vmem>>, vector<16xi32>,
    %get3A_1036 = vector.shape_cast %get3A_1035 : vector<16xi32> to vector<16xi32>
    %rem3A_1037 = arith.constant 16384 : i32
    %rem3A_1038 = vector.broadcast %rem3A_1037 : i32 to vector<16xi32>
    %rem3A_1039 = arith.remsi %get3A_1036, %rem3A_1038 : vector<16xi32>
    %sub3A_1040 = arith.subi %get3A_1036, %rem3A_1039 : vector<16xi32>
    %rem3A_1041 = arith.constant 4096 : i32
    %rem3A_1042 = vector.broadcast %rem3A_1041 : i32 to vector<16xi32>
    %rem3A_1043 = arith.remsi %rem3A_1039, %rem3A_1042 : vector<16xi32>
    %mul3A_1044 = arith.constant 4 : i32
    %mul3A_1045 = vector.broadcast %mul3A_1044 : i32 to vector<16xi32>
    %mul3A_1046 = arith.muli %rem3A_1043, %mul3A_1045 : vector<16xi32>
    %add3A_1047 = arith.addi %sub3A_1040, %mul3A_1046 : vector<16xi32>
    %div3A_1048 = arith.constant 4096 : i32
    %div3A_1049 = vector.broadcast %div3A_1048 : i32 to vector<16xi32>
    %div3A_1050 = arith.divsi %rem3A_1039, %div3A_1049 : vector<16xi32>
    %add3A_1051 = arith.addi %add3A_1047, %div3A_1050 : vector<16xi32>
    %swap3A_1052 = arith.constant 240 : index
    %swap3A_1053 = tpu.vector_load %arg13[%swap3A_1052] {strides = array<i32>} : memref<512xi32, #tpu.memory_space<vmem>>, vector<16xi32>,
    %swap3A_1054 = vector.shape_cast %swap3A_1053 : vector<16xi32> to vector<16xi32>
    %swap3A_1055 = vector.shape_cast %add3A_1051 : vector<16xi32> to vector<16xi32>
    tpu.vector_store %arg13[%swap3A_1052], %swap3A_1055 {strides = array<i32>} : memref<512xi32, #tpu.memory_space<vmem>>, vector<16xi32>,
    %get3A_1056 = arith.constant 256 : index
    %get3A_1057 = tpu.vector_load %arg11[%get3A_1056] {strides = array<i32>} : memref<512xi32, #tpu.memory_space<vmem>>, vector<16xi32>,
    %get3A_1058 = vector.shape_cast %get3A_1057 : vector<16xi32> to vector<16xi32>
    %rem3A_1059 = arith.constant 16384 : i32
    %rem3A_1060 = vector.broadcast %rem3A_1059 : i32 to vector<16xi32>
    %rem3A_1061 = arith.remsi %get3A_1058, %rem3A_1060 : vector<16xi32>
    %sub3A_1062 = arith.subi %get3A_1058, %rem3A_1061 : vector<16xi32>
    %rem3A_1063 = arith.constant 4096 : i32
    %rem3A_1064 = vector.broadcast %rem3A_1063 : i32 to vector<16xi32>
    %rem3A_1065 = arith.remsi %rem3A_1061, %rem3A_1064 : vector<16xi32>
    %mul3A_1066 = arith.constant 4 : i32
    %mul3A_1067 = vector.broadcast %mul3A_1066 : i32 to vector<16xi32>
    %mul3A_1068 = arith.muli %rem3A_1065, %mul3A_1067 : vector<16xi32>
    %add3A_1069 = arith.addi %sub3A_1062, %mul3A_1068 : vector<16xi32>
    %div3A_1070 = arith.constant 4096 : i32
    %div3A_1071 = vector.broadcast %div3A_1070 : i32 to vector<16xi32>
    %div3A_1072 = arith.divsi %rem3A_1061, %div3A_1071 : vector<16xi32>
    %add3A_1073 = arith.addi %add3A_1069, %div3A_1072 : vector<16xi32>
    %swap3A_1074 = arith.constant 256 : index
    %swap3A_1075 = tpu.vector_load %arg13[%swap3A_1074] {strides = array<i32>} : memref<512xi32, #tpu.memory_space<vmem>>, vector<16xi32>,
    %swap3A_1076 = vector.shape_cast %swap3A_1075 : vector<16xi32> to vector<16xi32>
    %swap3A_1077 = vector.shape_cast %add3A_1073 : vector<16xi32> to vector<16xi32>
    tpu.vector_store %arg13[%swap3A_1074], %swap3A_1077 {strides = array<i32>} : memref<512xi32, #tpu.memory_space<vmem>>, vector<16xi32>,
    %get3A_1078 = arith.constant 272 : index
    %get3A_1079 = tpu.vector_load %arg11[%get3A_1078] {strides = array<i32>} : memref<512xi32, #tpu.memory_space<vmem>>, vector<16xi32>,
    %get3A_1080 = vector.shape_cast %get3A_1079 : vector<16xi32> to vector<16xi32>
    %rem3A_1081 = arith.constant 16384 : i32
    %rem3A_1082 = vector.broadcast %rem3A_1081 : i32 to vector<16xi32>
    %rem3A_1083 = arith.remsi %get3A_1080, %rem3A_1082 : vector<16xi32>
    %sub3A_1084 = arith.subi %get3A_1080, %rem3A_1083 : vector<16xi32>
    %rem3A_1085 = arith.constant 4096 : i32
    %rem3A_1086 = vector.broadcast %rem3A_1085 : i32 to vector<16xi32>
    %rem3A_1087 = arith.remsi %rem3A_1083, %rem3A_1086 : vector<16xi32>
    %mul3A_1088 = arith.constant 4 : i32
    %mul3A_1089 = vector.broadcast %mul3A_1088 : i32 to vector<16xi32>
    %mul3A_1090 = arith.muli %rem3A_1087, %mul3A_1089 : vector<16xi32>
    %add3A_1091 = arith.addi %sub3A_1084, %mul3A_1090 : vector<16xi32>
    %div3A_1092 = arith.constant 4096 : i32
    %div3A_1093 = vector.broadcast %div3A_1092 : i32 to vector<16xi32>
    %div3A_1094 = arith.divsi %rem3A_1083, %div3A_1093 : vector<16xi32>
    %add3A_1095 = arith.addi %add3A_1091, %div3A_1094 : vector<16xi32>
    %swap3A_1096 = arith.constant 272 : index
    %swap3A_1097 = tpu.vector_load %arg13[%swap3A_1096] {strides = array<i32>} : memref<512xi32, #tpu.memory_space<vmem>>, vector<16xi32>,
    %swap3A_1098 = vector.shape_cast %swap3A_1097 : vector<16xi32> to vector<16xi32>
    %swap3A_1099 = vector.shape_cast %add3A_1095 : vector<16xi32> to vector<16xi32>
    tpu.vector_store %arg13[%swap3A_1096], %swap3A_1099 {strides = array<i32>} : memref<512xi32, #tpu.memory_space<vmem>>, vector<16xi32>,
    %get3A_1100 = arith.constant 288 : index
    %get3A_1101 = tpu.vector_load %arg11[%get3A_1100] {strides = array<i32>} : memref<512xi32, #tpu.memory_space<vmem>>, vector<16xi32>,
    %get3A_1102 = vector.shape_cast %get3A_1101 : vector<16xi32> to vector<16xi32>
    %rem3A_1103 = arith.constant 16384 : i32
    %rem3A_1104 = vector.broadcast %rem3A_1103 : i32 to vector<16xi32>
    %rem3A_1105 = arith.remsi %get3A_1102, %rem3A_1104 : vector<16xi32>
    %sub3A_1106 = arith.subi %get3A_1102, %rem3A_1105 : vector<16xi32>
    %rem3A_1107 = arith.constant 4096 : i32
    %rem3A_1108 = vector.broadcast %rem3A_1107 : i32 to vector<16xi32>
    %rem3A_1109 = arith.remsi %rem3A_1105, %rem3A_1108 : vector<16xi32>
    %mul3A_1110 = arith.constant 4 : i32
    %mul3A_1111 = vector.broadcast %mul3A_1110 : i32 to vector<16xi32>
    %mul3A_1112 = arith.muli %rem3A_1109, %mul3A_1111 : vector<16xi32>
    %add3A_1113 = arith.addi %sub3A_1106, %mul3A_1112 : vector<16xi32>
    %div3A_1114 = arith.constant 4096 : i32
    %div3A_1115 = vector.broadcast %div3A_1114 : i32 to vector<16xi32>
    %div3A_1116 = arith.divsi %rem3A_1105, %div3A_1115 : vector<16xi32>
    %add3A_1117 = arith.addi %add3A_1113, %div3A_1116 : vector<16xi32>
    %swap3A_1118 = arith.constant 288 : index
    %swap3A_1119 = tpu.vector_load %arg13[%swap3A_1118] {strides = array<i32>} : memref<512xi32, #tpu.memory_space<vmem>>, vector<16xi32>,
    %swap3A_1120 = vector.shape_cast %swap3A_1119 : vector<16xi32> to vector<16xi32>
    %swap3A_1121 = vector.shape_cast %add3A_1117 : vector<16xi32> to vector<16xi32>
    tpu.vector_store %arg13[%swap3A_1118], %swap3A_1121 {strides = array<i32>} : memref<512xi32, #tpu.memory_space<vmem>>, vector<16xi32>,
    %get3A_1122 = arith.constant 304 : index
    %get3A_1123 = tpu.vector_load %arg11[%get3A_1122] {strides = array<i32>} : memref<512xi32, #tpu.memory_space<vmem>>, vector<16xi32>,
    %get3A_1124 = vector.shape_cast %get3A_1123 : vector<16xi32> to vector<16xi32>
    %rem3A_1125 = arith.constant 16384 : i32
    %rem3A_1126 = vector.broadcast %rem3A_1125 : i32 to vector<16xi32>
    %rem3A_1127 = arith.remsi %get3A_1124, %rem3A_1126 : vector<16xi32>
    %sub3A_1128 = arith.subi %get3A_1124, %rem3A_1127 : vector<16xi32>
    %rem3A_1129 = arith.constant 4096 : i32
    %rem3A_1130 = vector.broadcast %rem3A_1129 : i32 to vector<16xi32>
    %rem3A_1131 = arith.remsi %rem3A_1127, %rem3A_1130 : vector<16xi32>
    %mul3A_1132 = arith.constant 4 : i32
    %mul3A_1133 = vector.broadcast %mul3A_1132 : i32 to vector<16xi32>
    %mul3A_1134 = arith.muli %rem3A_1131, %mul3A_1133 : vector<16xi32>
    %add3A_1135 = arith.addi %sub3A_1128, %mul3A_1134 : vector<16xi32>
    %div3A_1136 = arith.constant 4096 : i32
    %div3A_1137 = vector.broadcast %div3A_1136 : i32 to vector<16xi32>
    %div3A_1138 = arith.divsi %rem3A_1127, %div3A_1137 : vector<16xi32>
    %add3A_1139 = arith.addi %add3A_1135, %div3A_1138 : vector<16xi32>
    %swap3A_1140 = arith.constant 304 : index
    %swap3A_1141 = tpu.vector_load %arg13[%swap3A_1140] {strides = array<i32>} : memref<512xi32, #tpu.memory_space<vmem>>, vector<16xi32>,
    %swap3A_1142 = vector.shape_cast %swap3A_1141 : vector<16xi32> to vector<16xi32>
    %swap3A_1143 = vector.shape_cast %add3A_1139 : vector<16xi32> to vector<16xi32>
    tpu.vector_store %arg13[%swap3A_1140], %swap3A_1143 {strides = array<i32>} : memref<512xi32, #tpu.memory_space<vmem>>, vector<16xi32>,
    %get3A_1144 = arith.constant 320 : index
    %get3A_1145 = tpu.vector_load %arg11[%get3A_1144] {strides = array<i32>} : memref<512xi32, #tpu.memory_space<vmem>>, vector<16xi32>,
    %get3A_1146 = vector.shape_cast %get3A_1145 : vector<16xi32> to vector<16xi32>
    %rem3A_1147 = arith.constant 16384 : i32
    %rem3A_1148 = vector.broadcast %rem3A_1147 : i32 to vector<16xi32>
    %rem3A_1149 = arith.remsi %get3A_1146, %rem3A_1148 : vector<16xi32>
    %sub3A_1150 = arith.subi %get3A_1146, %rem3A_1149 : vector<16xi32>
    %rem3A_1151 = arith.constant 4096 : i32
    %rem3A_1152 = vector.broadcast %rem3A_1151 : i32 to vector<16xi32>
    %rem3A_1153 = arith.remsi %rem3A_1149, %rem3A_1152 : vector<16xi32>
    %mul3A_1154 = arith.constant 4 : i32
    %mul3A_1155 = vector.broadcast %mul3A_1154 : i32 to vector<16xi32>
    %mul3A_1156 = arith.muli %rem3A_1153, %mul3A_1155 : vector<16xi32>
    %add3A_1157 = arith.addi %sub3A_1150, %mul3A_1156 : vector<16xi32>
    %div3A_1158 = arith.constant 4096 : i32
    %div3A_1159 = vector.broadcast %div3A_1158 : i32 to vector<16xi32>
    %div3A_1160 = arith.divsi %rem3A_1149, %div3A_1159 : vector<16xi32>
    %add3A_1161 = arith.addi %add3A_1157, %div3A_1160 : vector<16xi32>
    %swap3A_1162 = arith.constant 320 : index
    %swap3A_1163 = tpu.vector_load %arg13[%swap3A_1162] {strides = array<i32>} : memref<512xi32, #tpu.memory_space<vmem>>, vector<16xi32>,
    %swap3A_1164 = vector.shape_cast %swap3A_1163 : vector<16xi32> to vector<16xi32>
    %swap3A_1165 = vector.shape_cast %add3A_1161 : vector<16xi32> to vector<16xi32>
    tpu.vector_store %arg13[%swap3A_1162], %swap3A_1165 {strides = array<i32>} : memref<512xi32, #tpu.memory_space<vmem>>, vector<16xi32>,
    %get3A_1166 = arith.constant 336 : index
    %get3A_1167 = tpu.vector_load %arg11[%get3A_1166] {strides = array<i32>} : memref<512xi32, #tpu.memory_space<vmem>>, vector<16xi32>,
    %get3A_1168 = vector.shape_cast %get3A_1167 : vector<16xi32> to vector<16xi32>
    %rem3A_1169 = arith.constant 16384 : i32
    %rem3A_1170 = vector.broadcast %rem3A_1169 : i32 to vector<16xi32>
    %rem3A_1171 = arith.remsi %get3A_1168, %rem3A_1170 : vector<16xi32>
    %sub3A_1172 = arith.subi %get3A_1168, %rem3A_1171 : vector<16xi32>
    %rem3A_1173 = arith.constant 4096 : i32
    %rem3A_1174 = vector.broadcast %rem3A_1173 : i32 to vector<16xi32>
    %rem3A_1175 = arith.remsi %rem3A_1171, %rem3A_1174 : vector<16xi32>
    %mul3A_1176 = arith.constant 4 : i32
    %mul3A_1177 = vector.broadcast %mul3A_1176 : i32 to vector<16xi32>
    %mul3A_1178 = arith.muli %rem3A_1175, %mul3A_1177 : vector<16xi32>
    %add3A_1179 = arith.addi %sub3A_1172, %mul3A_1178 : vector<16xi32>
    %div3A_1180 = arith.constant 4096 : i32
    %div3A_1181 = vector.broadcast %div3A_1180 : i32 to vector<16xi32>
    %div3A_1182 = arith.divsi %rem3A_1171, %div3A_1181 : vector<16xi32>
    %add3A_1183 = arith.addi %add3A_1179, %div3A_1182 : vector<16xi32>
    %swap3A_1184 = arith.constant 336 : index
    %swap3A_1185 = tpu.vector_load %arg13[%swap3A_1184] {strides = array<i32>} : memref<512xi32, #tpu.memory_space<vmem>>, vector<16xi32>,
    %swap3A_1186 = vector.shape_cast %swap3A_1185 : vector<16xi32> to vector<16xi32>
    %swap3A_1187 = vector.shape_cast %add3A_1183 : vector<16xi32> to vector<16xi32>
    tpu.vector_store %arg13[%swap3A_1184], %swap3A_1187 {strides = array<i32>} : memref<512xi32, #tpu.memory_space<vmem>>, vector<16xi32>,
    %get3A_1188 = arith.constant 352 : index
    %get3A_1189 = tpu.vector_load %arg11[%get3A_1188] {strides = array<i32>} : memref<512xi32, #tpu.memory_space<vmem>>, vector<16xi32>,
    %get3A_1190 = vector.shape_cast %get3A_1189 : vector<16xi32> to vector<16xi32>
    %rem3A_1191 = arith.constant 16384 : i32
    %rem3A_1192 = vector.broadcast %rem3A_1191 : i32 to vector<16xi32>
    %rem3A_1193 = arith.remsi %get3A_1190, %rem3A_1192 : vector<16xi32>
    %sub3A_1194 = arith.subi %get3A_1190, %rem3A_1193 : vector<16xi32>
    %rem3A_1195 = arith.constant 4096 : i32
    %rem3A_1196 = vector.broadcast %rem3A_1195 : i32 to vector<16xi32>
    %rem3A_1197 = arith.remsi %rem3A_1193, %rem3A_1196 : vector<16xi32>
    %mul3A_1198 = arith.constant 4 : i32
    %mul3A_1199 = vector.broadcast %mul3A_1198 : i32 to vector<16xi32>
    %mul3A_1200 = arith.muli %rem3A_1197, %mul3A_1199 : vector<16xi32>
    %add3A_1201 = arith.addi %sub3A_1194, %mul3A_1200 : vector<16xi32>
    %div3A_1202 = arith.constant 4096 : i32
    %div3A_1203 = vector.broadcast %div3A_1202 : i32 to vector<16xi32>
    %div3A_1204 = arith.divsi %rem3A_1193, %div3A_1203 : vector<16xi32>
    %add3A_1205 = arith.addi %add3A_1201, %div3A_1204 : vector<16xi32>
    %swap3A_1206 = arith.constant 352 : index
    %swap3A_1207 = tpu.vector_load %arg13[%swap3A_1206] {strides = array<i32>} : memref<512xi32, #tpu.memory_space<vmem>>, vector<16xi32>,
    %swap3A_1208 = vector.shape_cast %swap3A_1207 : vector<16xi32> to vector<16xi32>
    %swap3A_1209 = vector.shape_cast %add3A_1205 : vector<16xi32> to vector<16xi32>
    tpu.vector_store %arg13[%swap3A_1206], %swap3A_1209 {strides = array<i32>} : memref<512xi32, #tpu.memory_space<vmem>>, vector<16xi32>,
    %get3A_1210 = arith.constant 368 : index
    %get3A_1211 = tpu.vector_load %arg11[%get3A_1210] {strides = array<i32>} : memref<512xi32, #tpu.memory_space<vmem>>, vector<16xi32>,
    %get3A_1212 = vector.shape_cast %get3A_1211 : vector<16xi32> to vector<16xi32>
    %rem3A_1213 = arith.constant 16384 : i32
    %rem3A_1214 = vector.broadcast %rem3A_1213 : i32 to vector<16xi32>
    %rem3A_1215 = arith.remsi %get3A_1212, %rem3A_1214 : vector<16xi32>
    %sub3A_1216 = arith.subi %get3A_1212, %rem3A_1215 : vector<16xi32>
    %rem3A_1217 = arith.constant 4096 : i32
    %rem3A_1218 = vector.broadcast %rem3A_1217 : i32 to vector<16xi32>
    %rem3A_1219 = arith.remsi %rem3A_1215, %rem3A_1218 : vector<16xi32>
    %mul3A_1220 = arith.constant 4 : i32
    %mul3A_1221 = vector.broadcast %mul3A_1220 : i32 to vector<16xi32>
    %mul3A_1222 = arith.muli %rem3A_1219, %mul3A_1221 : vector<16xi32>
    %add3A_1223 = arith.addi %sub3A_1216, %mul3A_1222 : vector<16xi32>
    %div3A_1224 = arith.constant 4096 : i32
    %div3A_1225 = vector.broadcast %div3A_1224 : i32 to vector<16xi32>
    %div3A_1226 = arith.divsi %rem3A_1215, %div3A_1225 : vector<16xi32>
    %add3A_1227 = arith.addi %add3A_1223, %div3A_1226 : vector<16xi32>
    %swap3A_1228 = arith.constant 368 : index
    %swap3A_1229 = tpu.vector_load %arg13[%swap3A_1228] {strides = array<i32>} : memref<512xi32, #tpu.memory_space<vmem>>, vector<16xi32>,
    %swap3A_1230 = vector.shape_cast %swap3A_1229 : vector<16xi32> to vector<16xi32>
    %swap3A_1231 = vector.shape_cast %add3A_1227 : vector<16xi32> to vector<16xi32>
    tpu.vector_store %arg13[%swap3A_1228], %swap3A_1231 {strides = array<i32>} : memref<512xi32, #tpu.memory_space<vmem>>, vector<16xi32>,
    %get3A_1232 = arith.constant 384 : index
    %get3A_1233 = tpu.vector_load %arg11[%get3A_1232] {strides = array<i32>} : memref<512xi32, #tpu.memory_space<vmem>>, vector<16xi32>,
    %get3A_1234 = vector.shape_cast %get3A_1233 : vector<16xi32> to vector<16xi32>
    %rem3A_1235 = arith.constant 16384 : i32
    %rem3A_1236 = vector.broadcast %rem3A_1235 : i32 to vector<16xi32>
    %rem3A_1237 = arith.remsi %get3A_1234, %rem3A_1236 : vector<16xi32>
    %sub3A_1238 = arith.subi %get3A_1234, %rem3A_1237 : vector<16xi32>
    %rem3A_1239 = arith.constant 4096 : i32
    %rem3A_1240 = vector.broadcast %rem3A_1239 : i32 to vector<16xi32>
    %rem3A_1241 = arith.remsi %rem3A_1237, %rem3A_1240 : vector<16xi32>
    %mul3A_1242 = arith.constant 4 : i32
    %mul3A_1243 = vector.broadcast %mul3A_1242 : i32 to vector<16xi32>
    %mul3A_1244 = arith.muli %rem3A_1241, %mul3A_1243 : vector<16xi32>
    %add3A_1245 = arith.addi %sub3A_1238, %mul3A_1244 : vector<16xi32>
    %div3A_1246 = arith.constant 4096 : i32
    %div3A_1247 = vector.broadcast %div3A_1246 : i32 to vector<16xi32>
    %div3A_1248 = arith.divsi %rem3A_1237, %div3A_1247 : vector<16xi32>
    %add3A_1249 = arith.addi %add3A_1245, %div3A_1248 : vector<16xi32>
    %swap3A_1250 = arith.constant 384 : index
    %swap3A_1251 = tpu.vector_load %arg13[%swap3A_1250] {strides = array<i32>} : memref<512xi32, #tpu.memory_space<vmem>>, vector<16xi32>,
    %swap3A_1252 = vector.shape_cast %swap3A_1251 : vector<16xi32> to vector<16xi32>
    %swap3A_1253 = vector.shape_cast %add3A_1249 : vector<16xi32> to vector<16xi32>
    tpu.vector_store %arg13[%swap3A_1250], %swap3A_1253 {strides = array<i32>} : memref<512xi32, #tpu.memory_space<vmem>>, vector<16xi32>,
    %get3A_1254 = arith.constant 400 : index
    %get3A_1255 = tpu.vector_load %arg11[%get3A_1254] {strides = array<i32>} : memref<512xi32, #tpu.memory_space<vmem>>, vector<16xi32>,
    %get3A_1256 = vector.shape_cast %get3A_1255 : vector<16xi32> to vector<16xi32>
    %rem3A_1257 = arith.constant 16384 : i32
    %rem3A_1258 = vector.broadcast %rem3A_1257 : i32 to vector<16xi32>
    %rem3A_1259 = arith.remsi %get3A_1256, %rem3A_1258 : vector<16xi32>
    %sub3A_1260 = arith.subi %get3A_1256, %rem3A_1259 : vector<16xi32>
    %rem3A_1261 = arith.constant 4096 : i32
    %rem3A_1262 = vector.broadcast %rem3A_1261 : i32 to vector<16xi32>
    %rem3A_1263 = arith.remsi %rem3A_1259, %rem3A_1262 : vector<16xi32>
    %mul3A_1264 = arith.constant 4 : i32
    %mul3A_1265 = vector.broadcast %mul3A_1264 : i32 to vector<16xi32>
    %mul3A_1266 = arith.muli %rem3A_1263, %mul3A_1265 : vector<16xi32>
    %add3A_1267 = arith.addi %sub3A_1260, %mul3A_1266 : vector<16xi32>
    %div3A_1268 = arith.constant 4096 : i32
    %div3A_1269 = vector.broadcast %div3A_1268 : i32 to vector<16xi32>
    %div3A_1270 = arith.divsi %rem3A_1259, %div3A_1269 : vector<16xi32>
    %add3A_1271 = arith.addi %add3A_1267, %div3A_1270 : vector<16xi32>
    %swap3A_1272 = arith.constant 400 : index
    %swap3A_1273 = tpu.vector_load %arg13[%swap3A_1272] {strides = array<i32>} : memref<512xi32, #tpu.memory_space<vmem>>, vector<16xi32>,
    %swap3A_1274 = vector.shape_cast %swap3A_1273 : vector<16xi32> to vector<16xi32>
    %swap3A_1275 = vector.shape_cast %add3A_1271 : vector<16xi32> to vector<16xi32>
    tpu.vector_store %arg13[%swap3A_1272], %swap3A_1275 {strides = array<i32>} : memref<512xi32, #tpu.memory_space<vmem>>, vector<16xi32>,
    %get3A_1276 = arith.constant 416 : index
    %get3A_1277 = tpu.vector_load %arg11[%get3A_1276] {strides = array<i32>} : memref<512xi32, #tpu.memory_space<vmem>>, vector<16xi32>,
    %get3A_1278 = vector.shape_cast %get3A_1277 : vector<16xi32> to vector<16xi32>
    %rem3A_1279 = arith.constant 16384 : i32
    %rem3A_1280 = vector.broadcast %rem3A_1279 : i32 to vector<16xi32>
    %rem3A_1281 = arith.remsi %get3A_1278, %rem3A_1280 : vector<16xi32>
    %sub3A_1282 = arith.subi %get3A_1278, %rem3A_1281 : vector<16xi32>
    %rem3A_1283 = arith.constant 4096 : i32
    %rem3A_1284 = vector.broadcast %rem3A_1283 : i32 to vector<16xi32>
    %rem3A_1285 = arith.remsi %rem3A_1281, %rem3A_1284 : vector<16xi32>
    %mul3A_1286 = arith.constant 4 : i32
    %mul3A_1287 = vector.broadcast %mul3A_1286 : i32 to vector<16xi32>
    %mul3A_1288 = arith.muli %rem3A_1285, %mul3A_1287 : vector<16xi32>
    %add3A_1289 = arith.addi %sub3A_1282, %mul3A_1288 : vector<16xi32>
    %div3A_1290 = arith.constant 4096 : i32
    %div3A_1291 = vector.broadcast %div3A_1290 : i32 to vector<16xi32>
    %div3A_1292 = arith.divsi %rem3A_1281, %div3A_1291 : vector<16xi32>
    %add3A_1293 = arith.addi %add3A_1289, %div3A_1292 : vector<16xi32>
    %swap3A_1294 = arith.constant 416 : index
    %swap3A_1295 = tpu.vector_load %arg13[%swap3A_1294] {strides = array<i32>} : memref<512xi32, #tpu.memory_space<vmem>>, vector<16xi32>,
    %swap3A_1296 = vector.shape_cast %swap3A_1295 : vector<16xi32> to vector<16xi32>
    %swap3A_1297 = vector.shape_cast %add3A_1293 : vector<16xi32> to vector<16xi32>
    tpu.vector_store %arg13[%swap3A_1294], %swap3A_1297 {strides = array<i32>} : memref<512xi32, #tpu.memory_space<vmem>>, vector<16xi32>,
    %get3A_1298 = arith.constant 432 : index
    %get3A_1299 = tpu.vector_load %arg11[%get3A_1298] {strides = array<i32>} : memref<512xi32, #tpu.memory_space<vmem>>, vector<16xi32>,
    %get3A_1300 = vector.shape_cast %get3A_1299 : vector<16xi32> to vector<16xi32>
    %rem3A_1301 = arith.constant 16384 : i32
    %rem3A_1302 = vector.broadcast %rem3A_1301 : i32 to vector<16xi32>
    %rem3A_1303 = arith.remsi %get3A_1300, %rem3A_1302 : vector<16xi32>
    %sub3A_1304 = arith.subi %get3A_1300, %rem3A_1303 : vector<16xi32>
    %rem3A_1305 = arith.constant 4096 : i32
    %rem3A_1306 = vector.broadcast %rem3A_1305 : i32 to vector<16xi32>
    %rem3A_1307 = arith.remsi %rem3A_1303, %rem3A_1306 : vector<16xi32>
    %mul3A_1308 = arith.constant 4 : i32
    %mul3A_1309 = vector.broadcast %mul3A_1308 : i32 to vector<16xi32>
    %mul3A_1310 = arith.muli %rem3A_1307, %mul3A_1309 : vector<16xi32>
    %add3A_1311 = arith.addi %sub3A_1304, %mul3A_1310 : vector<16xi32>
    %div3A_1312 = arith.constant 4096 : i32
    %div3A_1313 = vector.broadcast %div3A_1312 : i32 to vector<16xi32>
    %div3A_1314 = arith.divsi %rem3A_1303, %div3A_1313 : vector<16xi32>
    %add3A_1315 = arith.addi %add3A_1311, %div3A_1314 : vector<16xi32>
    %swap3A_1316 = arith.constant 432 : index
    %swap3A_1317 = tpu.vector_load %arg13[%swap3A_1316] {strides = array<i32>} : memref<512xi32, #tpu.memory_space<vmem>>, vector<16xi32>,
    %swap3A_1318 = vector.shape_cast %swap3A_1317 : vector<16xi32> to vector<16xi32>
    %swap3A_1319 = vector.shape_cast %add3A_1315 : vector<16xi32> to vector<16xi32>
    tpu.vector_store %arg13[%swap3A_1316], %swap3A_1319 {strides = array<i32>} : memref<512xi32, #tpu.memory_space<vmem>>, vector<16xi32>,
    %get3A_1320 = arith.constant 448 : index
    %get3A_1321 = tpu.vector_load %arg11[%get3A_1320] {strides = array<i32>} : memref<512xi32, #tpu.memory_space<vmem>>, vector<16xi32>,
    %get3A_1322 = vector.shape_cast %get3A_1321 : vector<16xi32> to vector<16xi32>
    %rem3A_1323 = arith.constant 16384 : i32
    %rem3A_1324 = vector.broadcast %rem3A_1323 : i32 to vector<16xi32>
    %rem3A_1325 = arith.remsi %get3A_1322, %rem3A_1324 : vector<16xi32>
    %sub3A_1326 = arith.subi %get3A_1322, %rem3A_1325 : vector<16xi32>
    %rem3A_1327 = arith.constant 4096 : i32
    %rem3A_1328 = vector.broadcast %rem3A_1327 : i32 to vector<16xi32>
    %rem3A_1329 = arith.remsi %rem3A_1325, %rem3A_1328 : vector<16xi32>
    %mul3A_1330 = arith.constant 4 : i32
    %mul3A_1331 = vector.broadcast %mul3A_1330 : i32 to vector<16xi32>
    %mul3A_1332 = arith.muli %rem3A_1329, %mul3A_1331 : vector<16xi32>
    %add3A_1333 = arith.addi %sub3A_1326, %mul3A_1332 : vector<16xi32>
    %div3A_1334 = arith.constant 4096 : i32
    %div3A_1335 = vector.broadcast %div3A_1334 : i32 to vector<16xi32>
    %div3A_1336 = arith.divsi %rem3A_1325, %div3A_1335 : vector<16xi32>
    %add3A_1337 = arith.addi %add3A_1333, %div3A_1336 : vector<16xi32>
    %swap3A_1338 = arith.constant 448 : index
    %swap3A_1339 = tpu.vector_load %arg13[%swap3A_1338] {strides = array<i32>} : memref<512xi32, #tpu.memory_space<vmem>>, vector<16xi32>,
    %swap3A_1340 = vector.shape_cast %swap3A_1339 : vector<16xi32> to vector<16xi32>
    %swap3A_1341 = vector.shape_cast %add3A_1337 : vector<16xi32> to vector<16xi32>
    tpu.vector_store %arg13[%swap3A_1338], %swap3A_1341 {strides = array<i32>} : memref<512xi32, #tpu.memory_space<vmem>>, vector<16xi32>,
    %get3A_1342 = arith.constant 464 : index
    %get3A_1343 = tpu.vector_load %arg11[%get3A_1342] {strides = array<i32>} : memref<512xi32, #tpu.memory_space<vmem>>, vector<16xi32>,
    %get3A_1344 = vector.shape_cast %get3A_1343 : vector<16xi32> to vector<16xi32>
    %rem3A_1345 = arith.constant 16384 : i32
    %rem3A_1346 = vector.broadcast %rem3A_1345 : i32 to vector<16xi32>
    %rem3A_1347 = arith.remsi %get3A_1344, %rem3A_1346 : vector<16xi32>
    %sub3A_1348 = arith.subi %get3A_1344, %rem3A_1347 : vector<16xi32>
    %rem3A_1349 = arith.constant 4096 : i32
    %rem3A_1350 = vector.broadcast %rem3A_1349 : i32 to vector<16xi32>
    %rem3A_1351 = arith.remsi %rem3A_1347, %rem3A_1350 : vector<16xi32>
    %mul3A_1352 = arith.constant 4 : i32
    %mul3A_1353 = vector.broadcast %mul3A_1352 : i32 to vector<16xi32>
    %mul3A_1354 = arith.muli %rem3A_1351, %mul3A_1353 : vector<16xi32>
    %add3A_1355 = arith.addi %sub3A_1348, %mul3A_1354 : vector<16xi32>
    %div3A_1356 = arith.constant 4096 : i32
    %div3A_1357 = vector.broadcast %div3A_1356 : i32 to vector<16xi32>
    %div3A_1358 = arith.divsi %rem3A_1347, %div3A_1357 : vector<16xi32>
    %add3A_1359 = arith.addi %add3A_1355, %div3A_1358 : vector<16xi32>
    %swap3A_1360 = arith.constant 464 : index
    %swap3A_1361 = tpu.vector_load %arg13[%swap3A_1360] {strides = array<i32>} : memref<512xi32, #tpu.memory_space<vmem>>, vector<16xi32>,
    %swap3A_1362 = vector.shape_cast %swap3A_1361 : vector<16xi32> to vector<16xi32>
    %swap3A_1363 = vector.shape_cast %add3A_1359 : vector<16xi32> to vector<16xi32>
    tpu.vector_store %arg13[%swap3A_1360], %swap3A_1363 {strides = array<i32>} : memref<512xi32, #tpu.memory_space<vmem>>, vector<16xi32>,
    %get3A_1364 = arith.constant 480 : index
    %get3A_1365 = tpu.vector_load %arg11[%get3A_1364] {strides = array<i32>} : memref<512xi32, #tpu.memory_space<vmem>>, vector<16xi32>,
    %get3A_1366 = vector.shape_cast %get3A_1365 : vector<16xi32> to vector<16xi32>
    %rem3A_1367 = arith.constant 16384 : i32
    %rem3A_1368 = vector.broadcast %rem3A_1367 : i32 to vector<16xi32>
    %rem3A_1369 = arith.remsi %get3A_1366, %rem3A_1368 : vector<16xi32>
    %sub3A_1370 = arith.subi %get3A_1366, %rem3A_1369 : vector<16xi32>
    %rem3A_1371 = arith.constant 4096 : i32
    %rem3A_1372 = vector.broadcast %rem3A_1371 : i32 to vector<16xi32>
    %rem3A_1373 = arith.remsi %rem3A_1369, %rem3A_1372 : vector<16xi32>
    %mul3A_1374 = arith.constant 4 : i32
    %mul3A_1375 = vector.broadcast %mul3A_1374 : i32 to vector<16xi32>
    %mul3A_1376 = arith.muli %rem3A_1373, %mul3A_1375 : vector<16xi32>
    %add3A_1377 = arith.addi %sub3A_1370, %mul3A_1376 : vector<16xi32>
    %div3A_1378 = arith.constant 4096 : i32
    %div3A_1379 = vector.broadcast %div3A_1378 : i32 to vector<16xi32>
    %div3A_1380 = arith.divsi %rem3A_1369, %div3A_1379 : vector<16xi32>
    %add3A_1381 = arith.addi %add3A_1377, %div3A_1380 : vector<16xi32>
    %swap3A_1382 = arith.constant 480 : index
    %swap3A_1383 = tpu.vector_load %arg13[%swap3A_1382] {strides = array<i32>} : memref<512xi32, #tpu.memory_space<vmem>>, vector<16xi32>,
    %swap3A_1384 = vector.shape_cast %swap3A_1383 : vector<16xi32> to vector<16xi32>
    %swap3A_1385 = vector.shape_cast %add3A_1381 : vector<16xi32> to vector<16xi32>
    tpu.vector_store %arg13[%swap3A_1382], %swap3A_1385 {strides = array<i32>} : memref<512xi32, #tpu.memory_space<vmem>>, vector<16xi32>,
    %get3A_1386 = arith.constant 496 : index
    %get3A_1387 = tpu.vector_load %arg11[%get3A_1386] {strides = array<i32>} : memref<512xi32, #tpu.memory_space<vmem>>, vector<16xi32>,
    %get3A_1388 = vector.shape_cast %get3A_1387 : vector<16xi32> to vector<16xi32>
    %rem3A_1389 = arith.constant 16384 : i32
    %rem3A_1390 = vector.broadcast %rem3A_1389 : i32 to vector<16xi32>
    %rem3A_1391 = arith.remsi %get3A_1388, %rem3A_1390 : vector<16xi32>
    %sub3A_1392 = arith.subi %get3A_1388, %rem3A_1391 : vector<16xi32>
    %rem3A_1393 = arith.constant 4096 : i32
    %rem3A_1394 = vector.broadcast %rem3A_1393 : i32 to vector<16xi32>
    %rem3A_1395 = arith.remsi %rem3A_1391, %rem3A_1394 : vector<16xi32>
    %mul3A_1396 = arith.constant 4 : i32
    %mul3A_1397 = vector.broadcast %mul3A_1396 : i32 to vector<16xi32>
    %mul3A_1398 = arith.muli %rem3A_1395, %mul3A_1397 : vector<16xi32>
    %add3A_1399 = arith.addi %sub3A_1392, %mul3A_1398 : vector<16xi32>
    %div3A_1400 = arith.constant 4096 : i32
    %div3A_1401 = vector.broadcast %div3A_1400 : i32 to vector<16xi32>
    %div3A_1402 = arith.divsi %rem3A_1391, %div3A_1401 : vector<16xi32>
    %add3A_1403 = arith.addi %add3A_1399, %div3A_1402 : vector<16xi32>
    %swap3A_1404 = arith.constant 496 : index
    %swap3A_1405 = tpu.vector_load %arg13[%swap3A_1404] {strides = array<i32>} : memref<512xi32, #tpu.memory_space<vmem>>, vector<16xi32>,
    %swap3A_1406 = vector.shape_cast %swap3A_1405 : vector<16xi32> to vector<16xi32>
    %swap3A_1407 = vector.shape_cast %add3A_1403 : vector<16xi32> to vector<16xi32>
    tpu.vector_store %arg13[%swap3A_1404], %swap3A_1407 {strides = array<i32>} : memref<512xi32, #tpu.memory_space<vmem>>, vector<16xi32>,
    %dma_start3A_1408 = arith.constant 0 : i32
    %dma_start3A_1409 = arith.constant 0 : i32
    %dma_start3A_1410 = tpu.memref_slice %arg6[%dma_start3A_1408, %dma_start3A_1409] : memref<114688x32xf32, #tpu.memory_space<hbm>> -> memref<114688x32xf32, #tpu.memory_space<hbm>>
    tpu.enqueue_indirect_dma source(%dma_start3A_1410 : memref<114688x32xf32, #tpu.memory_space<hbm>>) target(%arg15 : memref<512x32xf32, #tpu.memory_space<vmem>>) offsets(%arg13 : memref<512xi32, #tpu.memory_space<vmem>>) semaphore(%arg18 : memref<!tpu.dma_semaphore, #tpu.memory_space<semaphore_mem>>)
    "tpu.region"() ({
      %run_scoped3A = tpu.sem_alloc : memref<!tpu.dma_semaphore, #tpu.memory_space<semaphore_mem>>
      %dma_start3A_2126 = tpu.memref_slice %arg4[%mul3A_2] : memref<16384xi32, #tpu.memory_space<hbm>> -> memref<512xi32, #tpu.memory_space<hbm>>
      %dma_start3A_2127 = tpu.memref_slice %arg4[%mul3A_2] : memref<16384xi32, #tpu.memory_space<hbm>> -> memref<512xi32, #tpu.memory_space<hbm>>
      tpu.enqueue_dma source(%dma_start3A_2127 : memref<512xi32, #tpu.memory_space<hbm>>) target(%arg11 : memref<512xi32, #tpu.memory_space<vmem>>) target_semaphore(%run_scoped3A : memref<!tpu.dma_semaphore, #tpu.memory_space<semaphore_mem>>)
      %dma_wait3A_2128 = tpu.memref_slice %arg4[%mul3A_2] : memref<16384xi32, #tpu.memory_space<hbm>> -> memref<512xi32, #tpu.memory_space<hbm>>
      %dma_wait3A_2129 = tpu.memref_slice %arg4[%mul3A_2] : memref<16384xi32, #tpu.memory_space<hbm>> -> memref<512xi32, #tpu.memory_space<hbm>>
      tpu.wait_dma2 semaphore(%run_scoped3A : memref<!tpu.dma_semaphore, #tpu.memory_space<semaphore_mem>>) src(%dma_wait3A_2129 : memref<512xi32, #tpu.memory_space<hbm>>) dst(%arg11 : memref<512xi32, #tpu.memory_space<vmem>>)
      tpu.yield
    }) : () -> ()
    %get3A_1411 = arith.constant 0 : index
    %get3A_1412 = tpu.vector_load %arg11[%get3A_1411] {strides = array<i32>} : memref<512xi32, #tpu.memory_space<vmem>>, vector<16xi32>,
    %get3A_1413 = vector.shape_cast %get3A_1412 : vector<16xi32> to vector<16xi32>
    %rem3A_1414 = arith.constant 1024 : i32
    %rem3A_1415 = vector.broadcast %rem3A_1414 : i32 to vector<16xi32>
    %rem3A_1416 = arith.remsi %get3A_1413, %rem3A_1415 : vector<16xi32>
    %sub3A_1417 = arith.subi %get3A_1413, %rem3A_1416 : vector<16xi32>
    %rem3A_1418 = arith.constant 128 : i32
    %rem3A_1419 = vector.broadcast %rem3A_1418 : i32 to vector<16xi32>
    %rem3A_1420 = arith.remsi %rem3A_1416, %rem3A_1419 : vector<16xi32>
    %mul3A_1421 = arith.constant 8 : i32
    %mul3A_1422 = vector.broadcast %mul3A_1421 : i32 to vector<16xi32>
    %mul3A_1423 = arith.muli %rem3A_1420, %mul3A_1422 : vector<16xi32>
    %add3A_1424 = arith.addi %sub3A_1417, %mul3A_1423 : vector<16xi32>
    %div3A_1425 = arith.constant 128 : i32
    %div3A_1426 = vector.broadcast %div3A_1425 : i32 to vector<16xi32>
    %div3A_1427 = arith.divsi %rem3A_1416, %div3A_1426 : vector<16xi32>
    %add3A_1428 = arith.addi %add3A_1424, %div3A_1427 : vector<16xi32>
    %swap3A_1429 = arith.constant 0 : index
    %swap3A_1430 = tpu.vector_load %arg11[%swap3A_1429] {strides = array<i32>} : memref<512xi32, #tpu.memory_space<vmem>>, vector<16xi32>,
    %swap3A_1431 = vector.shape_cast %swap3A_1430 : vector<16xi32> to vector<16xi32>
    %swap3A_1432 = vector.shape_cast %add3A_1428 : vector<16xi32> to vector<16xi32>
    tpu.vector_store %arg11[%swap3A_1429], %swap3A_1432 {strides = array<i32>} : memref<512xi32, #tpu.memory_space<vmem>>, vector<16xi32>,
    %get3A_1433 = arith.constant 16 : index
    %get3A_1434 = tpu.vector_load %arg11[%get3A_1433] {strides = array<i32>} : memref<512xi32, #tpu.memory_space<vmem>>, vector<16xi32>,
    %get3A_1435 = vector.shape_cast %get3A_1434 : vector<16xi32> to vector<16xi32>
    %rem3A_1436 = arith.constant 1024 : i32
    %rem3A_1437 = vector.broadcast %rem3A_1436 : i32 to vector<16xi32>
    %rem3A_1438 = arith.remsi %get3A_1435, %rem3A_1437 : vector<16xi32>
    %sub3A_1439 = arith.subi %get3A_1435, %rem3A_1438 : vector<16xi32>
    %rem3A_1440 = arith.constant 128 : i32
    %rem3A_1441 = vector.broadcast %rem3A_1440 : i32 to vector<16xi32>
    %rem3A_1442 = arith.remsi %rem3A_1438, %rem3A_1441 : vector<16xi32>
    %mul3A_1443 = arith.constant 8 : i32
    %mul3A_1444 = vector.broadcast %mul3A_1443 : i32 to vector<16xi32>
    %mul3A_1445 = arith.muli %rem3A_1442, %mul3A_1444 : vector<16xi32>
    %add3A_1446 = arith.addi %sub3A_1439, %mul3A_1445 : vector<16xi32>
    %div3A_1447 = arith.constant 128 : i32
    %div3A_1448 = vector.broadcast %div3A_1447 : i32 to vector<16xi32>
    %div3A_1449 = arith.divsi %rem3A_1438, %div3A_1448 : vector<16xi32>
    %add3A_1450 = arith.addi %add3A_1446, %div3A_1449 : vector<16xi32>
    %swap3A_1451 = arith.constant 16 : index
    %swap3A_1452 = tpu.vector_load %arg11[%swap3A_1451] {strides = array<i32>} : memref<512xi32, #tpu.memory_space<vmem>>, vector<16xi32>,
    %swap3A_1453 = vector.shape_cast %swap3A_1452 : vector<16xi32> to vector<16xi32>
    %swap3A_1454 = vector.shape_cast %add3A_1450 : vector<16xi32> to vector<16xi32>
    tpu.vector_store %arg11[%swap3A_1451], %swap3A_1454 {strides = array<i32>} : memref<512xi32, #tpu.memory_space<vmem>>, vector<16xi32>,
    %get3A_1455 = arith.constant 32 : index
    %get3A_1456 = tpu.vector_load %arg11[%get3A_1455] {strides = array<i32>} : memref<512xi32, #tpu.memory_space<vmem>>, vector<16xi32>,
    %get3A_1457 = vector.shape_cast %get3A_1456 : vector<16xi32> to vector<16xi32>
    %rem3A_1458 = arith.constant 1024 : i32
    %rem3A_1459 = vector.broadcast %rem3A_1458 : i32 to vector<16xi32>
    %rem3A_1460 = arith.remsi %get3A_1457, %rem3A_1459 : vector<16xi32>
    %sub3A_1461 = arith.subi %get3A_1457, %rem3A_1460 : vector<16xi32>
    %rem3A_1462 = arith.constant 128 : i32
    %rem3A_1463 = vector.broadcast %rem3A_1462 : i32 to vector<16xi32>
    %rem3A_1464 = arith.remsi %rem3A_1460, %rem3A_1463 : vector<16xi32>
    %mul3A_1465 = arith.constant 8 : i32
    %mul3A_1466 = vector.broadcast %mul3A_1465 : i32 to vector<16xi32>
    %mul3A_1467 = arith.muli %rem3A_1464, %mul3A_1466 : vector<16xi32>
    %add3A_1468 = arith.addi %sub3A_1461, %mul3A_1467 : vector<16xi32>
    %div3A_1469 = arith.constant 128 : i32
    %div3A_1470 = vector.broadcast %div3A_1469 : i32 to vector<16xi32>
    %div3A_1471 = arith.divsi %rem3A_1460, %div3A_1470 : vector<16xi32>
    %add3A_1472 = arith.addi %add3A_1468, %div3A_1471 : vector<16xi32>
    %swap3A_1473 = arith.constant 32 : index
    %swap3A_1474 = tpu.vector_load %arg11[%swap3A_1473] {strides = array<i32>} : memref<512xi32, #tpu.memory_space<vmem>>, vector<16xi32>,
    %swap3A_1475 = vector.shape_cast %swap3A_1474 : vector<16xi32> to vector<16xi32>
    %swap3A_1476 = vector.shape_cast %add3A_1472 : vector<16xi32> to vector<16xi32>
    tpu.vector_store %arg11[%swap3A_1473], %swap3A_1476 {strides = array<i32>} : memref<512xi32, #tpu.memory_space<vmem>>, vector<16xi32>,
    %get3A_1477 = arith.constant 48 : index
    %get3A_1478 = tpu.vector_load %arg11[%get3A_1477] {strides = array<i32>} : memref<512xi32, #tpu.memory_space<vmem>>, vector<16xi32>,
    %get3A_1479 = vector.shape_cast %get3A_1478 : vector<16xi32> to vector<16xi32>
    %rem3A_1480 = arith.constant 1024 : i32
    %rem3A_1481 = vector.broadcast %rem3A_1480 : i32 to vector<16xi32>
    %rem3A_1482 = arith.remsi %get3A_1479, %rem3A_1481 : vector<16xi32>
    %sub3A_1483 = arith.subi %get3A_1479, %rem3A_1482 : vector<16xi32>
    %rem3A_1484 = arith.constant 128 : i32
    %rem3A_1485 = vector.broadcast %rem3A_1484 : i32 to vector<16xi32>
    %rem3A_1486 = arith.remsi %rem3A_1482, %rem3A_1485 : vector<16xi32>
    %mul3A_1487 = arith.constant 8 : i32
    %mul3A_1488 = vector.broadcast %mul3A_1487 : i32 to vector<16xi32>
    %mul3A_1489 = arith.muli %rem3A_1486, %mul3A_1488 : vector<16xi32>
    %add3A_1490 = arith.addi %sub3A_1483, %mul3A_1489 : vector<16xi32>
    %div3A_1491 = arith.constant 128 : i32
    %div3A_1492 = vector.broadcast %div3A_1491 : i32 to vector<16xi32>
    %div3A_1493 = arith.divsi %rem3A_1482, %div3A_1492 : vector<16xi32>
    %add3A_1494 = arith.addi %add3A_1490, %div3A_1493 : vector<16xi32>
    %swap3A_1495 = arith.constant 48 : index
    %swap3A_1496 = tpu.vector_load %arg11[%swap3A_1495] {strides = array<i32>} : memref<512xi32, #tpu.memory_space<vmem>>, vector<16xi32>,
    %swap3A_1497 = vector.shape_cast %swap3A_1496 : vector<16xi32> to vector<16xi32>
    %swap3A_1498 = vector.shape_cast %add3A_1494 : vector<16xi32> to vector<16xi32>
    tpu.vector_store %arg11[%swap3A_1495], %swap3A_1498 {strides = array<i32>} : memref<512xi32, #tpu.memory_space<vmem>>, vector<16xi32>,
    %get3A_1499 = arith.constant 64 : index
    %get3A_1500 = tpu.vector_load %arg11[%get3A_1499] {strides = array<i32>} : memref<512xi32, #tpu.memory_space<vmem>>, vector<16xi32>,
    %get3A_1501 = vector.shape_cast %get3A_1500 : vector<16xi32> to vector<16xi32>
    %rem3A_1502 = arith.constant 1024 : i32
    %rem3A_1503 = vector.broadcast %rem3A_1502 : i32 to vector<16xi32>
    %rem3A_1504 = arith.remsi %get3A_1501, %rem3A_1503 : vector<16xi32>
    %sub3A_1505 = arith.subi %get3A_1501, %rem3A_1504 : vector<16xi32>
    %rem3A_1506 = arith.constant 128 : i32
    %rem3A_1507 = vector.broadcast %rem3A_1506 : i32 to vector<16xi32>
    %rem3A_1508 = arith.remsi %rem3A_1504, %rem3A_1507 : vector<16xi32>
    %mul3A_1509 = arith.constant 8 : i32
    %mul3A_1510 = vector.broadcast %mul3A_1509 : i32 to vector<16xi32>
    %mul3A_1511 = arith.muli %rem3A_1508, %mul3A_1510 : vector<16xi32>
    %add3A_1512 = arith.addi %sub3A_1505, %mul3A_1511 : vector<16xi32>
    %div3A_1513 = arith.constant 128 : i32
    %div3A_1514 = vector.broadcast %div3A_1513 : i32 to vector<16xi32>
    %div3A_1515 = arith.divsi %rem3A_1504, %div3A_1514 : vector<16xi32>
    %add3A_1516 = arith.addi %add3A_1512, %div3A_1515 : vector<16xi32>
    %swap3A_1517 = arith.constant 64 : index
    %swap3A_1518 = tpu.vector_load %arg11[%swap3A_1517] {strides = array<i32>} : memref<512xi32, #tpu.memory_space<vmem>>, vector<16xi32>,
    %swap3A_1519 = vector.shape_cast %swap3A_1518 : vector<16xi32> to vector<16xi32>
    %swap3A_1520 = vector.shape_cast %add3A_1516 : vector<16xi32> to vector<16xi32>
    tpu.vector_store %arg11[%swap3A_1517], %swap3A_1520 {strides = array<i32>} : memref<512xi32, #tpu.memory_space<vmem>>, vector<16xi32>,
    %get3A_1521 = arith.constant 80 : index
    %get3A_1522 = tpu.vector_load %arg11[%get3A_1521] {strides = array<i32>} : memref<512xi32, #tpu.memory_space<vmem>>, vector<16xi32>,
    %get3A_1523 = vector.shape_cast %get3A_1522 : vector<16xi32> to vector<16xi32>
    %rem3A_1524 = arith.constant 1024 : i32
    %rem3A_1525 = vector.broadcast %rem3A_1524 : i32 to vector<16xi32>
    %rem3A_1526 = arith.remsi %get3A_1523, %rem3A_1525 : vector<16xi32>
    %sub3A_1527 = arith.subi %get3A_1523, %rem3A_1526 : vector<16xi32>
    %rem3A_1528 = arith.constant 128 : i32
    %rem3A_1529 = vector.broadcast %rem3A_1528 : i32 to vector<16xi32>
    %rem3A_1530 = arith.remsi %rem3A_1526, %rem3A_1529 : vector<16xi32>
    %mul3A_1531 = arith.constant 8 : i32
    %mul3A_1532 = vector.broadcast %mul3A_1531 : i32 to vector<16xi32>
    %mul3A_1533 = arith.muli %rem3A_1530, %mul3A_1532 : vector<16xi32>
    %add3A_1534 = arith.addi %sub3A_1527, %mul3A_1533 : vector<16xi32>
    %div3A_1535 = arith.constant 128 : i32
    %div3A_1536 = vector.broadcast %div3A_1535 : i32 to vector<16xi32>
    %div3A_1537 = arith.divsi %rem3A_1526, %div3A_1536 : vector<16xi32>
    %add3A_1538 = arith.addi %add3A_1534, %div3A_1537 : vector<16xi32>
    %swap3A_1539 = arith.constant 80 : index
    %swap3A_1540 = tpu.vector_load %arg11[%swap3A_1539] {strides = array<i32>} : memref<512xi32, #tpu.memory_space<vmem>>, vector<16xi32>,
    %swap3A_1541 = vector.shape_cast %swap3A_1540 : vector<16xi32> to vector<16xi32>
    %swap3A_1542 = vector.shape_cast %add3A_1538 : vector<16xi32> to vector<16xi32>
    tpu.vector_store %arg11[%swap3A_1539], %swap3A_1542 {strides = array<i32>} : memref<512xi32, #tpu.memory_space<vmem>>, vector<16xi32>,
    %get3A_1543 = arith.constant 96 : index
    %get3A_1544 = tpu.vector_load %arg11[%get3A_1543] {strides = array<i32>} : memref<512xi32, #tpu.memory_space<vmem>>, vector<16xi32>,
    %get3A_1545 = vector.shape_cast %get3A_1544 : vector<16xi32> to vector<16xi32>
    %rem3A_1546 = arith.constant 1024 : i32
    %rem3A_1547 = vector.broadcast %rem3A_1546 : i32 to vector<16xi32>
    %rem3A_1548 = arith.remsi %get3A_1545, %rem3A_1547 : vector<16xi32>
    %sub3A_1549 = arith.subi %get3A_1545, %rem3A_1548 : vector<16xi32>
    %rem3A_1550 = arith.constant 128 : i32
    %rem3A_1551 = vector.broadcast %rem3A_1550 : i32 to vector<16xi32>
    %rem3A_1552 = arith.remsi %rem3A_1548, %rem3A_1551 : vector<16xi32>
    %mul3A_1553 = arith.constant 8 : i32
    %mul3A_1554 = vector.broadcast %mul3A_1553 : i32 to vector<16xi32>
    %mul3A_1555 = arith.muli %rem3A_1552, %mul3A_1554 : vector<16xi32>
    %add3A_1556 = arith.addi %sub3A_1549, %mul3A_1555 : vector<16xi32>
    %div3A_1557 = arith.constant 128 : i32
    %div3A_1558 = vector.broadcast %div3A_1557 : i32 to vector<16xi32>
    %div3A_1559 = arith.divsi %rem3A_1548, %div3A_1558 : vector<16xi32>
    %add3A_1560 = arith.addi %add3A_1556, %div3A_1559 : vector<16xi32>
    %swap3A_1561 = arith.constant 96 : index
    %swap3A_1562 = tpu.vector_load %arg11[%swap3A_1561] {strides = array<i32>} : memref<512xi32, #tpu.memory_space<vmem>>, vector<16xi32>,
    %swap3A_1563 = vector.shape_cast %swap3A_1562 : vector<16xi32> to vector<16xi32>
    %swap3A_1564 = vector.shape_cast %add3A_1560 : vector<16xi32> to vector<16xi32>
    tpu.vector_store %arg11[%swap3A_1561], %swap3A_1564 {strides = array<i32>} : memref<512xi32, #tpu.memory_space<vmem>>, vector<16xi32>,
    %get3A_1565 = arith.constant 112 : index
    %get3A_1566 = tpu.vector_load %arg11[%get3A_1565] {strides = array<i32>} : memref<512xi32, #tpu.memory_space<vmem>>, vector<16xi32>,
    %get3A_1567 = vector.shape_cast %get3A_1566 : vector<16xi32> to vector<16xi32>
    %rem3A_1568 = arith.constant 1024 : i32
    %rem3A_1569 = vector.broadcast %rem3A_1568 : i32 to vector<16xi32>
    %rem3A_1570 = arith.remsi %get3A_1567, %rem3A_1569 : vector<16xi32>
    %sub3A_1571 = arith.subi %get3A_1567, %rem3A_1570 : vector<16xi32>
    %rem3A_1572 = arith.constant 128 : i32
    %rem3A_1573 = vector.broadcast %rem3A_1572 : i32 to vector<16xi32>
    %rem3A_1574 = arith.remsi %rem3A_1570, %rem3A_1573 : vector<16xi32>
    %mul3A_1575 = arith.constant 8 : i32
    %mul3A_1576 = vector.broadcast %mul3A_1575 : i32 to vector<16xi32>
    %mul3A_1577 = arith.muli %rem3A_1574, %mul3A_1576 : vector<16xi32>
    %add3A_1578 = arith.addi %sub3A_1571, %mul3A_1577 : vector<16xi32>
    %div3A_1579 = arith.constant 128 : i32
    %div3A_1580 = vector.broadcast %div3A_1579 : i32 to vector<16xi32>
    %div3A_1581 = arith.divsi %rem3A_1570, %div3A_1580 : vector<16xi32>
    %add3A_1582 = arith.addi %add3A_1578, %div3A_1581 : vector<16xi32>
    %swap3A_1583 = arith.constant 112 : index
    %swap3A_1584 = tpu.vector_load %arg11[%swap3A_1583] {strides = array<i32>} : memref<512xi32, #tpu.memory_space<vmem>>, vector<16xi32>,
    %swap3A_1585 = vector.shape_cast %swap3A_1584 : vector<16xi32> to vector<16xi32>
    %swap3A_1586 = vector.shape_cast %add3A_1582 : vector<16xi32> to vector<16xi32>
    tpu.vector_store %arg11[%swap3A_1583], %swap3A_1586 {strides = array<i32>} : memref<512xi32, #tpu.memory_space<vmem>>, vector<16xi32>,
    %get3A_1587 = arith.constant 128 : index
    %get3A_1588 = tpu.vector_load %arg11[%get3A_1587] {strides = array<i32>} : memref<512xi32, #tpu.memory_space<vmem>>, vector<16xi32>,
    %get3A_1589 = vector.shape_cast %get3A_1588 : vector<16xi32> to vector<16xi32>
    %rem3A_1590 = arith.constant 1024 : i32
    %rem3A_1591 = vector.broadcast %rem3A_1590 : i32 to vector<16xi32>
    %rem3A_1592 = arith.remsi %get3A_1589, %rem3A_1591 : vector<16xi32>
    %sub3A_1593 = arith.subi %get3A_1589, %rem3A_1592 : vector<16xi32>
    %rem3A_1594 = arith.constant 128 : i32
    %rem3A_1595 = vector.broadcast %rem3A_1594 : i32 to vector<16xi32>
    %rem3A_1596 = arith.remsi %rem3A_1592, %rem3A_1595 : vector<16xi32>
    %mul3A_1597 = arith.constant 8 : i32
    %mul3A_1598 = vector.broadcast %mul3A_1597 : i32 to vector<16xi32>
    %mul3A_1599 = arith.muli %rem3A_1596, %mul3A_1598 : vector<16xi32>
    %add3A_1600 = arith.addi %sub3A_1593, %mul3A_1599 : vector<16xi32>
    %div3A_1601 = arith.constant 128 : i32
    %div3A_1602 = vector.broadcast %div3A_1601 : i32 to vector<16xi32>
    %div3A_1603 = arith.divsi %rem3A_1592, %div3A_1602 : vector<16xi32>
    %add3A_1604 = arith.addi %add3A_1600, %div3A_1603 : vector<16xi32>
    %swap3A_1605 = arith.constant 128 : index
    %swap3A_1606 = tpu.vector_load %arg11[%swap3A_1605] {strides = array<i32>} : memref<512xi32, #tpu.memory_space<vmem>>, vector<16xi32>,
    %swap3A_1607 = vector.shape_cast %swap3A_1606 : vector<16xi32> to vector<16xi32>
    %swap3A_1608 = vector.shape_cast %add3A_1604 : vector<16xi32> to vector<16xi32>
    tpu.vector_store %arg11[%swap3A_1605], %swap3A_1608 {strides = array<i32>} : memref<512xi32, #tpu.memory_space<vmem>>, vector<16xi32>,
    %get3A_1609 = arith.constant 144 : index
    %get3A_1610 = tpu.vector_load %arg11[%get3A_1609] {strides = array<i32>} : memref<512xi32, #tpu.memory_space<vmem>>, vector<16xi32>,
    %get3A_1611 = vector.shape_cast %get3A_1610 : vector<16xi32> to vector<16xi32>
    %rem3A_1612 = arith.constant 1024 : i32
    %rem3A_1613 = vector.broadcast %rem3A_1612 : i32 to vector<16xi32>
    %rem3A_1614 = arith.remsi %get3A_1611, %rem3A_1613 : vector<16xi32>
    %sub3A_1615 = arith.subi %get3A_1611, %rem3A_1614 : vector<16xi32>
    %rem3A_1616 = arith.constant 128 : i32
    %rem3A_1617 = vector.broadcast %rem3A_1616 : i32 to vector<16xi32>
    %rem3A_1618 = arith.remsi %rem3A_1614, %rem3A_1617 : vector<16xi32>
    %mul3A_1619 = arith.constant 8 : i32
    %mul3A_1620 = vector.broadcast %mul3A_1619 : i32 to vector<16xi32>
    %mul3A_1621 = arith.muli %rem3A_1618, %mul3A_1620 : vector<16xi32>
    %add3A_1622 = arith.addi %sub3A_1615, %mul3A_1621 : vector<16xi32>
    %div3A_1623 = arith.constant 128 : i32
    %div3A_1624 = vector.broadcast %div3A_1623 : i32 to vector<16xi32>
    %div3A_1625 = arith.divsi %rem3A_1614, %div3A_1624 : vector<16xi32>
    %add3A_1626 = arith.addi %add3A_1622, %div3A_1625 : vector<16xi32>
    %swap3A_1627 = arith.constant 144 : index
    %swap3A_1628 = tpu.vector_load %arg11[%swap3A_1627] {strides = array<i32>} : memref<512xi32, #tpu.memory_space<vmem>>, vector<16xi32>,
    %swap3A_1629 = vector.shape_cast %swap3A_1628 : vector<16xi32> to vector<16xi32>
    %swap3A_1630 = vector.shape_cast %add3A_1626 : vector<16xi32> to vector<16xi32>
    tpu.vector_store %arg11[%swap3A_1627], %swap3A_1630 {strides = array<i32>} : memref<512xi32, #tpu.memory_space<vmem>>, vector<16xi32>,
    %get3A_1631 = arith.constant 160 : index
    %get3A_1632 = tpu.vector_load %arg11[%get3A_1631] {strides = array<i32>} : memref<512xi32, #tpu.memory_space<vmem>>, vector<16xi32>,
    %get3A_1633 = vector.shape_cast %get3A_1632 : vector<16xi32> to vector<16xi32>
    %rem3A_1634 = arith.constant 1024 : i32
    %rem3A_1635 = vector.broadcast %rem3A_1634 : i32 to vector<16xi32>
    %rem3A_1636 = arith.remsi %get3A_1633, %rem3A_1635 : vector<16xi32>
    %sub3A_1637 = arith.subi %get3A_1633, %rem3A_1636 : vector<16xi32>
    %rem3A_1638 = arith.constant 128 : i32
    %rem3A_1639 = vector.broadcast %rem3A_1638 : i32 to vector<16xi32>
    %rem3A_1640 = arith.remsi %rem3A_1636, %rem3A_1639 : vector<16xi32>
    %mul3A_1641 = arith.constant 8 : i32
    %mul3A_1642 = vector.broadcast %mul3A_1641 : i32 to vector<16xi32>
    %mul3A_1643 = arith.muli %rem3A_1640, %mul3A_1642 : vector<16xi32>
    %add3A_1644 = arith.addi %sub3A_1637, %mul3A_1643 : vector<16xi32>
    %div3A_1645 = arith.constant 128 : i32
    %div3A_1646 = vector.broadcast %div3A_1645 : i32 to vector<16xi32>
    %div3A_1647 = arith.divsi %rem3A_1636, %div3A_1646 : vector<16xi32>
    %add3A_1648 = arith.addi %add3A_1644, %div3A_1647 : vector<16xi32>
    %swap3A_1649 = arith.constant 160 : index
    %swap3A_1650 = tpu.vector_load %arg11[%swap3A_1649] {strides = array<i32>} : memref<512xi32, #tpu.memory_space<vmem>>, vector<16xi32>,
    %swap3A_1651 = vector.shape_cast %swap3A_1650 : vector<16xi32> to vector<16xi32>
    %swap3A_1652 = vector.shape_cast %add3A_1648 : vector<16xi32> to vector<16xi32>
    tpu.vector_store %arg11[%swap3A_1649], %swap3A_1652 {strides = array<i32>} : memref<512xi32, #tpu.memory_space<vmem>>, vector<16xi32>,
    %get3A_1653 = arith.constant 176 : index
    %get3A_1654 = tpu.vector_load %arg11[%get3A_1653] {strides = array<i32>} : memref<512xi32, #tpu.memory_space<vmem>>, vector<16xi32>,
    %get3A_1655 = vector.shape_cast %get3A_1654 : vector<16xi32> to vector<16xi32>
    %rem3A_1656 = arith.constant 1024 : i32
    %rem3A_1657 = vector.broadcast %rem3A_1656 : i32 to vector<16xi32>
    %rem3A_1658 = arith.remsi %get3A_1655, %rem3A_1657 : vector<16xi32>
    %sub3A_1659 = arith.subi %get3A_1655, %rem3A_1658 : vector<16xi32>
    %rem3A_1660 = arith.constant 128 : i32
    %rem3A_1661 = vector.broadcast %rem3A_1660 : i32 to vector<16xi32>
    %rem3A_1662 = arith.remsi %rem3A_1658, %rem3A_1661 : vector<16xi32>
    %mul3A_1663 = arith.constant 8 : i32
    %mul3A_1664 = vector.broadcast %mul3A_1663 : i32 to vector<16xi32>
    %mul3A_1665 = arith.muli %rem3A_1662, %mul3A_1664 : vector<16xi32>
    %add3A_1666 = arith.addi %sub3A_1659, %mul3A_1665 : vector<16xi32>
    %div3A_1667 = arith.constant 128 : i32
    %div3A_1668 = vector.broadcast %div3A_1667 : i32 to vector<16xi32>
    %div3A_1669 = arith.divsi %rem3A_1658, %div3A_1668 : vector<16xi32>
    %add3A_1670 = arith.addi %add3A_1666, %div3A_1669 : vector<16xi32>
    %swap3A_1671 = arith.constant 176 : index
    %swap3A_1672 = tpu.vector_load %arg11[%swap3A_1671] {strides = array<i32>} : memref<512xi32, #tpu.memory_space<vmem>>, vector<16xi32>,
    %swap3A_1673 = vector.shape_cast %swap3A_1672 : vector<16xi32> to vector<16xi32>
    %swap3A_1674 = vector.shape_cast %add3A_1670 : vector<16xi32> to vector<16xi32>
    tpu.vector_store %arg11[%swap3A_1671], %swap3A_1674 {strides = array<i32>} : memref<512xi32, #tpu.memory_space<vmem>>, vector<16xi32>,
    %get3A_1675 = arith.constant 192 : index
    %get3A_1676 = tpu.vector_load %arg11[%get3A_1675] {strides = array<i32>} : memref<512xi32, #tpu.memory_space<vmem>>, vector<16xi32>,
    %get3A_1677 = vector.shape_cast %get3A_1676 : vector<16xi32> to vector<16xi32>
    %rem3A_1678 = arith.constant 1024 : i32
    %rem3A_1679 = vector.broadcast %rem3A_1678 : i32 to vector<16xi32>
    %rem3A_1680 = arith.remsi %get3A_1677, %rem3A_1679 : vector<16xi32>
    %sub3A_1681 = arith.subi %get3A_1677, %rem3A_1680 : vector<16xi32>
    %rem3A_1682 = arith.constant 128 : i32
    %rem3A_1683 = vector.broadcast %rem3A_1682 : i32 to vector<16xi32>
    %rem3A_1684 = arith.remsi %rem3A_1680, %rem3A_1683 : vector<16xi32>
    %mul3A_1685 = arith.constant 8 : i32
    %mul3A_1686 = vector.broadcast %mul3A_1685 : i32 to vector<16xi32>
    %mul3A_1687 = arith.muli %rem3A_1684, %mul3A_1686 : vector<16xi32>
    %add3A_1688 = arith.addi %sub3A_1681, %mul3A_1687 : vector<16xi32>
    %div3A_1689 = arith.constant 128 : i32
    %div3A_1690 = vector.broadcast %div3A_1689 : i32 to vector<16xi32>
    %div3A_1691 = arith.divsi %rem3A_1680, %div3A_1690 : vector<16xi32>
    %add3A_1692 = arith.addi %add3A_1688, %div3A_1691 : vector<16xi32>
    %swap3A_1693 = arith.constant 192 : index
    %swap3A_1694 = tpu.vector_load %arg11[%swap3A_1693] {strides = array<i32>} : memref<512xi32, #tpu.memory_space<vmem>>, vector<16xi32>,
    %swap3A_1695 = vector.shape_cast %swap3A_1694 : vector<16xi32> to vector<16xi32>
    %swap3A_1696 = vector.shape_cast %add3A_1692 : vector<16xi32> to vector<16xi32>
    tpu.vector_store %arg11[%swap3A_1693], %swap3A_1696 {strides = array<i32>} : memref<512xi32, #tpu.memory_space<vmem>>, vector<16xi32>,
    %get3A_1697 = arith.constant 208 : index
    %get3A_1698 = tpu.vector_load %arg11[%get3A_1697] {strides = array<i32>} : memref<512xi32, #tpu.memory_space<vmem>>, vector<16xi32>,
    %get3A_1699 = vector.shape_cast %get3A_1698 : vector<16xi32> to vector<16xi32>
    %rem3A_1700 = arith.constant 1024 : i32
    %rem3A_1701 = vector.broadcast %rem3A_1700 : i32 to vector<16xi32>
    %rem3A_1702 = arith.remsi %get3A_1699, %rem3A_1701 : vector<16xi32>
    %sub3A_1703 = arith.subi %get3A_1699, %rem3A_1702 : vector<16xi32>
    %rem3A_1704 = arith.constant 128 : i32
    %rem3A_1705 = vector.broadcast %rem3A_1704 : i32 to vector<16xi32>
    %rem3A_1706 = arith.remsi %rem3A_1702, %rem3A_1705 : vector<16xi32>
    %mul3A_1707 = arith.constant 8 : i32
    %mul3A_1708 = vector.broadcast %mul3A_1707 : i32 to vector<16xi32>
    %mul3A_1709 = arith.muli %rem3A_1706, %mul3A_1708 : vector<16xi32>
    %add3A_1710 = arith.addi %sub3A_1703, %mul3A_1709 : vector<16xi32>
    %div3A_1711 = arith.constant 128 : i32
    %div3A_1712 = vector.broadcast %div3A_1711 : i32 to vector<16xi32>
    %div3A_1713 = arith.divsi %rem3A_1702, %div3A_1712 : vector<16xi32>
    %add3A_1714 = arith.addi %add3A_1710, %div3A_1713 : vector<16xi32>
    %swap3A_1715 = arith.constant 208 : index
    %swap3A_1716 = tpu.vector_load %arg11[%swap3A_1715] {strides = array<i32>} : memref<512xi32, #tpu.memory_space<vmem>>, vector<16xi32>,
    %swap3A_1717 = vector.shape_cast %swap3A_1716 : vector<16xi32> to vector<16xi32>
    %swap3A_1718 = vector.shape_cast %add3A_1714 : vector<16xi32> to vector<16xi32>
    tpu.vector_store %arg11[%swap3A_1715], %swap3A_1718 {strides = array<i32>} : memref<512xi32, #tpu.memory_space<vmem>>, vector<16xi32>,
    %get3A_1719 = arith.constant 224 : index
    %get3A_1720 = tpu.vector_load %arg11[%get3A_1719] {strides = array<i32>} : memref<512xi32, #tpu.memory_space<vmem>>, vector<16xi32>,
    %get3A_1721 = vector.shape_cast %get3A_1720 : vector<16xi32> to vector<16xi32>
    %rem3A_1722 = arith.constant 1024 : i32
    %rem3A_1723 = vector.broadcast %rem3A_1722 : i32 to vector<16xi32>
    %rem3A_1724 = arith.remsi %get3A_1721, %rem3A_1723 : vector<16xi32>
    %sub3A_1725 = arith.subi %get3A_1721, %rem3A_1724 : vector<16xi32>
    %rem3A_1726 = arith.constant 128 : i32
    %rem3A_1727 = vector.broadcast %rem3A_1726 : i32 to vector<16xi32>
    %rem3A_1728 = arith.remsi %rem3A_1724, %rem3A_1727 : vector<16xi32>
    %mul3A_1729 = arith.constant 8 : i32
    %mul3A_1730 = vector.broadcast %mul3A_1729 : i32 to vector<16xi32>
    %mul3A_1731 = arith.muli %rem3A_1728, %mul3A_1730 : vector<16xi32>
    %add3A_1732 = arith.addi %sub3A_1725, %mul3A_1731 : vector<16xi32>
    %div3A_1733 = arith.constant 128 : i32
    %div3A_1734 = vector.broadcast %div3A_1733 : i32 to vector<16xi32>
    %div3A_1735 = arith.divsi %rem3A_1724, %div3A_1734 : vector<16xi32>
    %add3A_1736 = arith.addi %add3A_1732, %div3A_1735 : vector<16xi32>
    %swap3A_1737 = arith.constant 224 : index
    %swap3A_1738 = tpu.vector_load %arg11[%swap3A_1737] {strides = array<i32>} : memref<512xi32, #tpu.memory_space<vmem>>, vector<16xi32>,
    %swap3A_1739 = vector.shape_cast %swap3A_1738 : vector<16xi32> to vector<16xi32>
    %swap3A_1740 = vector.shape_cast %add3A_1736 : vector<16xi32> to vector<16xi32>
    tpu.vector_store %arg11[%swap3A_1737], %swap3A_1740 {strides = array<i32>} : memref<512xi32, #tpu.memory_space<vmem>>, vector<16xi32>,
    %get3A_1741 = arith.constant 240 : index
    %get3A_1742 = tpu.vector_load %arg11[%get3A_1741] {strides = array<i32>} : memref<512xi32, #tpu.memory_space<vmem>>, vector<16xi32>,
    %get3A_1743 = vector.shape_cast %get3A_1742 : vector<16xi32> to vector<16xi32>
    %rem3A_1744 = arith.constant 1024 : i32
    %rem3A_1745 = vector.broadcast %rem3A_1744 : i32 to vector<16xi32>
    %rem3A_1746 = arith.remsi %get3A_1743, %rem3A_1745 : vector<16xi32>
    %sub3A_1747 = arith.subi %get3A_1743, %rem3A_1746 : vector<16xi32>
    %rem3A_1748 = arith.constant 128 : i32
    %rem3A_1749 = vector.broadcast %rem3A_1748 : i32 to vector<16xi32>
    %rem3A_1750 = arith.remsi %rem3A_1746, %rem3A_1749 : vector<16xi32>
    %mul3A_1751 = arith.constant 8 : i32
    %mul3A_1752 = vector.broadcast %mul3A_1751 : i32 to vector<16xi32>
    %mul3A_1753 = arith.muli %rem3A_1750, %mul3A_1752 : vector<16xi32>
    %add3A_1754 = arith.addi %sub3A_1747, %mul3A_1753 : vector<16xi32>
    %div3A_1755 = arith.constant 128 : i32
    %div3A_1756 = vector.broadcast %div3A_1755 : i32 to vector<16xi32>
    %div3A_1757 = arith.divsi %rem3A_1746, %div3A_1756 : vector<16xi32>
    %add3A_1758 = arith.addi %add3A_1754, %div3A_1757 : vector<16xi32>
    %swap3A_1759 = arith.constant 240 : index
    %swap3A_1760 = tpu.vector_load %arg11[%swap3A_1759] {strides = array<i32>} : memref<512xi32, #tpu.memory_space<vmem>>, vector<16xi32>,
    %swap3A_1761 = vector.shape_cast %swap3A_1760 : vector<16xi32> to vector<16xi32>
    %swap3A_1762 = vector.shape_cast %add3A_1758 : vector<16xi32> to vector<16xi32>
    tpu.vector_store %arg11[%swap3A_1759], %swap3A_1762 {strides = array<i32>} : memref<512xi32, #tpu.memory_space<vmem>>, vector<16xi32>,
    %get3A_1763 = arith.constant 256 : index
    %get3A_1764 = tpu.vector_load %arg11[%get3A_1763] {strides = array<i32>} : memref<512xi32, #tpu.memory_space<vmem>>, vector<16xi32>,
    %get3A_1765 = vector.shape_cast %get3A_1764 : vector<16xi32> to vector<16xi32>
    %rem3A_1766 = arith.constant 1024 : i32
    %rem3A_1767 = vector.broadcast %rem3A_1766 : i32 to vector<16xi32>
    %rem3A_1768 = arith.remsi %get3A_1765, %rem3A_1767 : vector<16xi32>
    %sub3A_1769 = arith.subi %get3A_1765, %rem3A_1768 : vector<16xi32>
    %rem3A_1770 = arith.constant 128 : i32
    %rem3A_1771 = vector.broadcast %rem3A_1770 : i32 to vector<16xi32>
    %rem3A_1772 = arith.remsi %rem3A_1768, %rem3A_1771 : vector<16xi32>
    %mul3A_1773 = arith.constant 8 : i32
    %mul3A_1774 = vector.broadcast %mul3A_1773 : i32 to vector<16xi32>
    %mul3A_1775 = arith.muli %rem3A_1772, %mul3A_1774 : vector<16xi32>
    %add3A_1776 = arith.addi %sub3A_1769, %mul3A_1775 : vector<16xi32>
    %div3A_1777 = arith.constant 128 : i32
    %div3A_1778 = vector.broadcast %div3A_1777 : i32 to vector<16xi32>
    %div3A_1779 = arith.divsi %rem3A_1768, %div3A_1778 : vector<16xi32>
    %add3A_1780 = arith.addi %add3A_1776, %div3A_1779 : vector<16xi32>
    %swap3A_1781 = arith.constant 256 : index
    %swap3A_1782 = tpu.vector_load %arg11[%swap3A_1781] {strides = array<i32>} : memref<512xi32, #tpu.memory_space<vmem>>, vector<16xi32>,
    %swap3A_1783 = vector.shape_cast %swap3A_1782 : vector<16xi32> to vector<16xi32>
    %swap3A_1784 = vector.shape_cast %add3A_1780 : vector<16xi32> to vector<16xi32>
    tpu.vector_store %arg11[%swap3A_1781], %swap3A_1784 {strides = array<i32>} : memref<512xi32, #tpu.memory_space<vmem>>, vector<16xi32>,
    %get3A_1785 = arith.constant 272 : index
    %get3A_1786 = tpu.vector_load %arg11[%get3A_1785] {strides = array<i32>} : memref<512xi32, #tpu.memory_space<vmem>>, vector<16xi32>,
    %get3A_1787 = vector.shape_cast %get3A_1786 : vector<16xi32> to vector<16xi32>
    %rem3A_1788 = arith.constant 1024 : i32
    %rem3A_1789 = vector.broadcast %rem3A_1788 : i32 to vector<16xi32>
    %rem3A_1790 = arith.remsi %get3A_1787, %rem3A_1789 : vector<16xi32>
    %sub3A_1791 = arith.subi %get3A_1787, %rem3A_1790 : vector<16xi32>
    %rem3A_1792 = arith.constant 128 : i32
    %rem3A_1793 = vector.broadcast %rem3A_1792 : i32 to vector<16xi32>
    %rem3A_1794 = arith.remsi %rem3A_1790, %rem3A_1793 : vector<16xi32>
    %mul3A_1795 = arith.constant 8 : i32
    %mul3A_1796 = vector.broadcast %mul3A_1795 : i32 to vector<16xi32>
    %mul3A_1797 = arith.muli %rem3A_1794, %mul3A_1796 : vector<16xi32>
    %add3A_1798 = arith.addi %sub3A_1791, %mul3A_1797 : vector<16xi32>
    %div3A_1799 = arith.constant 128 : i32
    %div3A_1800 = vector.broadcast %div3A_1799 : i32 to vector<16xi32>
    %div3A_1801 = arith.divsi %rem3A_1790, %div3A_1800 : vector<16xi32>
    %add3A_1802 = arith.addi %add3A_1798, %div3A_1801 : vector<16xi32>
    %swap3A_1803 = arith.constant 272 : index
    %swap3A_1804 = tpu.vector_load %arg11[%swap3A_1803] {strides = array<i32>} : memref<512xi32, #tpu.memory_space<vmem>>, vector<16xi32>,
    %swap3A_1805 = vector.shape_cast %swap3A_1804 : vector<16xi32> to vector<16xi32>
    %swap3A_1806 = vector.shape_cast %add3A_1802 : vector<16xi32> to vector<16xi32>
    tpu.vector_store %arg11[%swap3A_1803], %swap3A_1806 {strides = array<i32>} : memref<512xi32, #tpu.memory_space<vmem>>, vector<16xi32>,
    %get3A_1807 = arith.constant 288 : index
    %get3A_1808 = tpu.vector_load %arg11[%get3A_1807] {strides = array<i32>} : memref<512xi32, #tpu.memory_space<vmem>>, vector<16xi32>,
    %get3A_1809 = vector.shape_cast %get3A_1808 : vector<16xi32> to vector<16xi32>
    %rem3A_1810 = arith.constant 1024 : i32
    %rem3A_1811 = vector.broadcast %rem3A_1810 : i32 to vector<16xi32>
    %rem3A_1812 = arith.remsi %get3A_1809, %rem3A_1811 : vector<16xi32>
    %sub3A_1813 = arith.subi %get3A_1809, %rem3A_1812 : vector<16xi32>
    %rem3A_1814 = arith.constant 128 : i32
    %rem3A_1815 = vector.broadcast %rem3A_1814 : i32 to vector<16xi32>
    %rem3A_1816 = arith.remsi %rem3A_1812, %rem3A_1815 : vector<16xi32>
    %mul3A_1817 = arith.constant 8 : i32
    %mul3A_1818 = vector.broadcast %mul3A_1817 : i32 to vector<16xi32>
    %mul3A_1819 = arith.muli %rem3A_1816, %mul3A_1818 : vector<16xi32>
    %add3A_1820 = arith.addi %sub3A_1813, %mul3A_1819 : vector<16xi32>
    %div3A_1821 = arith.constant 128 : i32
    %div3A_1822 = vector.broadcast %div3A_1821 : i32 to vector<16xi32>
    %div3A_1823 = arith.divsi %rem3A_1812, %div3A_1822 : vector<16xi32>
    %add3A_1824 = arith.addi %add3A_1820, %div3A_1823 : vector<16xi32>
    %swap3A_1825 = arith.constant 288 : index
    %swap3A_1826 = tpu.vector_load %arg11[%swap3A_1825] {strides = array<i32>} : memref<512xi32, #tpu.memory_space<vmem>>, vector<16xi32>,
    %swap3A_1827 = vector.shape_cast %swap3A_1826 : vector<16xi32> to vector<16xi32>
    %swap3A_1828 = vector.shape_cast %add3A_1824 : vector<16xi32> to vector<16xi32>
    tpu.vector_store %arg11[%swap3A_1825], %swap3A_1828 {strides = array<i32>} : memref<512xi32, #tpu.memory_space<vmem>>, vector<16xi32>,
    %get3A_1829 = arith.constant 304 : index
    %get3A_1830 = tpu.vector_load %arg11[%get3A_1829] {strides = array<i32>} : memref<512xi32, #tpu.memory_space<vmem>>, vector<16xi32>,
    %get3A_1831 = vector.shape_cast %get3A_1830 : vector<16xi32> to vector<16xi32>
    %rem3A_1832 = arith.constant 1024 : i32
    %rem3A_1833 = vector.broadcast %rem3A_1832 : i32 to vector<16xi32>
    %rem3A_1834 = arith.remsi %get3A_1831, %rem3A_1833 : vector<16xi32>
    %sub3A_1835 = arith.subi %get3A_1831, %rem3A_1834 : vector<16xi32>
    %rem3A_1836 = arith.constant 128 : i32
    %rem3A_1837 = vector.broadcast %rem3A_1836 : i32 to vector<16xi32>
    %rem3A_1838 = arith.remsi %rem3A_1834, %rem3A_1837 : vector<16xi32>
    %mul3A_1839 = arith.constant 8 : i32
    %mul3A_1840 = vector.broadcast %mul3A_1839 : i32 to vector<16xi32>
    %mul3A_1841 = arith.muli %rem3A_1838, %mul3A_1840 : vector<16xi32>
    %add3A_1842 = arith.addi %sub3A_1835, %mul3A_1841 : vector<16xi32>
    %div3A_1843 = arith.constant 128 : i32
    %div3A_1844 = vector.broadcast %div3A_1843 : i32 to vector<16xi32>
    %div3A_1845 = arith.divsi %rem3A_1834, %div3A_1844 : vector<16xi32>
    %add3A_1846 = arith.addi %add3A_1842, %div3A_1845 : vector<16xi32>
    %swap3A_1847 = arith.constant 304 : index
    %swap3A_1848 = tpu.vector_load %arg11[%swap3A_1847] {strides = array<i32>} : memref<512xi32, #tpu.memory_space<vmem>>, vector<16xi32>,
    %swap3A_1849 = vector.shape_cast %swap3A_1848 : vector<16xi32> to vector<16xi32>
    %swap3A_1850 = vector.shape_cast %add3A_1846 : vector<16xi32> to vector<16xi32>
    tpu.vector_store %arg11[%swap3A_1847], %swap3A_1850 {strides = array<i32>} : memref<512xi32, #tpu.memory_space<vmem>>, vector<16xi32>,
    %get3A_1851 = arith.constant 320 : index
    %get3A_1852 = tpu.vector_load %arg11[%get3A_1851] {strides = array<i32>} : memref<512xi32, #tpu.memory_space<vmem>>, vector<16xi32>,
    %get3A_1853 = vector.shape_cast %get3A_1852 : vector<16xi32> to vector<16xi32>
    %rem3A_1854 = arith.constant 1024 : i32
    %rem3A_1855 = vector.broadcast %rem3A_1854 : i32 to vector<16xi32>
    %rem3A_1856 = arith.remsi %get3A_1853, %rem3A_1855 : vector<16xi32>
    %sub3A_1857 = arith.subi %get3A_1853, %rem3A_1856 : vector<16xi32>
    %rem3A_1858 = arith.constant 128 : i32
    %rem3A_1859 = vector.broadcast %rem3A_1858 : i32 to vector<16xi32>
    %rem3A_1860 = arith.remsi %rem3A_1856, %rem3A_1859 : vector<16xi32>
    %mul3A_1861 = arith.constant 8 : i32
    %mul3A_1862 = vector.broadcast %mul3A_1861 : i32 to vector<16xi32>
    %mul3A_1863 = arith.muli %rem3A_1860, %mul3A_1862 : vector<16xi32>
    %add3A_1864 = arith.addi %sub3A_1857, %mul3A_1863 : vector<16xi32>
    %div3A_1865 = arith.constant 128 : i32
    %div3A_1866 = vector.broadcast %div3A_1865 : i32 to vector<16xi32>
    %div3A_1867 = arith.divsi %rem3A_1856, %div3A_1866 : vector<16xi32>
    %add3A_1868 = arith.addi %add3A_1864, %div3A_1867 : vector<16xi32>
    %swap3A_1869 = arith.constant 320 : index
    %swap3A_1870 = tpu.vector_load %arg11[%swap3A_1869] {strides = array<i32>} : memref<512xi32, #tpu.memory_space<vmem>>, vector<16xi32>,
    %swap3A_1871 = vector.shape_cast %swap3A_1870 : vector<16xi32> to vector<16xi32>
    %swap3A_1872 = vector.shape_cast %add3A_1868 : vector<16xi32> to vector<16xi32>
    tpu.vector_store %arg11[%swap3A_1869], %swap3A_1872 {strides = array<i32>} : memref<512xi32, #tpu.memory_space<vmem>>, vector<16xi32>,
    %get3A_1873 = arith.constant 336 : index
    %get3A_1874 = tpu.vector_load %arg11[%get3A_1873] {strides = array<i32>} : memref<512xi32, #tpu.memory_space<vmem>>, vector<16xi32>,
    %get3A_1875 = vector.shape_cast %get3A_1874 : vector<16xi32> to vector<16xi32>
    %rem3A_1876 = arith.constant 1024 : i32
    %rem3A_1877 = vector.broadcast %rem3A_1876 : i32 to vector<16xi32>
    %rem3A_1878 = arith.remsi %get3A_1875, %rem3A_1877 : vector<16xi32>
    %sub3A_1879 = arith.subi %get3A_1875, %rem3A_1878 : vector<16xi32>
    %rem3A_1880 = arith.constant 128 : i32
    %rem3A_1881 = vector.broadcast %rem3A_1880 : i32 to vector<16xi32>
    %rem3A_1882 = arith.remsi %rem3A_1878, %rem3A_1881 : vector<16xi32>
    %mul3A_1883 = arith.constant 8 : i32
    %mul3A_1884 = vector.broadcast %mul3A_1883 : i32 to vector<16xi32>
    %mul3A_1885 = arith.muli %rem3A_1882, %mul3A_1884 : vector<16xi32>
    %add3A_1886 = arith.addi %sub3A_1879, %mul3A_1885 : vector<16xi32>
    %div3A_1887 = arith.constant 128 : i32
    %div3A_1888 = vector.broadcast %div3A_1887 : i32 to vector<16xi32>
    %div3A_1889 = arith.divsi %rem3A_1878, %div3A_1888 : vector<16xi32>
    %add3A_1890 = arith.addi %add3A_1886, %div3A_1889 : vector<16xi32>
    %swap3A_1891 = arith.constant 336 : index
    %swap3A_1892 = tpu.vector_load %arg11[%swap3A_1891] {strides = array<i32>} : memref<512xi32, #tpu.memory_space<vmem>>, vector<16xi32>,
    %swap3A_1893 = vector.shape_cast %swap3A_1892 : vector<16xi32> to vector<16xi32>
    %swap3A_1894 = vector.shape_cast %add3A_1890 : vector<16xi32> to vector<16xi32>
    tpu.vector_store %arg11[%swap3A_1891], %swap3A_1894 {strides = array<i32>} : memref<512xi32, #tpu.memory_space<vmem>>, vector<16xi32>,
    %get3A_1895 = arith.constant 352 : index
    %get3A_1896 = tpu.vector_load %arg11[%get3A_1895] {strides = array<i32>} : memref<512xi32, #tpu.memory_space<vmem>>, vector<16xi32>,
    %get3A_1897 = vector.shape_cast %get3A_1896 : vector<16xi32> to vector<16xi32>
    %rem3A_1898 = arith.constant 1024 : i32
    %rem3A_1899 = vector.broadcast %rem3A_1898 : i32 to vector<16xi32>
    %rem3A_1900 = arith.remsi %get3A_1897, %rem3A_1899 : vector<16xi32>
    %sub3A_1901 = arith.subi %get3A_1897, %rem3A_1900 : vector<16xi32>
    %rem3A_1902 = arith.constant 128 : i32
    %rem3A_1903 = vector.broadcast %rem3A_1902 : i32 to vector<16xi32>
    %rem3A_1904 = arith.remsi %rem3A_1900, %rem3A_1903 : vector<16xi32>
    %mul3A_1905 = arith.constant 8 : i32
    %mul3A_1906 = vector.broadcast %mul3A_1905 : i32 to vector<16xi32>
    %mul3A_1907 = arith.muli %rem3A_1904, %mul3A_1906 : vector<16xi32>
    %add3A_1908 = arith.addi %sub3A_1901, %mul3A_1907 : vector<16xi32>
    %div3A_1909 = arith.constant 128 : i32
    %div3A_1910 = vector.broadcast %div3A_1909 : i32 to vector<16xi32>
    %div3A_1911 = arith.divsi %rem3A_1900, %div3A_1910 : vector<16xi32>
    %add3A_1912 = arith.addi %add3A_1908, %div3A_1911 : vector<16xi32>
    %swap3A_1913 = arith.constant 352 : index
    %swap3A_1914 = tpu.vector_load %arg11[%swap3A_1913] {strides = array<i32>} : memref<512xi32, #tpu.memory_space<vmem>>, vector<16xi32>,
    %swap3A_1915 = vector.shape_cast %swap3A_1914 : vector<16xi32> to vector<16xi32>
    %swap3A_1916 = vector.shape_cast %add3A_1912 : vector<16xi32> to vector<16xi32>
    tpu.vector_store %arg11[%swap3A_1913], %swap3A_1916 {strides = array<i32>} : memref<512xi32, #tpu.memory_space<vmem>>, vector<16xi32>,
    %get3A_1917 = arith.constant 368 : index
    %get3A_1918 = tpu.vector_load %arg11[%get3A_1917] {strides = array<i32>} : memref<512xi32, #tpu.memory_space<vmem>>, vector<16xi32>,
    %get3A_1919 = vector.shape_cast %get3A_1918 : vector<16xi32> to vector<16xi32>
    %rem3A_1920 = arith.constant 1024 : i32
    %rem3A_1921 = vector.broadcast %rem3A_1920 : i32 to vector<16xi32>
    %rem3A_1922 = arith.remsi %get3A_1919, %rem3A_1921 : vector<16xi32>
    %sub3A_1923 = arith.subi %get3A_1919, %rem3A_1922 : vector<16xi32>
    %rem3A_1924 = arith.constant 128 : i32
    %rem3A_1925 = vector.broadcast %rem3A_1924 : i32 to vector<16xi32>
    %rem3A_1926 = arith.remsi %rem3A_1922, %rem3A_1925 : vector<16xi32>
    %mul3A_1927 = arith.constant 8 : i32
    %mul3A_1928 = vector.broadcast %mul3A_1927 : i32 to vector<16xi32>
    %mul3A_1929 = arith.muli %rem3A_1926, %mul3A_1928 : vector<16xi32>
    %add3A_1930 = arith.addi %sub3A_1923, %mul3A_1929 : vector<16xi32>
    %div3A_1931 = arith.constant 128 : i32
    %div3A_1932 = vector.broadcast %div3A_1931 : i32 to vector<16xi32>
    %div3A_1933 = arith.divsi %rem3A_1922, %div3A_1932 : vector<16xi32>
    %add3A_1934 = arith.addi %add3A_1930, %div3A_1933 : vector<16xi32>
    %swap3A_1935 = arith.constant 368 : index
    %swap3A_1936 = tpu.vector_load %arg11[%swap3A_1935] {strides = array<i32>} : memref<512xi32, #tpu.memory_space<vmem>>, vector<16xi32>,
    %swap3A_1937 = vector.shape_cast %swap3A_1936 : vector<16xi32> to vector<16xi32>
    %swap3A_1938 = vector.shape_cast %add3A_1934 : vector<16xi32> to vector<16xi32>
    tpu.vector_store %arg11[%swap3A_1935], %swap3A_1938 {strides = array<i32>} : memref<512xi32, #tpu.memory_space<vmem>>, vector<16xi32>,
    %get3A_1939 = arith.constant 384 : index
    %get3A_1940 = tpu.vector_load %arg11[%get3A_1939] {strides = array<i32>} : memref<512xi32, #tpu.memory_space<vmem>>, vector<16xi32>,
    %get3A_1941 = vector.shape_cast %get3A_1940 : vector<16xi32> to vector<16xi32>
    %rem3A_1942 = arith.constant 1024 : i32
    %rem3A_1943 = vector.broadcast %rem3A_1942 : i32 to vector<16xi32>
    %rem3A_1944 = arith.remsi %get3A_1941, %rem3A_1943 : vector<16xi32>
    %sub3A_1945 = arith.subi %get3A_1941, %rem3A_1944 : vector<16xi32>
    %rem3A_1946 = arith.constant 128 : i32
    %rem3A_1947 = vector.broadcast %rem3A_1946 : i32 to vector<16xi32>
    %rem3A_1948 = arith.remsi %rem3A_1944, %rem3A_1947 : vector<16xi32>
    %mul3A_1949 = arith.constant 8 : i32
    %mul3A_1950 = vector.broadcast %mul3A_1949 : i32 to vector<16xi32>
    %mul3A_1951 = arith.muli %rem3A_1948, %mul3A_1950 : vector<16xi32>
    %add3A_1952 = arith.addi %sub3A_1945, %mul3A_1951 : vector<16xi32>
    %div3A_1953 = arith.constant 128 : i32
    %div3A_1954 = vector.broadcast %div3A_1953 : i32 to vector<16xi32>
    %div3A_1955 = arith.divsi %rem3A_1944, %div3A_1954 : vector<16xi32>
    %add3A_1956 = arith.addi %add3A_1952, %div3A_1955 : vector<16xi32>
    %swap3A_1957 = arith.constant 384 : index
    %swap3A_1958 = tpu.vector_load %arg11[%swap3A_1957] {strides = array<i32>} : memref<512xi32, #tpu.memory_space<vmem>>, vector<16xi32>,
    %swap3A_1959 = vector.shape_cast %swap3A_1958 : vector<16xi32> to vector<16xi32>
    %swap3A_1960 = vector.shape_cast %add3A_1956 : vector<16xi32> to vector<16xi32>
    tpu.vector_store %arg11[%swap3A_1957], %swap3A_1960 {strides = array<i32>} : memref<512xi32, #tpu.memory_space<vmem>>, vector<16xi32>,
    %get3A_1961 = arith.constant 400 : index
    %get3A_1962 = tpu.vector_load %arg11[%get3A_1961] {strides = array<i32>} : memref<512xi32, #tpu.memory_space<vmem>>, vector<16xi32>,
    %get3A_1963 = vector.shape_cast %get3A_1962 : vector<16xi32> to vector<16xi32>
    %rem3A_1964 = arith.constant 1024 : i32
    %rem3A_1965 = vector.broadcast %rem3A_1964 : i32 to vector<16xi32>
    %rem3A_1966 = arith.remsi %get3A_1963, %rem3A_1965 : vector<16xi32>
    %sub3A_1967 = arith.subi %get3A_1963, %rem3A_1966 : vector<16xi32>
    %rem3A_1968 = arith.constant 128 : i32
    %rem3A_1969 = vector.broadcast %rem3A_1968 : i32 to vector<16xi32>
    %rem3A_1970 = arith.remsi %rem3A_1966, %rem3A_1969 : vector<16xi32>
    %mul3A_1971 = arith.constant 8 : i32
    %mul3A_1972 = vector.broadcast %mul3A_1971 : i32 to vector<16xi32>
    %mul3A_1973 = arith.muli %rem3A_1970, %mul3A_1972 : vector<16xi32>
    %add3A_1974 = arith.addi %sub3A_1967, %mul3A_1973 : vector<16xi32>
    %div3A_1975 = arith.constant 128 : i32
    %div3A_1976 = vector.broadcast %div3A_1975 : i32 to vector<16xi32>
    %div3A_1977 = arith.divsi %rem3A_1966, %div3A_1976 : vector<16xi32>
    %add3A_1978 = arith.addi %add3A_1974, %div3A_1977 : vector<16xi32>
    %swap3A_1979 = arith.constant 400 : index
    %swap3A_1980 = tpu.vector_load %arg11[%swap3A_1979] {strides = array<i32>} : memref<512xi32, #tpu.memory_space<vmem>>, vector<16xi32>,
    %swap3A_1981 = vector.shape_cast %swap3A_1980 : vector<16xi32> to vector<16xi32>
    %swap3A_1982 = vector.shape_cast %add3A_1978 : vector<16xi32> to vector<16xi32>
    tpu.vector_store %arg11[%swap3A_1979], %swap3A_1982 {strides = array<i32>} : memref<512xi32, #tpu.memory_space<vmem>>, vector<16xi32>,
    %get3A_1983 = arith.constant 416 : index
    %get3A_1984 = tpu.vector_load %arg11[%get3A_1983] {strides = array<i32>} : memref<512xi32, #tpu.memory_space<vmem>>, vector<16xi32>,
    %get3A_1985 = vector.shape_cast %get3A_1984 : vector<16xi32> to vector<16xi32>
    %rem3A_1986 = arith.constant 1024 : i32
    %rem3A_1987 = vector.broadcast %rem3A_1986 : i32 to vector<16xi32>
    %rem3A_1988 = arith.remsi %get3A_1985, %rem3A_1987 : vector<16xi32>
    %sub3A_1989 = arith.subi %get3A_1985, %rem3A_1988 : vector<16xi32>
    %rem3A_1990 = arith.constant 128 : i32
    %rem3A_1991 = vector.broadcast %rem3A_1990 : i32 to vector<16xi32>
    %rem3A_1992 = arith.remsi %rem3A_1988, %rem3A_1991 : vector<16xi32>
    %mul3A_1993 = arith.constant 8 : i32
    %mul3A_1994 = vector.broadcast %mul3A_1993 : i32 to vector<16xi32>
    %mul3A_1995 = arith.muli %rem3A_1992, %mul3A_1994 : vector<16xi32>
    %add3A_1996 = arith.addi %sub3A_1989, %mul3A_1995 : vector<16xi32>
    %div3A_1997 = arith.constant 128 : i32
    %div3A_1998 = vector.broadcast %div3A_1997 : i32 to vector<16xi32>
    %div3A_1999 = arith.divsi %rem3A_1988, %div3A_1998 : vector<16xi32>
    %add3A_2000 = arith.addi %add3A_1996, %div3A_1999 : vector<16xi32>
    %swap3A_2001 = arith.constant 416 : index
    %swap3A_2002 = tpu.vector_load %arg11[%swap3A_2001] {strides = array<i32>} : memref<512xi32, #tpu.memory_space<vmem>>, vector<16xi32>,
    %swap3A_2003 = vector.shape_cast %swap3A_2002 : vector<16xi32> to vector<16xi32>
    %swap3A_2004 = vector.shape_cast %add3A_2000 : vector<16xi32> to vector<16xi32>
    tpu.vector_store %arg11[%swap3A_2001], %swap3A_2004 {strides = array<i32>} : memref<512xi32, #tpu.memory_space<vmem>>, vector<16xi32>,
    %get3A_2005 = arith.constant 432 : index
    %get3A_2006 = tpu.vector_load %arg11[%get3A_2005] {strides = array<i32>} : memref<512xi32, #tpu.memory_space<vmem>>, vector<16xi32>,
    %get3A_2007 = vector.shape_cast %get3A_2006 : vector<16xi32> to vector<16xi32>
    %rem3A_2008 = arith.constant 1024 : i32
    %rem3A_2009 = vector.broadcast %rem3A_2008 : i32 to vector<16xi32>
    %rem3A_2010 = arith.remsi %get3A_2007, %rem3A_2009 : vector<16xi32>
    %sub3A_2011 = arith.subi %get3A_2007, %rem3A_2010 : vector<16xi32>
    %rem3A_2012 = arith.constant 128 : i32
    %rem3A_2013 = vector.broadcast %rem3A_2012 : i32 to vector<16xi32>
    %rem3A_2014 = arith.remsi %rem3A_2010, %rem3A_2013 : vector<16xi32>
    %mul3A_2015 = arith.constant 8 : i32
    %mul3A_2016 = vector.broadcast %mul3A_2015 : i32 to vector<16xi32>
    %mul3A_2017 = arith.muli %rem3A_2014, %mul3A_2016 : vector<16xi32>
    %add3A_2018 = arith.addi %sub3A_2011, %mul3A_2017 : vector<16xi32>
    %div3A_2019 = arith.constant 128 : i32
    %div3A_2020 = vector.broadcast %div3A_2019 : i32 to vector<16xi32>
    %div3A_2021 = arith.divsi %rem3A_2010, %div3A_2020 : vector<16xi32>
    %add3A_2022 = arith.addi %add3A_2018, %div3A_2021 : vector<16xi32>
    %swap3A_2023 = arith.constant 432 : index
    %swap3A_2024 = tpu.vector_load %arg11[%swap3A_2023] {strides = array<i32>} : memref<512xi32, #tpu.memory_space<vmem>>, vector<16xi32>,
    %swap3A_2025 = vector.shape_cast %swap3A_2024 : vector<16xi32> to vector<16xi32>
    %swap3A_2026 = vector.shape_cast %add3A_2022 : vector<16xi32> to vector<16xi32>
    tpu.vector_store %arg11[%swap3A_2023], %swap3A_2026 {strides = array<i32>} : memref<512xi32, #tpu.memory_space<vmem>>, vector<16xi32>,
    %get3A_2027 = arith.constant 448 : index
    %get3A_2028 = tpu.vector_load %arg11[%get3A_2027] {strides = array<i32>} : memref<512xi32, #tpu.memory_space<vmem>>, vector<16xi32>,
    %get3A_2029 = vector.shape_cast %get3A_2028 : vector<16xi32> to vector<16xi32>
    %rem3A_2030 = arith.constant 1024 : i32
    %rem3A_2031 = vector.broadcast %rem3A_2030 : i32 to vector<16xi32>
    %rem3A_2032 = arith.remsi %get3A_2029, %rem3A_2031 : vector<16xi32>
    %sub3A_2033 = arith.subi %get3A_2029, %rem3A_2032 : vector<16xi32>
    %rem3A_2034 = arith.constant 128 : i32
    %rem3A_2035 = vector.broadcast %rem3A_2034 : i32 to vector<16xi32>
    %rem3A_2036 = arith.remsi %rem3A_2032, %rem3A_2035 : vector<16xi32>
    %mul3A_2037 = arith.constant 8 : i32
    %mul3A_2038 = vector.broadcast %mul3A_2037 : i32 to vector<16xi32>
    %mul3A_2039 = arith.muli %rem3A_2036, %mul3A_2038 : vector<16xi32>
    %add3A_2040 = arith.addi %sub3A_2033, %mul3A_2039 : vector<16xi32>
    %div3A_2041 = arith.constant 128 : i32
    %div3A_2042 = vector.broadcast %div3A_2041 : i32 to vector<16xi32>
    %div3A_2043 = arith.divsi %rem3A_2032, %div3A_2042 : vector<16xi32>
    %add3A_2044 = arith.addi %add3A_2040, %div3A_2043 : vector<16xi32>
    %swap3A_2045 = arith.constant 448 : index
    %swap3A_2046 = tpu.vector_load %arg11[%swap3A_2045] {strides = array<i32>} : memref<512xi32, #tpu.memory_space<vmem>>, vector<16xi32>,
    %swap3A_2047 = vector.shape_cast %swap3A_2046 : vector<16xi32> to vector<16xi32>
    %swap3A_2048 = vector.shape_cast %add3A_2044 : vector<16xi32> to vector<16xi32>
    tpu.vector_store %arg11[%swap3A_2045], %swap3A_2048 {strides = array<i32>} : memref<512xi32, #tpu.memory_space<vmem>>, vector<16xi32>,
    %get3A_2049 = arith.constant 464 : index
    %get3A_2050 = tpu.vector_load %arg11[%get3A_2049] {strides = array<i32>} : memref<512xi32, #tpu.memory_space<vmem>>, vector<16xi32>,
    %get3A_2051 = vector.shape_cast %get3A_2050 : vector<16xi32> to vector<16xi32>
    %rem3A_2052 = arith.constant 1024 : i32
    %rem3A_2053 = vector.broadcast %rem3A_2052 : i32 to vector<16xi32>
    %rem3A_2054 = arith.remsi %get3A_2051, %rem3A_2053 : vector<16xi32>
    %sub3A_2055 = arith.subi %get3A_2051, %rem3A_2054 : vector<16xi32>
    %rem3A_2056 = arith.constant 128 : i32
    %rem3A_2057 = vector.broadcast %rem3A_2056 : i32 to vector<16xi32>
    %rem3A_2058 = arith.remsi %rem3A_2054, %rem3A_2057 : vector<16xi32>
    %mul3A_2059 = arith.constant 8 : i32
    %mul3A_2060 = vector.broadcast %mul3A_2059 : i32 to vector<16xi32>
    %mul3A_2061 = arith.muli %rem3A_2058, %mul3A_2060 : vector<16xi32>
    %add3A_2062 = arith.addi %sub3A_2055, %mul3A_2061 : vector<16xi32>
    %div3A_2063 = arith.constant 128 : i32
    %div3A_2064 = vector.broadcast %div3A_2063 : i32 to vector<16xi32>
    %div3A_2065 = arith.divsi %rem3A_2054, %div3A_2064 : vector<16xi32>
    %add3A_2066 = arith.addi %add3A_2062, %div3A_2065 : vector<16xi32>
    %swap3A_2067 = arith.constant 464 : index
    %swap3A_2068 = tpu.vector_load %arg11[%swap3A_2067] {strides = array<i32>} : memref<512xi32, #tpu.memory_space<vmem>>, vector<16xi32>,
    %swap3A_2069 = vector.shape_cast %swap3A_2068 : vector<16xi32> to vector<16xi32>
    %swap3A_2070 = vector.shape_cast %add3A_2066 : vector<16xi32> to vector<16xi32>
    tpu.vector_store %arg11[%swap3A_2067], %swap3A_2070 {strides = array<i32>} : memref<512xi32, #tpu.memory_space<vmem>>, vector<16xi32>,
    %get3A_2071 = arith.constant 480 : index
    %get3A_2072 = tpu.vector_load %arg11[%get3A_2071] {strides = array<i32>} : memref<512xi32, #tpu.memory_space<vmem>>, vector<16xi32>,
    %get3A_2073 = vector.shape_cast %get3A_2072 : vector<16xi32> to vector<16xi32>
    %rem3A_2074 = arith.constant 1024 : i32
    %rem3A_2075 = vector.broadcast %rem3A_2074 : i32 to vector<16xi32>
    %rem3A_2076 = arith.remsi %get3A_2073, %rem3A_2075 : vector<16xi32>
    %sub3A_2077 = arith.subi %get3A_2073, %rem3A_2076 : vector<16xi32>
    %rem3A_2078 = arith.constant 128 : i32
    %rem3A_2079 = vector.broadcast %rem3A_2078 : i32 to vector<16xi32>
    %rem3A_2080 = arith.remsi %rem3A_2076, %rem3A_2079 : vector<16xi32>
    %mul3A_2081 = arith.constant 8 : i32
    %mul3A_2082 = vector.broadcast %mul3A_2081 : i32 to vector<16xi32>
    %mul3A_2083 = arith.muli %rem3A_2080, %mul3A_2082 : vector<16xi32>
    %add3A_2084 = arith.addi %sub3A_2077, %mul3A_2083 : vector<16xi32>
    %div3A_2085 = arith.constant 128 : i32
    %div3A_2086 = vector.broadcast %div3A_2085 : i32 to vector<16xi32>
    %div3A_2087 = arith.divsi %rem3A_2076, %div3A_2086 : vector<16xi32>
    %add3A_2088 = arith.addi %add3A_2084, %div3A_2087 : vector<16xi32>
    %swap3A_2089 = arith.constant 480 : index
    %swap3A_2090 = tpu.vector_load %arg11[%swap3A_2089] {strides = array<i32>} : memref<512xi32, #tpu.memory_space<vmem>>, vector<16xi32>,
    %swap3A_2091 = vector.shape_cast %swap3A_2090 : vector<16xi32> to vector<16xi32>
    %swap3A_2092 = vector.shape_cast %add3A_2088 : vector<16xi32> to vector<16xi32>
    tpu.vector_store %arg11[%swap3A_2089], %swap3A_2092 {strides = array<i32>} : memref<512xi32, #tpu.memory_space<vmem>>, vector<16xi32>,
    %get3A_2093 = arith.constant 496 : index
    %get3A_2094 = tpu.vector_load %arg11[%get3A_2093] {strides = array<i32>} : memref<512xi32, #tpu.memory_space<vmem>>, vector<16xi32>,
    %get3A_2095 = vector.shape_cast %get3A_2094 : vector<16xi32> to vector<16xi32>
    %rem3A_2096 = arith.constant 1024 : i32
    %rem3A_2097 = vector.broadcast %rem3A_2096 : i32 to vector<16xi32>
    %rem3A_2098 = arith.remsi %get3A_2095, %rem3A_2097 : vector<16xi32>
    %sub3A_2099 = arith.subi %get3A_2095, %rem3A_2098 : vector<16xi32>
    %rem3A_2100 = arith.constant 128 : i32
    %rem3A_2101 = vector.broadcast %rem3A_2100 : i32 to vector<16xi32>
    %rem3A_2102 = arith.remsi %rem3A_2098, %rem3A_2101 : vector<16xi32>
    %mul3A_2103 = arith.constant 8 : i32
    %mul3A_2104 = vector.broadcast %mul3A_2103 : i32 to vector<16xi32>
    %mul3A_2105 = arith.muli %rem3A_2102, %mul3A_2104 : vector<16xi32>
    %add3A_2106 = arith.addi %sub3A_2099, %mul3A_2105 : vector<16xi32>
    %div3A_2107 = arith.constant 128 : i32
    %div3A_2108 = vector.broadcast %div3A_2107 : i32 to vector<16xi32>
    %div3A_2109 = arith.divsi %rem3A_2098, %div3A_2108 : vector<16xi32>
    %add3A_2110 = arith.addi %add3A_2106, %div3A_2109 : vector<16xi32>
    %swap3A_2111 = arith.constant 496 : index
    %swap3A_2112 = tpu.vector_load %arg11[%swap3A_2111] {strides = array<i32>} : memref<512xi32, #tpu.memory_space<vmem>>, vector<16xi32>,
    %swap3A_2113 = vector.shape_cast %swap3A_2112 : vector<16xi32> to vector<16xi32>
    %swap3A_2114 = vector.shape_cast %add3A_2110 : vector<16xi32> to vector<16xi32>
    tpu.vector_store %arg11[%swap3A_2111], %swap3A_2114 {strides = array<i32>} : memref<512xi32, #tpu.memory_space<vmem>>, vector<16xi32>,
    %dma_start3A_2115 = arith.constant 0 : i32
    %dma_start3A_2116 = arith.constant 0 : i32
    %dma_start3A_2117 = tpu.memref_slice %arg7[%dma_start3A_2115, %dma_start3A_2116] : memref<1024x16xf32, #tpu.memory_space<hbm>> -> memref<1024x16xf32, #tpu.memory_space<hbm>>
    tpu.enqueue_indirect_dma source(%dma_start3A_2117 : memref<1024x16xf32, #tpu.memory_space<hbm>>) target(%arg16 : memref<512x16xf32, #tpu.memory_space<vmem>>) offsets(%arg11 : memref<512xi32, #tpu.memory_space<vmem>>) semaphore(%arg19 : memref<!tpu.dma_semaphore, #tpu.memory_space<semaphore_mem>>)
    %dma_wait3A = arith.constant 0 : i32
    %dma_wait3A_2118 = arith.constant 0 : i32
    %dma_wait3A_2119 = tpu.memref_slice %arg5[%dma_wait3A, %dma_wait3A_2118] : memref<1048576x32xf32, #tpu.memory_space<hbm>> -> memref<1048576x32xf32, #tpu.memory_space<hbm>>
    tpu.wait_indirect_dma semaphore(%arg17 : memref<!tpu.dma_semaphore, #tpu.memory_space<semaphore_mem>>) src(%dma_wait3A_2119 : memref<1048576x32xf32, #tpu.memory_space<hbm>>) dst(%arg14 : memref<512x32xf32, #tpu.memory_space<vmem>>)
    "tpu.region"() ({
      %run_scoped3A = tpu.sem_alloc : memref<!tpu.dma_semaphore, #tpu.memory_space<semaphore_mem>>
      %dma_start3A_2126 = arith.constant 0 : i32
      %dma_start3A_2127 = tpu.memref_slice %arg8[%mul3A_2, %dma_start3A_2126] : memref<16384x32xf32, #tpu.memory_space<hbm>> -> memref<512x32xf32, #tpu.memory_space<hbm>>
      %dma_start3A_2128 = arith.constant 0 : i32
      %dma_start3A_2129 = tpu.memref_slice %arg8[%mul3A_2, %dma_start3A_2128] : memref<16384x32xf32, #tpu.memory_space<hbm>> -> memref<512x32xf32, #tpu.memory_space<hbm>>
      tpu.enqueue_dma source(%arg14 : memref<512x32xf32, #tpu.memory_space<vmem>>) target(%dma_start3A_2129 : memref<512x32xf32, #tpu.memory_space<hbm>>) target_semaphore(%run_scoped3A : memref<!tpu.dma_semaphore, #tpu.memory_space<semaphore_mem>>)
      %dma_wait3A_2130 = arith.constant 0 : i32
      %dma_wait3A_2131 = tpu.memref_slice %arg8[%mul3A_2, %dma_wait3A_2130] : memref<16384x32xf32, #tpu.memory_space<hbm>> -> memref<512x32xf32, #tpu.memory_space<hbm>>
      %dma_wait3A_2132 = arith.constant 0 : i32
      %dma_wait3A_2133 = tpu.memref_slice %arg8[%mul3A_2, %dma_wait3A_2132] : memref<16384x32xf32, #tpu.memory_space<hbm>> -> memref<512x32xf32, #tpu.memory_space<hbm>>
      tpu.wait_dma2 semaphore(%run_scoped3A : memref<!tpu.dma_semaphore, #tpu.memory_space<semaphore_mem>>) src(%arg14 : memref<512x32xf32, #tpu.memory_space<vmem>>) dst(%dma_wait3A_2133 : memref<512x32xf32, #tpu.memory_space<hbm>>)
      tpu.yield
    }) : () -> ()
    %dma_wait3A_2120 = arith.constant 0 : i32
    %dma_wait3A_2121 = arith.constant 0 : i32
    %dma_wait3A_2122 = tpu.memref_slice %arg6[%dma_wait3A_2120, %dma_wait3A_2121] : memref<114688x32xf32, #tpu.memory_space<hbm>> -> memref<114688x32xf32, #tpu.memory_space<hbm>>
    tpu.wait_indirect_dma semaphore(%arg18 : memref<!tpu.dma_semaphore, #tpu.memory_space<semaphore_mem>>) src(%dma_wait3A_2122 : memref<114688x32xf32, #tpu.memory_space<hbm>>) dst(%arg15 : memref<512x32xf32, #tpu.memory_space<vmem>>)
    "tpu.region"() ({
      %run_scoped3A = tpu.sem_alloc : memref<!tpu.dma_semaphore, #tpu.memory_space<semaphore_mem>>
      %dma_start3A_2126 = arith.constant 0 : i32
      %dma_start3A_2127 = tpu.memref_slice %arg9[%mul3A_2, %dma_start3A_2126] : memref<16384x32xf32, #tpu.memory_space<hbm>> -> memref<512x32xf32, #tpu.memory_space<hbm>>
      %dma_start3A_2128 = arith.constant 0 : i32
      %dma_start3A_2129 = tpu.memref_slice %arg9[%mul3A_2, %dma_start3A_2128] : memref<16384x32xf32, #tpu.memory_space<hbm>> -> memref<512x32xf32, #tpu.memory_space<hbm>>
      tpu.enqueue_dma source(%arg15 : memref<512x32xf32, #tpu.memory_space<vmem>>) target(%dma_start3A_2129 : memref<512x32xf32, #tpu.memory_space<hbm>>) target_semaphore(%run_scoped3A : memref<!tpu.dma_semaphore, #tpu.memory_space<semaphore_mem>>)
      %dma_wait3A_2130 = arith.constant 0 : i32
      %dma_wait3A_2131 = tpu.memref_slice %arg9[%mul3A_2, %dma_wait3A_2130] : memref<16384x32xf32, #tpu.memory_space<hbm>> -> memref<512x32xf32, #tpu.memory_space<hbm>>
      %dma_wait3A_2132 = arith.constant 0 : i32
      %dma_wait3A_2133 = tpu.memref_slice %arg9[%mul3A_2, %dma_wait3A_2132] : memref<16384x32xf32, #tpu.memory_space<hbm>> -> memref<512x32xf32, #tpu.memory_space<hbm>>
      tpu.wait_dma2 semaphore(%run_scoped3A : memref<!tpu.dma_semaphore, #tpu.memory_space<semaphore_mem>>) src(%arg15 : memref<512x32xf32, #tpu.memory_space<vmem>>) dst(%dma_wait3A_2133 : memref<512x32xf32, #tpu.memory_space<hbm>>)
      tpu.yield
    }) : () -> ()
    %dma_wait3A_2123 = arith.constant 0 : i32
    %dma_wait3A_2124 = arith.constant 0 : i32
    %dma_wait3A_2125 = tpu.memref_slice %arg7[%dma_wait3A_2123, %dma_wait3A_2124] : memref<1024x16xf32, #tpu.memory_space<hbm>> -> memref<1024x16xf32, #tpu.memory_space<hbm>>
    tpu.wait_indirect_dma semaphore(%arg19 : memref<!tpu.dma_semaphore, #tpu.memory_space<semaphore_mem>>) src(%dma_wait3A_2125 : memref<1024x16xf32, #tpu.memory_space<hbm>>) dst(%arg16 : memref<512x16xf32, #tpu.memory_space<vmem>>)
    "tpu.region"() ({
      %run_scoped3A = tpu.sem_alloc : memref<!tpu.dma_semaphore, #tpu.memory_space<semaphore_mem>>
      %dma_start3A_2126 = arith.constant 0 : i32
      %dma_start3A_2127 = tpu.memref_slice %arg10[%mul3A_2, %dma_start3A_2126] : memref<16384x16xf32, #tpu.memory_space<hbm>> -> memref<512x16xf32, #tpu.memory_space<hbm>>
      %dma_start3A_2128 = arith.constant 0 : i32
      %dma_start3A_2129 = tpu.memref_slice %arg10[%mul3A_2, %dma_start3A_2128] : memref<16384x16xf32, #tpu.memory_space<hbm>> -> memref<512x16xf32, #tpu.memory_space<hbm>>
      tpu.enqueue_dma source(%arg16 : memref<512x16xf32, #tpu.memory_space<vmem>>) target(%dma_start3A_2129 : memref<512x16xf32, #tpu.memory_space<hbm>>) target_semaphore(%run_scoped3A : memref<!tpu.dma_semaphore, #tpu.memory_space<semaphore_mem>>)
      %dma_wait3A_2130 = arith.constant 0 : i32
      %dma_wait3A_2131 = tpu.memref_slice %arg10[%mul3A_2, %dma_wait3A_2130] : memref<16384x16xf32, #tpu.memory_space<hbm>> -> memref<512x16xf32, #tpu.memory_space<hbm>>
      %dma_wait3A_2132 = arith.constant 0 : i32
      %dma_wait3A_2133 = tpu.memref_slice %arg10[%mul3A_2, %dma_wait3A_2132] : memref<16384x16xf32, #tpu.memory_space<hbm>> -> memref<512x16xf32, #tpu.memory_space<hbm>>
      tpu.wait_dma2 semaphore(%run_scoped3A : memref<!tpu.dma_semaphore, #tpu.memory_space<semaphore_mem>>) src(%arg16 : memref<512x16xf32, #tpu.memory_space<vmem>>) dst(%dma_wait3A_2133 : memref<512x16xf32, #tpu.memory_space<hbm>>)
      tpu.yield
    }) : () -> ()
    return
  }
}

module attributes {stable_mosaic.version = 14 : i64} {
  func.func @body(%arg0: i32, %arg1: memref<32x16384xf32, #tpu.memory_space<vmem>>, %arg2: memref<4096x128xf32, #tpu.memory_space<vmem>>) attributes {dimension_semantics = [#tpu.dimension_semantics<arbitrary>], iteration_bounds = array<i64: 7>, scalar_prefetch = 0 : i64, scratch_operands = 0 : i64, tpu.core_type = #tpu.core_type<tc>, window_params = [{transform_indices = @transform_0, window_bounds = array<i64: 32, 16384>}, {transform_indices = @transform_1, window_bounds = array<i64: 4096, 128>}]} {
    %get3A = arith.constant 0 : index
    %get3A_0 = arith.constant 0 : index
    %get3A_1 = vector.load %arg1[%get3A, %get3A_0] : memref<32x16384xf32, #tpu.memory_space<vmem>>, vector<32x4096xf32>
    %get3A_2 = arith.constant 0 : index
    %get3A_3 = arith.constant 4096 : index
    %get3A_4 = vector.load %arg1[%get3A_2, %get3A_3] : memref<32x16384xf32, #tpu.memory_space<vmem>>, vector<32x4096xf32>
    %get3A_5 = arith.constant 0 : index
    %get3A_6 = arith.constant 8192 : index
    %get3A_7 = vector.load %arg1[%get3A_5, %get3A_6] : memref<32x16384xf32, #tpu.memory_space<vmem>>, vector<32x4096xf32>
    %get3A_8 = arith.constant 0 : index
    %get3A_9 = arith.constant 12288 : index
    %get3A_10 = vector.load %arg1[%get3A_8, %get3A_9] : memref<32x16384xf32, #tpu.memory_space<vmem>>, vector<32x4096xf32>
    %concatenate3A = tpu.concatenate %get3A_1, %get3A_4, %get3A_7, %get3A_10 in 0 : vector<32x4096xf32>, vector<32x4096xf32>, vector<32x4096xf32>, vector<32x4096xf32> -> vector<128x4096xf32>
    %transpose3A = tpu.transpose %concatenate3A, [1, 0] : vector<128x4096xf32> -> vector<4096x128xf32>
    %swap3A = arith.constant 0 : index
    %swap3A_11 = arith.constant 0 : index
    %swap3A_12 = vector.load %arg2[%swap3A, %swap3A_11] : memref<4096x128xf32, #tpu.memory_space<vmem>>, vector<4096x128xf32>
    tpu.vector_store %arg2[%swap3A, %swap3A_11], %transpose3A {strides = array<i32>} : memref<4096x128xf32, #tpu.memory_space<vmem>>, vector<4096x128xf32>,
    return
  }
  func.func @transform_0(%arg0: i32) -> (i32, i32) {
    %c0_i32 = arith.constant 0 : i32
    %c0_i32_0 = arith.constant 0 : i32
    return %c0_i32, %arg0 : i32, i32
  }
  func.func @transform_1(%arg0: i32) -> (i32, i32) {
    %c0_i32 = arith.constant 0 : i32
    %c0_i32_0 = arith.constant 0 : i32
    return %arg0, %c0_i32 : i32, i32
  }
}

module attributes {stable_mosaic.version = 14 : i64} {
  func.func @body(%arg0: i32, %arg1: memref<16x1024xf32, #tpu.memory_space<vmem>>, %arg2: memref<128x128xf32, #tpu.memory_space<vmem>>) attributes {dimension_semantics = [#tpu.dimension_semantics<arbitrary>], iteration_bounds = array<i64: 1>, scalar_prefetch = 0 : i64, scratch_operands = 0 : i64, tpu.core_type = #tpu.core_type<tc>, window_params = [{transform_indices = @transform_0, window_bounds = array<i64: 16, 1024>}, {transform_indices = @transform_1, window_bounds = array<i64: 128, 128>}]} {
    %get3A = arith.constant 0 : index
    %get3A_0 = arith.constant 0 : index
    %get3A_1 = vector.load %arg1[%get3A, %get3A_0] : memref<16x1024xf32, #tpu.memory_space<vmem>>, vector<16x128xf32>
    %get3A_2 = arith.constant 0 : index
    %get3A_3 = arith.constant 128 : index
    %get3A_4 = vector.load %arg1[%get3A_2, %get3A_3] : memref<16x1024xf32, #tpu.memory_space<vmem>>, vector<16x128xf32>
    %get3A_5 = arith.constant 0 : index
    %get3A_6 = arith.constant 256 : index
    %get3A_7 = vector.load %arg1[%get3A_5, %get3A_6] : memref<16x1024xf32, #tpu.memory_space<vmem>>, vector<16x128xf32>
    %get3A_8 = arith.constant 0 : index
    %get3A_9 = arith.constant 384 : index
    %get3A_10 = vector.load %arg1[%get3A_8, %get3A_9] : memref<16x1024xf32, #tpu.memory_space<vmem>>, vector<16x128xf32>
    %get3A_11 = arith.constant 0 : index
    %get3A_12 = arith.constant 512 : index
    %get3A_13 = vector.load %arg1[%get3A_11, %get3A_12] : memref<16x1024xf32, #tpu.memory_space<vmem>>, vector<16x128xf32>
    %get3A_14 = arith.constant 0 : index
    %get3A_15 = arith.constant 640 : index
    %get3A_16 = vector.load %arg1[%get3A_14, %get3A_15] : memref<16x1024xf32, #tpu.memory_space<vmem>>, vector<16x128xf32>
    %get3A_17 = arith.constant 0 : index
    %get3A_18 = arith.constant 768 : index
    %get3A_19 = vector.load %arg1[%get3A_17, %get3A_18] : memref<16x1024xf32, #tpu.memory_space<vmem>>, vector<16x128xf32>
    %get3A_20 = arith.constant 0 : index
    %get3A_21 = arith.constant 896 : index
    %get3A_22 = vector.load %arg1[%get3A_20, %get3A_21] : memref<16x1024xf32, #tpu.memory_space<vmem>>, vector<16x128xf32>
    %concatenate3A = tpu.concatenate %get3A_1, %get3A_4, %get3A_7, %get3A_10, %get3A_13, %get3A_16, %get3A_19, %get3A_22 in 0 : vector<16x128xf32>, vector<16x128xf32>, vector<16x128xf32>, vector<16x128xf32>, vector<16x128xf32>, vector<16x128xf32>, vector<16x128xf32>, vector<16x128xf32> -> vector<128x128xf32>
    %transpose3A = tpu.transpose %concatenate3A, [1, 0] : vector<128x128xf32> -> vector<128x128xf32>
    %swap3A = arith.constant 0 : index
    %swap3A_23 = arith.constant 0 : index
    %swap3A_24 = vector.load %arg2[%swap3A, %swap3A_23] : memref<128x128xf32, #tpu.memory_space<vmem>>, vector<128x128xf32>
    tpu.vector_store %arg2[%swap3A, %swap3A_23], %transpose3A {strides = array<i32>} : memref<128x128xf32, #tpu.memory_space<vmem>>, vector<128x128xf32>,
    return
  }
  func.func @transform_0(%arg0: i32) -> (i32, i32) {
    %c0_i32 = arith.constant 0 : i32
    %c0_i32_0 = arith.constant 0 : i32
    return %c0_i32, %arg0 : i32, i32
  }
  func.func @transform_1(%arg0: i32) -> (i32, i32) {
    %c0_i32 = arith.constant 0 : i32
    %c0_i32_0 = arith.constant 0 : i32
    return %arg0, %c0_i32 : i32, i32
  }
}

module attributes {stable_mosaic.version = 14 : i64} {
  func.func @body(%arg0: i32, %arg1: memref<32x65536xf32, #tpu.memory_space<vmem>>, %arg2: memref<16384x128xf32, #tpu.memory_space<vmem>>) attributes {dimension_semantics = [#tpu.dimension_semantics<arbitrary>], iteration_bounds = array<i64: 16>, scalar_prefetch = 0 : i64, scratch_operands = 0 : i64, tpu.core_type = #tpu.core_type<tc>, window_params = [{transform_indices = @transform_0, window_bounds = array<i64: 32, 65536>}, {transform_indices = @transform_1, window_bounds = array<i64: 16384, 128>}]} {
    %get3A = arith.constant 0 : index
    %get3A_0 = arith.constant 0 : index
    %get3A_1 = vector.load %arg1[%get3A, %get3A_0] : memref<32x65536xf32, #tpu.memory_space<vmem>>, vector<32x16384xf32>
    %get3A_2 = arith.constant 0 : index
    %get3A_3 = arith.constant 16384 : index
    %get3A_4 = vector.load %arg1[%get3A_2, %get3A_3] : memref<32x65536xf32, #tpu.memory_space<vmem>>, vector<32x16384xf32>
    %get3A_5 = arith.constant 0 : index
    %get3A_6 = arith.constant 32768 : index
    %get3A_7 = vector.load %arg1[%get3A_5, %get3A_6] : memref<32x65536xf32, #tpu.memory_space<vmem>>, vector<32x16384xf32>
    %get3A_8 = arith.constant 0 : index
    %get3A_9 = arith.constant 49152 : index
    %get3A_10 = vector.load %arg1[%get3A_8, %get3A_9] : memref<32x65536xf32, #tpu.memory_space<vmem>>, vector<32x16384xf32>
    %concatenate3A = tpu.concatenate %get3A_1, %get3A_4, %get3A_7, %get3A_10 in 0 : vector<32x16384xf32>, vector<32x16384xf32>, vector<32x16384xf32>, vector<32x16384xf32> -> vector<128x16384xf32>
    %transpose3A = tpu.transpose %concatenate3A, [1, 0] : vector<128x16384xf32> -> vector<16384x128xf32>
    %swap3A = arith.constant 0 : index
    %swap3A_11 = arith.constant 0 : index
    %swap3A_12 = vector.load %arg2[%swap3A, %swap3A_11] : memref<16384x128xf32, #tpu.memory_space<vmem>>, vector<16384x128xf32>
    tpu.vector_store %arg2[%swap3A, %swap3A_11], %transpose3A {strides = array<i32>} : memref<16384x128xf32, #tpu.memory_space<vmem>>, vector<16384x128xf32>,
    return
  }
  func.func @transform_0(%arg0: i32) -> (i32, i32) {
    %c0_i32 = arith.constant 0 : i32
    %c0_i32_0 = arith.constant 0 : i32
    return %c0_i32, %arg0 : i32, i32
  }
  func.func @transform_1(%arg0: i32) -> (i32, i32) {
    %c0_i32 = arith.constant 0 : i32
    %c0_i32_0 = arith.constant 0 : i32
    return %arg0, %c0_i32 : i32, i32
  }
}

module attributes {stable_mosaic.version = 14 : i64} {
  func.func @_mlp_body(%arg0: i32, %arg1: memref<13x2048xf32, #tpu.memory_space<vmem>>, %arg2: memref<2048x32xf32, #tpu.memory_space<vmem>>, %arg3: memref<2048x32xf32, #tpu.memory_space<vmem>>, %arg4: memref<2048x16xf32, #tpu.memory_space<vmem>>, %arg5: memref<64x2048xf32, #tpu.memory_space<vmem>>, %arg6: memref<64x64xf32, #tpu.memory_space<vmem>>, %arg7: memref<1x64xf32, #tpu.memory_space<vmem>>, %arg8: memref<13x64xf32, #tpu.memory_space<vmem>>, %arg9: memref<32x64xf32, #tpu.memory_space<vmem>>, %arg10: memref<32x64xf32, #tpu.memory_space<vmem>>, %arg11: memref<16x64xf32, #tpu.memory_space<vmem>>, %arg12: memref<64x64xf32, #tpu.memory_space<vmem>>, %arg13: memref<1x64xf32, #tpu.memory_space<vmem>>, %arg14: memref<64x16xf32, #tpu.memory_space<vmem>>, %arg15: memref<1x16xf32, #tpu.memory_space<vmem>>, %arg16: memref<16x1xf32, #tpu.memory_space<vmem>>, %arg17: memref<1x1xf32, #tpu.memory_space<vmem>>, %arg18: memref<2048x1xf32, #tpu.memory_space<vmem>>) attributes {dimension_semantics = [#tpu.dimension_semantics<arbitrary>], iteration_bounds = array<i64: 8>, scalar_prefetch = 0 : i64, scratch_operands = 0 : i64, tpu.core_type = #tpu.core_type<tc>, window_params = [{transform_indices = @transform_0, window_bounds = array<i64: 13, 2048>}, {transform_indices = @transform_1, window_bounds = array<i64: 2048, 32>}, {transform_indices = @transform_2, window_bounds = array<i64: 2048, 32>}, {transform_indices = @transform_3, window_bounds = array<i64: 2048, 16>}, {transform_indices = @transform_4, window_bounds = array<i64: 64, 2048>}, {pipeline_mode = #tpu.pipeline_mode<synchronous>, transform_indices = @transform_5, window_bounds = array<i64: 64, 64>}, {pipeline_mode = #tpu.pipeline_mode<synchronous>, transform_indices = @transform_6, window_bounds = array<i64: 1, 64>}, {pipeline_mode = #tpu.pipeline_mode<synchronous>, transform_indices = @transform_7, window_bounds = array<i64: 13, 64>}, {pipeline_mode = #tpu.pipeline_mode<synchronous>, transform_indices = @transform_8, window_bounds = array<i64: 32, 64>}, {pipeline_mode = #tpu.pipeline_mode<synchronous>, transform_indices = @transform_9, window_bounds = array<i64: 32, 64>}, {pipeline_mode = #tpu.pipeline_mode<synchronous>, transform_indices = @transform_10, window_bounds = array<i64: 16, 64>}, {pipeline_mode = #tpu.pipeline_mode<synchronous>, transform_indices = @transform_11, window_bounds = array<i64: 64, 64>}, {pipeline_mode = #tpu.pipeline_mode<synchronous>, transform_indices = @transform_12, window_bounds = array<i64: 1, 64>}, {pipeline_mode = #tpu.pipeline_mode<synchronous>, transform_indices = @transform_13, window_bounds = array<i64: 64, 16>}, {pipeline_mode = #tpu.pipeline_mode<synchronous>, transform_indices = @transform_14, window_bounds = array<i64: 1, 16>}, {pipeline_mode = #tpu.pipeline_mode<synchronous>, transform_indices = @transform_15, window_bounds = array<i64: 16, 1>}, {pipeline_mode = #tpu.pipeline_mode<synchronous>, transform_indices = @transform_16, window_bounds = array<i64: 1, 1>}, {transform_indices = @transform_17, window_bounds = array<i64: 2048, 1>}]} {
    %get3A = arith.constant 0 : index
    %get3A_0 = arith.constant 0 : index
    %get3A_1 = vector.load %arg6[%get3A, %get3A_0] : memref<64x64xf32, #tpu.memory_space<vmem>>, vector<64x64xf32>
    %get3A_2 = arith.constant 0 : index
    %get3A_3 = arith.constant 0 : index
    %get3A_4 = vector.load %arg12[%get3A_2, %get3A_3] : memref<64x64xf32, #tpu.memory_space<vmem>>, vector<64x64xf32>
    %dot_general3A = arith.constant dense<0.000000e+00> : vector<64x64xf32>
    %dot_general3A_5 = tpu.matmul %get3A_1, %get3A_4, %dot_general3A {dimension_numbers = #tpu.dot_dimension_numbers<[1], [0], [0], [1], [0, 0, 1, 1], [], []>, transpose_lhs_hint = false} : vector<64x64xf32>, vector<64x64xf32>, vector<64x64xf32> -> vector<64x64xf32>
    %get3A_6 = arith.constant 0 : index
    %get3A_7 = arith.constant 0 : index
    %get3A_8 = vector.load %arg13[%get3A_6, %get3A_7] : memref<1x64xf32, #tpu.memory_space<vmem>>, vector<1x64xf32>
    %get3A_9 = arith.constant 0 : index
    %get3A_10 = arith.constant 0 : index
    %get3A_11 = vector.load %arg7[%get3A_9, %get3A_10] : memref<1x64xf32, #tpu.memory_space<vmem>>, vector<1x64xf32>
    %get3A_12 = arith.constant 0 : index
    %get3A_13 = arith.constant 0 : index
    %get3A_14 = vector.load %arg12[%get3A_12, %get3A_13] : memref<64x64xf32, #tpu.memory_space<vmem>>, vector<64x64xf32>
    %dot_general3A_15 = arith.constant dense<0.000000e+00> : vector<1x64xf32>
    %dot_general3A_16 = tpu.matmul %get3A_11, %get3A_14, %dot_general3A_15 {dimension_numbers = #tpu.dot_dimension_numbers<[1], [0], [0], [1], [0, 0, 1, 1], [], []>, transpose_lhs_hint = false} : vector<1x64xf32>, vector<64x64xf32>, vector<1x64xf32> -> vector<1x64xf32>
    %add3A = arith.addf %get3A_8, %dot_general3A_16 : vector<1x64xf32>
    %get3A_17 = arith.constant 0 : index
    %get3A_18 = arith.constant 0 : index
    %get3A_19 = vector.load %arg1[%get3A_17, %get3A_18] : memref<13x2048xf32, #tpu.memory_space<vmem>>, vector<13x2048xf32>
    %get3A_20 = arith.constant 0 : index
    %get3A_21 = arith.constant 0 : index
    %get3A_22 = vector.load %arg8[%get3A_20, %get3A_21] : memref<13x64xf32, #tpu.memory_space<vmem>>, vector<13x64xf32>
    %dot_general3A_23 = arith.constant dense<0.000000e+00> : vector<2048x64xf32>
    %dot_general3A_24 = tpu.matmul %get3A_19, %get3A_22, %dot_general3A_23 {dimension_numbers = #tpu.dot_dimension_numbers<[0], [0], [1], [1], [0, 1, 1, 1], [], []>, transpose_lhs_hint = false} : vector<13x2048xf32>, vector<13x64xf32>, vector<2048x64xf32> -> vector<2048x64xf32>
    %get3A_25 = arith.constant 0 : index
    %get3A_26 = arith.constant 0 : index
    %get3A_27 = vector.load %arg2[%get3A_25, %get3A_26] : memref<2048x32xf32, #tpu.memory_space<vmem>>, vector<2048x32xf32>
    %get3A_28 = arith.constant 0 : index
    %get3A_29 = arith.constant 0 : index
    %get3A_30 = vector.load %arg9[%get3A_28, %get3A_29] : memref<32x64xf32, #tpu.memory_space<vmem>>, vector<32x64xf32>
    %dot_general3A_31 = arith.constant dense<0.000000e+00> : vector<2048x64xf32>
    %dot_general3A_32 = tpu.matmul %get3A_27, %get3A_30, %dot_general3A_31 {dimension_numbers = #tpu.dot_dimension_numbers<[1], [0], [0], [1], [0, 0, 1, 1], [], []>, transpose_lhs_hint = false} : vector<2048x32xf32>, vector<32x64xf32>, vector<2048x64xf32> -> vector<2048x64xf32>
    %add3A_33 = arith.addf %dot_general3A_24, %dot_general3A_32 : vector<2048x64xf32>
    %get3A_34 = arith.constant 0 : index
    %get3A_35 = arith.constant 0 : index
    %get3A_36 = vector.load %arg3[%get3A_34, %get3A_35] : memref<2048x32xf32, #tpu.memory_space<vmem>>, vector<2048x32xf32>
    %get3A_37 = arith.constant 0 : index
    %get3A_38 = arith.constant 0 : index
    %get3A_39 = vector.load %arg10[%get3A_37, %get3A_38] : memref<32x64xf32, #tpu.memory_space<vmem>>, vector<32x64xf32>
    %dot_general3A_40 = arith.constant dense<0.000000e+00> : vector<2048x64xf32>
    %dot_general3A_41 = tpu.matmul %get3A_36, %get3A_39, %dot_general3A_40 {dimension_numbers = #tpu.dot_dimension_numbers<[1], [0], [0], [1], [0, 0, 1, 1], [], []>, transpose_lhs_hint = false} : vector<2048x32xf32>, vector<32x64xf32>, vector<2048x64xf32> -> vector<2048x64xf32>
    %add3A_42 = arith.addf %add3A_33, %dot_general3A_41 : vector<2048x64xf32>
    %get3A_43 = arith.constant 0 : index
    %get3A_44 = arith.constant 0 : index
    %get3A_45 = vector.load %arg4[%get3A_43, %get3A_44] : memref<2048x16xf32, #tpu.memory_space<vmem>>, vector<2048x16xf32>
    %get3A_46 = arith.constant 0 : index
    %get3A_47 = arith.constant 0 : index
    %get3A_48 = vector.load %arg11[%get3A_46, %get3A_47] : memref<16x64xf32, #tpu.memory_space<vmem>>, vector<16x64xf32>
    %dot_general3A_49 = arith.constant dense<0.000000e+00> : vector<2048x64xf32>
    %dot_general3A_50 = tpu.matmul %get3A_45, %get3A_48, %dot_general3A_49 {dimension_numbers = #tpu.dot_dimension_numbers<[1], [0], [0], [1], [0, 0, 1, 1], [], []>, transpose_lhs_hint = false} : vector<2048x16xf32>, vector<16x64xf32>, vector<2048x64xf32> -> vector<2048x64xf32>
    %add3A_51 = arith.addf %add3A_42, %dot_general3A_50 : vector<2048x64xf32>
    %get3A_52 = arith.constant 0 : index
    %get3A_53 = arith.constant 0 : index
    %get3A_54 = vector.load %arg5[%get3A_52, %get3A_53] : memref<64x2048xf32, #tpu.memory_space<vmem>>, vector<64x2048xf32>
    %dot_general3A_55 = arith.constant dense<0.000000e+00> : vector<2048x64xf32>
    %dot_general3A_56 = tpu.matmul %get3A_54, %dot_general3A_5, %dot_general3A_55 {dimension_numbers = #tpu.dot_dimension_numbers<[0], [0], [1], [1], [0, 1, 1, 1], [], []>, transpose_lhs_hint = false} : vector<64x2048xf32>, vector<64x64xf32>, vector<2048x64xf32> -> vector<2048x64xf32>
    %add3A_57 = arith.addf %add3A_51, %dot_general3A_56 : vector<2048x64xf32>
    %add3A_58 = vector.broadcast %add3A : vector<1x64xf32> to vector<2048x64xf32>
    %add3A_59 = arith.addf %add3A_57, %add3A_58 : vector<2048x64xf32>
    %max3A = arith.constant 0.000000e+00 : f32
    %max3A_60 = vector.broadcast %max3A : f32 to vector<2048x64xf32>
    %max3A_61 = arith.maximumf %add3A_59, %max3A_60 : vector<2048x64xf32>
    %get3A_62 = arith.constant 0 : index
    %get3A_63 = arith.constant 0 : index
    %get3A_64 = vector.load %arg14[%get3A_62, %get3A_63] : memref<64x16xf32, #tpu.memory_space<vmem>>, vector<64x16xf32>
    %dot_general3A_65 = arith.constant dense<0.000000e+00> : vector<2048x16xf32>
    %dot_general3A_66 = tpu.matmul %max3A_61, %get3A_64, %dot_general3A_65 {dimension_numbers = #tpu.dot_dimension_numbers<[1], [0], [0], [1], [0, 0, 1, 1], [], []>, transpose_lhs_hint = false} : vector<2048x64xf32>, vector<64x16xf32>, vector<2048x16xf32> -> vector<2048x16xf32>
    %get3A_67 = arith.constant 0 : index
    %get3A_68 = arith.constant 0 : index
    %get3A_69 = vector.load %arg15[%get3A_67, %get3A_68] : memref<1x16xf32, #tpu.memory_space<vmem>>, vector<1x16xf32>
    %add3A_70 = vector.broadcast %get3A_69 : vector<1x16xf32> to vector<2048x16xf32>
    %add3A_71 = arith.addf %dot_general3A_66, %add3A_70 : vector<2048x16xf32>
    %max3A_72 = arith.constant 0.000000e+00 : f32
    %max3A_73 = vector.broadcast %max3A_72 : f32 to vector<2048x16xf32>
    %max3A_74 = arith.maximumf %add3A_71, %max3A_73 : vector<2048x16xf32>
    %get3A_75 = arith.constant 0 : index
    %get3A_76 = arith.constant 0 : index
    %get3A_77 = vector.load %arg16[%get3A_75, %get3A_76] : memref<16x1xf32, #tpu.memory_space<vmem>>, vector<16x1xf32>
    %dot_general3A_78 = arith.constant dense<0.000000e+00> : vector<2048x1xf32>
    %dot_general3A_79 = tpu.matmul %max3A_74, %get3A_77, %dot_general3A_78 {dimension_numbers = #tpu.dot_dimension_numbers<[1], [0], [0], [1], [0, 0, 1, 1], [], []>, transpose_lhs_hint = false} : vector<2048x16xf32>, vector<16x1xf32>, vector<2048x1xf32> -> vector<2048x1xf32>
    %get3A_80 = arith.constant 0 : index
    %get3A_81 = arith.constant 0 : index
    %get3A_82 = vector.load %arg17[%get3A_80, %get3A_81] : memref<1x1xf32, #tpu.memory_space<vmem>>, vector<1x1xf32>
    %add3A_83 = vector.broadcast %get3A_82 : vector<1x1xf32> to vector<2048x1xf32>
    %add3A_84 = arith.addf %dot_general3A_79, %add3A_83 : vector<2048x1xf32>
    %swap3A = arith.constant 0 : index
    %swap3A_85 = arith.constant 0 : index
    %swap3A_86 = vector.load %arg18[%swap3A, %swap3A_85] : memref<2048x1xf32, #tpu.memory_space<vmem>>, vector<2048x1xf32>
    tpu.vector_store %arg18[%swap3A, %swap3A_85], %add3A_84 {strides = array<i32>} : memref<2048x1xf32, #tpu.memory_space<vmem>>, vector<2048x1xf32>,
    return
  }
  func.func @transform_0(%arg0: i32) -> (i32, i32) {
    %c0_i32 = arith.constant 0 : i32
    %c0_i32_0 = arith.constant 0 : i32
    return %c0_i32, %arg0 : i32, i32
  }
  func.func @transform_1(%arg0: i32) -> (i32, i32) {
    %c0_i32 = arith.constant 0 : i32
    %c0_i32_0 = arith.constant 0 : i32
    return %arg0, %c0_i32 : i32, i32
  }
  func.func @transform_2(%arg0: i32) -> (i32, i32) {
    %c0_i32 = arith.constant 0 : i32
    %c0_i32_0 = arith.constant 0 : i32
    return %arg0, %c0_i32 : i32, i32
  }
  func.func @transform_3(%arg0: i32) -> (i32, i32) {
    %c0_i32 = arith.constant 0 : i32
    %c0_i32_0 = arith.constant 0 : i32
    return %arg0, %c0_i32 : i32, i32
  }
  func.func @transform_4(%arg0: i32) -> (i32, i32) {
    %c0_i32 = arith.constant 0 : i32
    %c0_i32_0 = arith.constant 0 : i32
    return %c0_i32, %arg0 : i32, i32
  }
  func.func @transform_5(%arg0: i32) -> (i32, i32) {
    %c0_i32 = arith.constant 0 : i32
    %c0_i32_0 = arith.constant 0 : i32
    %c0_i32_1 = arith.constant 0 : i32
    return %c0_i32, %c0_i32_0 : i32, i32
  }
  func.func @transform_6(%arg0: i32) -> (i32, i32) {
    %c0_i32 = arith.constant 0 : i32
    %c0_i32_0 = arith.constant 0 : i32
    %c0_i32_1 = arith.constant 0 : i32
    return %c0_i32, %c0_i32_0 : i32, i32
  }
  func.func @transform_7(%arg0: i32) -> (i32, i32) {
    %c0_i32 = arith.constant 0 : i32
    %c0_i32_0 = arith.constant 0 : i32
    %c0_i32_1 = arith.constant 0 : i32
    return %c0_i32, %c0_i32_0 : i32, i32
  }
  func.func @transform_8(%arg0: i32) -> (i32, i32) {
    %c0_i32 = arith.constant 0 : i32
    %c0_i32_0 = arith.constant 0 : i32
    %c0_i32_1 = arith.constant 0 : i32
    return %c0_i32, %c0_i32_0 : i32, i32
  }
  func.func @transform_9(%arg0: i32) -> (i32, i32) {
    %c0_i32 = arith.constant 0 : i32
    %c0_i32_0 = arith.constant 0 : i32
    %c0_i32_1 = arith.constant 0 : i32
    return %c0_i32, %c0_i32_0 : i32, i32
  }
  func.func @transform_10(%arg0: i32) -> (i32, i32) {
    %c0_i32 = arith.constant 0 : i32
    %c0_i32_0 = arith.constant 0 : i32
    %c0_i32_1 = arith.constant 0 : i32
    return %c0_i32, %c0_i32_0 : i32, i32
  }
  func.func @transform_11(%arg0: i32) -> (i32, i32) {
    %c0_i32 = arith.constant 0 : i32
    %c0_i32_0 = arith.constant 0 : i32
    %c0_i32_1 = arith.constant 0 : i32
    return %c0_i32, %c0_i32_0 : i32, i32
  }
  func.func @transform_12(%arg0: i32) -> (i32, i32) {
    %c0_i32 = arith.constant 0 : i32
    %c0_i32_0 = arith.constant 0 : i32
    %c0_i32_1 = arith.constant 0 : i32
    return %c0_i32, %c0_i32_0 : i32, i32
  }
  func.func @transform_13(%arg0: i32) -> (i32, i32) {
    %c0_i32 = arith.constant 0 : i32
    %c0_i32_0 = arith.constant 0 : i32
    %c0_i32_1 = arith.constant 0 : i32
    return %c0_i32, %c0_i32_0 : i32, i32
  }
  func.func @transform_14(%arg0: i32) -> (i32, i32) {
    %c0_i32 = arith.constant 0 : i32
    %c0_i32_0 = arith.constant 0 : i32
    %c0_i32_1 = arith.constant 0 : i32
    return %c0_i32, %c0_i32_0 : i32, i32
  }
  func.func @transform_15(%arg0: i32) -> (i32, i32) {
    %c0_i32 = arith.constant 0 : i32
    %c0_i32_0 = arith.constant 0 : i32
    %c0_i32_1 = arith.constant 0 : i32
    return %c0_i32, %c0_i32_0 : i32, i32
  }
  func.func @transform_16(%arg0: i32) -> (i32, i32) {
    %c0_i32 = arith.constant 0 : i32
    %c0_i32_0 = arith.constant 0 : i32
    %c0_i32_1 = arith.constant 0 : i32
    return %c0_i32, %c0_i32_0 : i32, i32
  }
  func.func @transform_17(%arg0: i32) -> (i32, i32) {
    %c0_i32 = arith.constant 0 : i32
    %c0_i32_0 = arith.constant 0 : i32
    return %arg0, %c0_i32 : i32, i32
  }
}

</mosaic_0001>

<sc_bundles>
// kernel: kernel.7.cloned.1.call-start
scs
__scs_entry_jumppad:
0x0: {  	(pc) =	sbr.rel $0x88, $3  }
0x1: {  	(tag) =	ssettag $0x0;
	lr =	simm.s32 $0x1  }
0x2: {  	[smem:$0x3F91] =	sst lr;
	_ =	strace $0xD0000000  }
0x3: {  	_ = 	snop  }
0x4: {  	_ = 	snop  }
0x5: {  	_ = 	snop  }
0x6: {  	_ = 	snop  }
0x7: {  	_ = 	snop  }
__scs_overlays_trampoline_lowered:
0x8: {  	[smem:$0x3FA0] =	sst s0  }
0x9: {  	[smem:$0x3FA1] =	sst s1  }
0xa: {  	[smem:$0x3FA2] =	sst s2  }
0xb: {  	[smem:$0x3FA3] =	sst s3  }
0xc: {  	[smem:$0x3FA4] =	sst s4  }
0xd: {  	[smem:$0x3FA5] =	sst s5  }
0xe: {  	[smem:$0x3FA6] =	sst s6  }
0xf: {  	[smem:$0x3FA7] =	sst s7  }
0x10: {  	[smem:$0x3FA8] =	sst s8  }
0x11: {  	[smem:$0x3FA9] =	sst s9;
	s0 =	simm.s32 @!p0 $0x0  }
0x12: {  	s1 =	sld [smem:$0x3F8F];
	s0 =	simm.s32 @p0 $0x1  }
0x13: {  	[smem:$0x3FAA] =	sst s0;
	s0 =	simm.s32 @!p1 $0x0  }
0x14: {  	s2 =	sld [smem:$0x3F8E];
	s0 =	simm.s32 @p1 $0x1  }
0x15: {  	[smem:$0x3FAB] =	sst s0;
	s0 =	simm.s32 @!p2 $0x0  }
0x16: {  	s3 =	sld [smem:$0x3FDB];
	s0 =	simm.s32 @p2 $0x1  }
0x17: {  	s4 =	simm.s32 $0x1BF5;
	[smem:$0x3FAD] =	sst s0  }
0x18: {  	s0 =	sld [smem:$0x3F90];
	_ =	swait.ge [sflag:s4], $0x0  }
0x19: {  	s7 =	sld [smem:$0x3F91]  }
0x1a: {  	s8 =	sadd.s32 $0xFFFFE003, lr  }
0x1b: {  	s9 =	sadd.s32 $0xFFFFFEF7, lr;
	s5 =	simm.s32 $0xFFFFFFFF;
	p2 =	slt.u32 s8, $0xFFFFF086  }
0x1c: {  	p1 =	slt.u32 s9, $0xF7A;
	s5 =	simm.s32 @!p2 $0x0  }
0x1d: {  	s5 =	simm.s32 @p1 $0x1;
	p0 =	seq.s32 s7, s2  }
0x1e: {  	s7 =	smul.u32 @!p0 $0xF7A, s2;
	p2 =	seq.s32 @!p0 s5, $0x0  }
0x1f: {  	s9 =	smul.u32 $0xF7A, s1;
	s8 =	simm.s32 @!p0 $0x1BF5;
	p2 =	por !p2, p0  }
0x20: {  	[sflag:s8] =	ssyncset.s32 @!p0 $0xFFFFF086;
	s6 =	sadd.s32 @!p0 s3, s7;
	s7 =	simm.s32 @!p0 $0x108  }
0x21: {  	s3 =	sadd.s32 s3, s9;
	s6 =	sadd.s32 @!p0 $0x88, s6;
	s7 =	simm.s32 @p2 $0x1082  }
0x22: {  	[simem:s7], [sflag:s8] =	dma.local @!p0 [hbm:s6], $0xF7A  }
0x23: {  	s9 =	sor.u32 $0xD0000000, s2;
	s6 =	simm.s32 $0x108;
	_ =	swait.ge @!p0 [sflag:s8], $0x0  }
0x24: {  	s3 =	sadd.s32 $0x88, s3;
	s6 =	simm.s32 @!p1 $0x1082;
	[sflag:s4] =	ssyncset.s32 $0xFFFFF086  }
0x25: {  	[simem:s6], [sflag:s4] =	dma.local [hbm:s3], $0xF7A  }
0x26: {  	[smem:$0x3F91] =	sst s1;
	(tag) =	ssettag s2;
	_ =	strace s9  }
0x27: {  	s1 =	sld [smem:$0x3FA1]  }
0x28: {  	s2 =	sld [smem:$0x3FA2]  }
0x29: {  	s4 =	sld [smem:$0x3FA4]  }
0x2a: {  	p0 =	seq.s32 s5, $0x0;
	s5 =	sld [smem:$0x3FA5]  }
0x2b: {  	s6 =	sld [smem:$0x3FA6]  }
0x2c: {  	s7 =	sld [smem:$0x3FA7]  }
0x2d: {  	s3 =	simm.s32 $0x108;
	s8 =	sld [smem:$0x3FA8]  }
0x2e: {  	s3 =	simm.s32 @!p0 $0x1082;
	s9 =	sld [smem:$0x3FA9]  }
0x2f: {  	lr =	sadd.s32 s0, s3;
	s0 =	sld [smem:$0x3FA0]  }
0x30: {  	s3 =	sld [smem:$0x3FA3]  }
0x31: {  	[smem:$0x3FAC] =	sst s10  }
0x32: {  	s10 =	sld [smem:$0x3FAA];
	_ =	sdelay $0x3  }
0x33: {  	p0 =	seq.s32 s10, $0x1;
	s10 =	sld [smem:$0x3FAC];
	_ =	sdelay $0x3  }
0x34: {  	[smem:$0x3FAC] =	sst s10  }
0x35: {  	s10 =	sld [smem:$0x3FAB];
	_ =	sdelay $0x3  }
0x36: {  	p1 =	seq.s32 s10, $0x1;
	s10 =	sld [smem:$0x3FAC];
	_ =	sdelay $0x3  }
0x37: {  	[smem:$0x3FAC] =	sst s10  }
0x38: {  	s10 =	sld [smem:$0x3FAD]  }
0x39: {  	_ = 	snop;
	(pc) =	sbr.ind lr, $3  }
0x3a: {  	_ = 	snop  }
0x3b: {  	_ = 	snop  }
0x3c: {  	p2 =	seq.s32 s10, $0x1;
	s10 =	sld [smem:$0x3FAC]  }
0x3d: {  	_ =	shalt  }
0x3e: {  	_ =	shalt  }
0x3f: {  	_ =	shalt  }
0x40: {  	_ =	shalt  }
0x41: {  	_ =	shalt  }
0x42: {  	_ =	shalt  }
0x43: {  	_ =	shalt  }
0x44: {  	_ =	shalt  }
0x45: {  	_ =	shalt  }
0x46: {  	_ =	shalt  }
0x47: {  	_ =	shalt  }
0x48: {  	_ =	shalt  }
0x49: {  	_ =	shalt  }
0x4a: {  	_ =	shalt  }
0x4b: {  	_ =	shalt  }
0x4c: {  	_ =	shalt  }
0x4d: {  	_ =	shalt  }
0x4e: {  	_ =	shalt  }
0x4f: {  	_ =	shalt  }
0x50: {  	_ =	shalt  }
0x51: {  	_ =	shalt  }
0x52: {  	_ =	shalt  }
0x53: {  	_ =	shalt  }
0x54: {  	_ =	shalt  }
0x55: {  	_ =	shalt  }
0x56: {  	_ =	shalt  }
0x57: {  	_ =	shalt  }
0x58: {  	_ =	shalt  }
0x59: {  	_ =	shalt  }
0x5a: {  	_ =	shalt  }
0x5b: {  	_ =	shalt  }
0x5c: {  	_ =	shalt  }
0x5d: {  	_ =	shalt  }
0x5e: {  	_ =	shalt  }
0x5f: {  	_ =	shalt  }
0x60: {  	_ =	shalt  }
0x61: {  	_ =	shalt  }
0x62: {  	_ =	shalt  }
0x63: {  	_ =	shalt  }
0x64: {  	_ =	shalt  }
0x65: {  	_ =	shalt  }
0x66: {  	_ =	shalt  }
0x67: {  	_ =	shalt  }
0x68: {  	_ =	shalt  }
0x69: {  	_ =	shalt  }
0x6a: {  	_ =	shalt  }
0x6b: {  	_ =	shalt  }
0x6c: {  	_ =	shalt  }
0x6d: {  	_ =	shalt  }
0x6e: {  	_ =	shalt  }
0x6f: {  	_ =	shalt  }
0x70: {  	_ =	shalt  }
0x71: {  	_ =	shalt  }
0x72: {  	_ =	shalt  }
0x73: {  	_ =	shalt  }
0x74: {  	_ =	shalt  }
0x75: {  	_ =	shalt  }
0x76: {  	_ =	shalt  }
0x77: {  	_ =	shalt  }
0x78: {  	_ =	shalt  }
0x79: {  	_ =	shalt  }
0x7a: {  	_ =	shalt  }
0x7b: {  	_ =	shalt  }
0x7c: {  	_ =	shalt  }
0x7d: {  	_ =	shalt  }
0x7e: {  	_ =	shalt  }
0x7f: {  	_ =	shalt  }
0x80: {  	_ =	shalt  }
0x81: {  	_ =	shalt  }
0x82: {  	_ =	shalt  }
0x83: {  	_ =	shalt  }
0x84: {  	_ =	shalt  }
0x85: {  	_ =	shalt  }
0x86: {  	_ =	shalt  }
0x87: {  	_ =	shalt  }
.Lfunc_end0:
.L_simem_size_0:
called_computation_lowered:
.L_overlay_start_0:
0x88: {  	s2 =	sld [smem:$0x3FD9]  }
0x89: {  	s3 =	sld [smem:$0x3FFE];
	_ =	sdelay $0x1  }
0x8a: {  	s1 =	srdreg.scid  }
0x8b: {  	s0 =	sand.u32 $0x1, s1  }
0x8c: {  	s17 =	sshll.u32 s0, $0xA;
	s2 =	sadd.s32 s3, s2  }
0x8d: {  	s2 =	sadd.s32 s2, s17  }
0x8e: {  	[smem:$0x3FB8] =	sst s2  }
0x8f: {  	_ = 	snop  }
0x90: {  	s2 =	sld [smem:$0x3FC8]  }
0x91: {  	s18 =	sld [smem:$0x3FC7]  }
0x92: {  	s4 =	sld [smem:$0x3FC6]  }
0x93: {  	s5 =	sld [smem:$0x3FD0];
	(tm) =	ssettm $0x1  }
0x94: {  	s6 =	sld [smem:$0x3FFB];
	_ =	sdelay $0x3  }
0x95: {  	_ =	strace s6  }
0x96: {  	s6 =	sld [smem:$0x3FFC];
	_ =	sdelay $0x3  }
0x97: {  	_ =	strace s6  }
0x98: {  	s6 =	sld [smem:$0x3FFD];
	_ =	sdelay $0x3  }
0x99: {  	_ =	strace s6  }
0x9a: {  	_ =	strace $0x8FFFFFFF  }
0x9b: {  	s19 =	sld [smem:$0x3FDB];
	_ =	sdelay $0x1  }
0x9c: {  	s7 =	simm.s32 $_scs_section_size  }
0x9d: {  	s8 =	simm.s32 $_size__tile_overlayer_lowered;
	s9 =	simm.s32 $_tile_overlayer_lowered  }
0x9e: {  	s22 =	simm.s32 $0x1BFF;
	s21 =	sshll.u32 s9, $0x1;
	s6 =	sadd.s32 s7, s19  }
0x9f: {  	s10 =	simm.s32 $0x0;
	s20 =	sshll.u32 s8, $0x1;
	s8 =	sadd.s32 s21, s6  }
0xa0: {  	[timem:s10], [sflag:s22] =	dma.local [hbm:s8], s20  }
0xa1: {  	_ =	swait.ge [sflag:s22], s20  }
0xa2: {  	s7 =	ssub.s32 $0x0, s20;
	[sflag:s22] =	ssyncset.done $0x0  }
0xa3: {  	[sflag:s22] =	ssyncadd.s32 s7;
	_ =	sdelay $0x1  }
0xa4: {  	s23 =	simm.s32 $0x1B8B  }
0xa5: {  	_ =	swait.ge [sflag:s23], $0x1  }
0xa6: {  	[sflag:s23] =	ssyncset.done $0x0  }
0xa7: {  	s25 =	simm.s32 $0x1B8E;
	s24 =	sld [smem:$0x3FFE];
	[sflag:s23] =	ssyncadd.s32 $0xFFFFFFFF  }
0xa8: {  	s26 =	simm.s32 $execute0_lowered;
	[smem:$0x3FD2] =	sst s25  }
0xa9: {  	s8 =	sshll.u32 s26, $0x1;
	_ =	strace $0x80000046;
	[dreg:$0x1] =	wrdreg $0xFFFFFFFF  }
0xaa: {  	s28 =	simm.s32 $_size_execute0_lowered;
	s6 =	sadd.s32 s6, s8;
	[dreg:$0x0] =	wrdreg $0x0  }
0xab: {  	s8 =	sshll.u32 s28, $0x1;
	[dreg:$0x2] =	wrdreg s6  }
0xac: {  	[dreg:$0x3] =	wrdreg s8  }
0xad: {  	[dreg:$0x4] =	wrdreg $0xC0  }
0xae: {  	_ =	task [dreg:s10], $0x5FFFF  }
0xaf: {  	[dreg:$0x1] =	wrdreg $0xFFFFFFFF  }
0xb0: {  	[dreg:$0x0] =	wrdreg $0x60  }
0xb1: {  	[dreg:$0x2] =	wrdreg s2  }
0xb2: {  	[dreg:$0x3] =	wrdreg s18  }
0xb3: {  	[dreg:$0x4] =	wrdreg s4  }
0xb4: {  	[dreg:$0x5] =	wrdreg s24  }
0xb5: {  	[dreg:$0x6] =	wrdreg s5  }
0xb6: {  	[dreg:$0x7] =	wrdreg $0x9  }
0xb7: {  	_ =	task.clear_ibuf [dreg:s10], $0x8FFFF;
	_ =	strace $0x90000046  }
0xb8: {  	s29 =	simm.s32 $0x9;
	_ =	strace $0x80000048  }
0xb9: {  	_ =	swait.ge [sflag:s29], $0x1  }
0xba: {  	[sflag:s29] =	ssyncadd.s32 $0xFFFFFFFF  }
0xbb: {  	_ =	strace $0x90000048  }
0xbc: {  	_ =	sfence  }
0xbd: {  	s30 =	sld [smem:$0x0];
	_ =	sdelay $0x2  }
0xbe: {  	s31 =	sshll.u32 s1, $0xD;
	s1 =	sshrl.u32 s1, $0x2  }
0xbf: {  	s3 =	sand.u32 $0x4000, s31;
	s1 =	sadd.s32 s1, s30  }
0xc0: {  	s0 =	sor.u32 s3, s0;
	s1 =	sshll.u32 s1, $0x11  }
0xc1: {  	s0 =	sor.u32 s1, s0  }
0xc2: {  	s0 =	sadd.s32 $0x8F2B, s0  }
0xc3: {  	[sflag:s0] =	ssyncadd.remote.s32 $0x1  }
0xc4: {  	_ =	sfence.sel $0xFFFF  }
0xc5: {  	[dreg:$0x0] =	wrdreg $0xFFFFFFFF;
	(pc) =	sbr.abs _section_cstart, $3  }
0xc6: {  	[dreg:$0x1] =	wrdreg $0xFFFFFFFF  }
0xc7: {  	_ =	task.clear_ibuf [dreg:s10], $0x2FFFF;
	_ =	strace $0x9FFFFFFF  }
0xc8: {  	(tm) =	ssettm $0x7FFFFFFF  }
0xc9: {  	_ =	shalt  }
tec
execute0_lowered:
.L_overlay_start_1:
0x0: {  	(tag) =	ssettag $0x1  }
0x1: {  	s6 =	rddreg [dreg:$0x0]  }
0x2: {  	s7 =	rddreg [dreg:$0x1]  }
0x3: {  	s8 =	rddreg [dreg:$0x2]  }
0x4: {  	s9 =	rddreg [dreg:$0x3]  }
0x5: {  	s2 =	rddreg [dreg:$0x4];
	s3 =	srdreg.scid  }
0x6: {  	s0 =	rddreg [dreg:$0x5];
	s1 =	stileid.u32  }
0x7: {  	s15 =	simm.s32 $0x600;
	s16 =	simm.s32 $0x400;
	s17 =	simm.s32 $0x4600  }
0x8: {  	s18 =	simm.s32 $0x8600;
	s19 =	simm.s32 $0x1;
	s20 =	simm.s32 $0x2  }
0x9: {  	s21 =	simm.s32 $0x3;
	s10 =	sand.u32 $0x1, s3;
	s3 =	simm.s32 $0x0  }
0xa: {  	s4 =	sshll.u32 s1, $0xA;
	s5 =	sshll.u32 s10, $0x9;
	[smem:$0x7FF] =	sst s3  }
0xb: {  	s10 =	ssub.s32 $0x2, s10;
	s11 =	sor.u32 s5, s4;
	_ =	strace $0x80000047  }
0xc: {  	s4 =	sadd.s32 $0x2200, s9;
	s5 =	sadd.s32 $0x402200, s9;
	s14 =	sshrl.u32 s10, $0x1  }
0xd: {  	s12 =	sshll.u32 s11, $0x2;
	s13 =	sshll.u32 s11, $0x1;
	s11 =	sshrl.u32 s11, $0x3  }
0xe: {  	s14 =	ssub.s32 s10, s14;
	s12 =	sadd.s32 s12, s9;
	s13 =	sadd.s32 s13, s9  }
0xf: {  	s6 =	sadd.s32 s6, s11;
	s7 =	sadd.s32 s7, s11;
	s9 =	sadd.s32 $0x472200, s12  }
0x10: {  	s8 =	sadd.s32 s8, s11;
	s10 =	sadd.s32 $0x482200, s12;
	s11 =	sadd.s32 $0x492200, s13  }
0x11: {  	s12 =	smax.u32 s14, $0x1;
	s13 =	simm.s32 $0x4;
	s14 =	simm.s32 $0x200  }
.LBB2_1:
0x12: {  	[tilespmem:s3], [sflag:$0x4] =	stream.linear.gather [hbm4b:s6+s3], $0x200, $0x38;
	[tilespmem:$0xA600] =	vst v63  }
0x13: {  	_ =	swait.ge [sflag:s13], $0x200  }
0x14: {  	[sflag:s13] =	ssyncset.done $0x0  }
0x15: {  	[sflag:s13] =	ssyncadd.s32 $0xFFFFFE00  }
0x16: {  	v0 =	vld [tilespmem:$0x0]  }
0x17: {  	v2 =	vld [tilespmem:$0x10]  }
0x18: {  	v5 =	vld [tilespmem:$0x20]  }
0x19: {  	v7 =	vld [tilespmem:$0x30]  }
0x1a: {  	v58 =	vld [tilespmem:$0x40]  }
0x1b: {  	v20 =	vld [tilespmem:$0x60]  }
0x1c: {  	v30 =	vld [tilespmem:$0x70];
	_ =	sdelay $0x2  }
0x1d: {  	v1 =	vshra.s32 v0, $0x1F  }
0x1e: {  	v4 =	vshra.s32 v2, $0x1F;
	v9 =	vshra.s32 v5, $0x1F;
	v57 =	vshra.s32 v7, $0x1F  }
0x1f: {  	v14 =	vshra.s32 v58, $0x1F;
	v29 =	vshra.s32 v20, $0x1F;
	v38 =	vshra.s32 v30, $0x1F  }
0x20: {  	v1 =	vshrl.u32 v1, $0x10;
	v4 =	vshrl.u32 v4, $0x10;
	v51 =	vshrl.u32 v9, $0x10  }
0x21: {  	v1 =	vadd.s32 v1, v0;
	v4 =	vadd.s32 v4, v2;
	v53 =	vadd.s32 v51, v5  }
0x22: {  	v1 =	vshrl.u32 v1, $0x10;
	v4 =	vand.u32 $0xFFFF0000, v4;
	v55 =	vand.u32 $0xFFFF0000, v53  }
0x23: {  	v1 =	vshll.u32 v1, $0x10;
	v2 =	vsub.s32 v2, v4;
	v5 =	vsub.s32 v5, v55  }
0x24: {  	v0 =	vsub.s32 v0, v1;
	v8 =	vshra.s32 v2, $0x1F;
	v10 =	vshra.s32 v5, $0x1F  }
0x25: {  	v3 =	vshra.s32 v0, $0x1F;
	v50 =	vshrl.u32 v8, $0x12;
	v8 =	vshrl.u32 v57, $0x10  }
0x26: {  	v59 =	vshrl.u32 v10, $0x12;
	v10 =	vshrl.u32 v14, $0x10;
	v3 =	vshrl.u32 v3, $0x12  }
0x27: {  	v52 =	vadd.s32 v50, v2;
	v2 =	vshll.u32 v2, $0x2;
	v8 =	vadd.s32 v8, v7  }
0x28: {  	v60 =	vadd.s32 v59, v5;
	v5 =	vshll.u32 v5, $0x2;
	v16 =	vadd.s32 v10, v58  }
0x29: {  	v11 =	vld [tilespmem:$0x50];
	v3 =	vadd.s32 v3, v0;
	v0 =	vshll.u32 v0, $0x2;
	v54 =	vshra.s32 v52, $0xE  }
0x2a: {  	v61 =	vand.u32 $0xFFFF0000, v8;
	v62 =	vshra.s32 v60, $0xE;
	v18 =	vand.u32 $0xFFFF0000, v16  }
0x2b: {  	v3 =	vshra.s32 v3, $0xE;
	v56 =	vshll.u32 v54, $0x10;
	v63 =	vsub.s32 v7, v61  }
0x2c: {  	v44 =	vld [tilespmem:$0x90];
	v12 =	vshll.u32 v62, $0x10;
	v6 =	vshll.u32 v3, $0x10;
	v1 =	vadd.s32 v3, v1  }
0x2d: {  	v2 =	vsub.s32 v2, v56;
	v13 =	vshra.s32 v63, $0x1F;
	v5 =	vsub.s32 v5, v12  }
0x2e: {  	v14 =	vld [tilespmem:$0x80];
	v12 =	vshra.s32 v11, $0x1F;
	v0 =	vsub.s32 v0, v6;
	v8 =	vshrl.u32 v13, $0x12  }
0x2f: {  	v23 =	vshrl.u32 v12, $0x10;
	v0 =	vadd.s32 v0, v1;
	v1 =	vadd.s32 v54, v4  }
0x30: {  	v15 =	vadd.s32 v8, v63;
	v8 =	vsub.s32 v58, v18;
	v4 =	vshll.u32 v63, $0x2  }
0x31: {  	v24 =	vadd.s32 v23, v11;
	v54 =	vshra.s32 v44, $0x1F;
	v1 =	vadd.s32 v2, v1  }
0x32: {  	v2 =	vadd.s32 v62, v55;
	v17 =	vshra.s32 v15, $0xE;
	v21 =	vshra.s32 v8, $0x1F  }
0x33: {  	v26 =	vand.u32 $0xFFFF0000, v24;
	v15 =	vshra.s32 v14, $0x1F;
	v2 =	vadd.s32 v5, v2  }
0x34: {  	v19 =	vshll.u32 v17, $0x10;
	v22 =	vshrl.u32 v21, $0x12;
	v3 =	vadd.s32 v17, v61  }
0x35: {  	v28 =	vsub.s32 v11, v26;
	v11 =	vshrl.u32 v29, $0x10;
	v47 =	vshrl.u32 v15, $0x10  }
0x36: {  	v4 =	vsub.s32 v4, v19;
	v5 =	vadd.s32 v22, v8;
	v8 =	vshll.u32 v8, $0x2  }
0x37: {  	v13 =	vshra.s32 v28, $0x1F;
	v11 =	vadd.s32 v11, v20;
	v10 =	vshll.u32 v28, $0x2  }
0x38: {  	v49 =	vadd.s32 v47, v14;
	v3 =	vadd.s32 v4, v3;
	v25 =	vshra.s32 v5, $0xE  }
0x39: {  	v31 =	vshrl.u32 v13, $0x12;
	v33 =	vand.u32 $0xFFFF0000, v11;
	v13 =	vshrl.u32 v38, $0x10  }
0x3a: {  	v55 =	vld [tilespmem:$0xA0];
	v51 =	vand.u32 $0xFFFF0000, v49;
	v27 =	vshll.u32 v25, $0x10;
	v4 =	vadd.s32 v25, v18  }
0x3b: {  	v32 =	vadd.s32 v31, v28;
	v35 =	vsub.s32 v20, v33;
	v40 =	vadd.s32 v13, v30  }
0x3c: {  	v24 =	vld [tilespmem:$0xC0];
	v53 =	vsub.s32 v14, v51;
	v14 =	vshrl.u32 v54, $0x10;
	v6 =	vsub.s32 v8, v27  }
0x3d: {  	v17 =	vld [tilespmem:$0xB0];
	v34 =	vshra.s32 v32, $0xE;
	v37 =	vshra.s32 v35, $0x1F;
	v42 =	vand.u32 $0xFFFF0000, v40  }
0x3e: {  	v7 =	vshll.u32 v35, $0x2;
	v16 =	vshra.s32 v53, $0x1F;
	v14 =	vadd.s32 v14, v44  }
0x3f: {  	v63 =	vshra.s32 v55, $0x1F;
	v13 =	vshll.u32 v53, $0x2;
	v4 =	vadd.s32 v6, v4  }
0x40: {  	v36 =	vshll.u32 v34, $0x10;
	v11 =	vshrl.u32 v37, $0x12;
	v5 =	vadd.s32 v34, v26  }
0x41: {  	v56 =	vshrl.u32 v16, $0x12;
	v58 =	vand.u32 $0xFFFF0000, v14;
	v16 =	vshrl.u32 v63, $0x10  }
0x42: {  	v18 =	vshra.s32 v17, $0x1F;
	v34 =	vshra.s32 v24, $0x1F;
	v9 =	vsub.s32 v10, v36  }
0x43: {  	v39 =	vadd.s32 v11, v35;
	v11 =	vsub.s32 v30, v42;
	v57 =	vadd.s32 v56, v53  }
0x44: {  	v60 =	vsub.s32 v44, v58;
	v20 =	vadd.s32 v16, v55;
	v27 =	vshrl.u32 v18, $0x10  }
0x45: {  	v49 =	vld [tilespmem:$0xF0];
	v41 =	vshra.s32 v39, $0xE;
	v5 =	vadd.s32 v9, v5;
	v45 =	vshra.s32 v11, $0x1F  }
0x46: {  	v59 =	vshra.s32 v57, $0xE;
	v62 =	vshra.s32 v60, $0x1F;
	v22 =	vand.u32 $0xFFFF0000, v20  }
0x47: {  	v10 =	vshll.u32 v60, $0x2;
	v29 =	vadd.s32 v27, v17;
	v43 =	vshll.u32 v41, $0x10  }
0x48: {  	v46 =	vshrl.u32 v45, $0x12;
	v6 =	vadd.s32 v41, v33;
	v61 =	vshll.u32 v59, $0x10  }
0x49: {  	v14 =	vshrl.u32 v62, $0x12;
	v8 =	vadd.s32 v59, v51;
	v31 =	vand.u32 $0xFFFF0000, v29  }
0x4a: {  	v59 =	vshra.s32 v49, $0x1F;
	v7 =	vsub.s32 v7, v43;
	v48 =	vadd.s32 v46, v11  }
0x4b: {  	v11 =	vshll.u32 v11, $0x2;
	v12 =	vsub.s32 v13, v61;
	v19 =	vadd.s32 v14, v60  }
0x4c: {  	v35 =	vld [tilespmem:$0xD0];
	v14 =	vsub.s32 v55, v22;
	v33 =	vsub.s32 v17, v31;
	v17 =	vshrl.u32 v34, $0x10  }
0x4d: {  	v6 =	vadd.s32 v7, v6;
	v50 =	vshra.s32 v48, $0xE;
	v21 =	vshra.s32 v19, $0xE  }
0x4e: {  	v8 =	vadd.s32 v12, v8;
	v25 =	vshra.s32 v14, $0x1F;
	v19 =	vshra.s32 v33, $0x1F  }
0x4f: {  	v17 =	vadd.s32 v17, v24;
	v16 =	vshll.u32 v33, $0x2;
	v52 =	vshll.u32 v50, $0x10  }
0x50: {  	v7 =	vadd.s32 v50, v42;
	v23 =	vshll.u32 v21, $0x10;
	v26 =	vshrl.u32 v25, $0x12  }
0x51: {  	v20 =	vld [tilespmem:$0xE0];
	v36 =	vshrl.u32 v19, $0x12;
	v38 =	vand.u32 $0xFFFF0000, v17;
	v43 =	vshra.s32 v35, $0x1F  }
0x52: {  	v9 =	vsub.s32 v11, v52;
	v10 =	vsub.s32 v10, v23;
	v28 =	vadd.s32 v26, v14  }
0x53: {  	v14 =	vshll.u32 v14, $0x2;
	v37 =	vadd.s32 v36, v33;
	v40 =	vsub.s32 v24, v38  }
0x54: {  	v60 =	vld [tilespmem:$0x100];
	v19 =	vshrl.u32 v43, $0x10;
	v7 =	vadd.s32 v9, v7;
	v9 =	vadd.s32 v21, v58  }
0x55: {  	v30 =	vshra.s32 v28, $0xE;
	v39 =	vshra.s32 v37, $0xE;
	v42 =	vshra.s32 v40, $0x1F  }
0x56: {  	v45 =	vadd.s32 v19, v35;
	v13 =	vshll.u32 v40, $0x2;
	v21 =	vshra.s32 v20, $0x1F  }
0x57: {  	v9 =	vadd.s32 v10, v9;
	v32 =	vshll.u32 v30, $0x10;
	v10 =	vadd.s32 v30, v22  }
0x58: {  	v41 =	vshll.u32 v39, $0x10;
	v17 =	vshrl.u32 v42, $0x12;
	v11 =	vadd.s32 v39, v31  }
0x59: {  	v47 =	vand.u32 $0xFFFF0000, v45;
	v52 =	vshrl.u32 v21, $0x10;
	v31 =	vshra.s32 v60, $0x1F  }
0x5a: {  	v23 =	vld [tilespmem:$0x110];
	v12 =	vsub.s32 v14, v32;
	v15 =	vsub.s32 v16, v41;
	v44 =	vadd.s32 v17, v40  }
0x5b: {  	v17 =	vsub.s32 v35, v47;
	v54 =	vadd.s32 v52, v20;
	v10 =	vadd.s32 v12, v10  }
0x5c: {  	v46 =	vshra.s32 v44, $0xE;
	v11 =	vadd.s32 v15, v11;
	v50 =	vshra.s32 v17, $0x1F  }
0x5d: {  	v56 =	vand.u32 $0xFFFF0000, v54;
	v48 =	vshll.u32 v46, $0x10;
	v51 =	vshrl.u32 v50, $0x12  }
0x5e: {  	v12 =	vadd.s32 v46, v38;
	v58 =	vsub.s32 v20, v56;
	v20 =	vshrl.u32 v59, $0x10  }
0x5f: {  	v24 =	vshra.s32 v23, $0x1F;
	v13 =	vsub.s32 v13, v48;
	v53 =	vadd.s32 v51, v17  }
0x60: {  	v37 =	vld [tilespmem:$0x120];
	v17 =	vshll.u32 v17, $0x2;
	v22 =	vshra.s32 v58, $0x1F;
	v20 =	vadd.s32 v20, v49  }
0x61: {  	v19 =	vshll.u32 v58, $0x2;
	v40 =	vshrl.u32 v24, $0x10;
	v12 =	vadd.s32 v13, v12  }
0x62: {  	v55 =	vshra.s32 v53, $0xE;
	v61 =	vshrl.u32 v22, $0x12;
	v63 =	vand.u32 $0xFFFF0000, v20  }
0x63: {  	v22 =	vshrl.u32 v31, $0x10;
	v42 =	vadd.s32 v40, v23;
	v57 =	vshll.u32 v55, $0x10  }
0x64: {  	v13 =	vadd.s32 v55, v47;
	v62 =	vadd.s32 v61, v58;
	v28 =	vsub.s32 v49, v63  }
0x65: {  	v26 =	vld [tilespmem:$0x140];
	v33 =	vadd.s32 v22, v60;
	v44 =	vand.u32 $0xFFFF0000, v42;
	v47 =	vshra.s32 v37, $0x1F  }
0x66: {  	v15 =	vsub.s32 v17, v57;
	v27 =	vshra.s32 v62, $0xE;
	v30 =	vshra.s32 v28, $0x1F  }
0x67: {  	v48 =	vld [tilespmem:$0x130];
	v35 =	vand.u32 $0xFFFF0000, v33;
	v16 =	vshll.u32 v28, $0x2;
	v46 =	vsub.s32 v23, v44  }
0x68: {  	v23 =	vshrl.u32 v47, $0x10;
	v13 =	vadd.s32 v15, v13;
	v29 =	vshll.u32 v27, $0x10  }
0x69: {  	v20 =	vshrl.u32 v30, $0x12;
	v14 =	vadd.s32 v27, v56;
	v25 =	vshra.s32 v46, $0x1F  }
0x6a: {  	v23 =	vadd.s32 v23, v37;
	v22 =	vshll.u32 v46, $0x2;
	v27 =	vshra.s32 v26, $0x1F  }
0x6b: {  	v18 =	vsub.s32 v19, v29;
	v32 =	vadd.s32 v20, v28;
	v20 =	vsub.s32 v60, v35  }
0x6c: {  	v49 =	vshrl.u32 v25, $0x12;
	v51 =	vand.u32 $0xFFFF0000, v23;
	v56 =	vshra.s32 v48, $0x1F  }
0x6d: {  	v30 =	vshrl.u32 v27, $0x10;
	v34 =	vshra.s32 v32, $0xE;
	v14 =	vadd.s32 v18, v14  }
0x6e: {  	v38 =	vshra.s32 v20, $0x1F;
	v50 =	vadd.s32 v49, v46;
	v53 =	vsub.s32 v37, v51  }
0x6f: {  	v25 =	vshrl.u32 v56, $0x10;
	v32 =	vadd.s32 v30, v26;
	v36 =	vshll.u32 v34, $0x10  }
0x70: {  	v62 =	vld [tilespmem:$0x150];
	v39 =	vshrl.u32 v38, $0x12;
	v15 =	vadd.s32 v34, v63;
	v52 =	vshra.s32 v50, $0xE  }
0x71: {  	v55 =	vshra.s32 v53, $0x1F;
	v58 =	vadd.s32 v25, v48;
	v19 =	vshll.u32 v53, $0x2  }
0x72: {  	v34 =	vand.u32 $0xFFFF0000, v32;
	v16 =	vsub.s32 v16, v36;
	v41 =	vadd.s32 v39, v20  }
0x73: {  	v20 =	vshll.u32 v20, $0x2;
	v54 =	vshll.u32 v52, $0x10;
	v23 =	vshrl.u32 v55, $0x12  }
0x74: {  	v17 =	vadd.s32 v52, v44;
	v60 =	vand.u32 $0xFFFF0000, v58;
	v36 =	vsub.s32 v26, v34  }
0x75: {  	v37 =	vshra.s32 v62, $0x1F;
	v15 =	vadd.s32 v16, v15;
	v43 =	vshra.s32 v41, $0xE  }
0x76: {  	v21 =	vsub.s32 v22, v54;
	v57 =	vadd.s32 v23, v53;
	v23 =	vsub.s32 v48, v60  }
0x77: {  	v28 =	vshra.s32 v36, $0x1F;
	v26 =	vshrl.u32 v37, $0x10;
	v25 =	vshll.u32 v36, $0x2  }
0x78: {  	v45 =	vshll.u32 v43, $0x10;
	v16 =	vadd.s32 v43, v35;
	v59 =	vshra.s32 v57, $0xE  }
0x79: {  	v38 =	vld [tilespmem:$0x160];
	v17 =	vadd.s32 v21, v17;
	v63 =	vshra.s32 v23, $0x1F;
	v39 =	vshrl.u32 v28, $0x12  }
0x7a: {  	v26 =	vadd.s32 v26, v62;
	v18 =	vsub.s32 v20, v45;
	v61 =	vshll.u32 v59, $0x10  }
0x7b: {  	v29 =	vshrl.u32 v63, $0x12;
	v40 =	vadd.s32 v39, v36;
	v41 =	vand.u32 $0xFFFF0000, v26  }
0x7c: {  	v52 =	vld [tilespmem:$0x180];
	v16 =	vadd.s32 v18, v16;
	v19 =	vsub.s32 v19, v61;
	v18 =	vadd.s32 v59, v51  }
0x7d: {  	v31 =	vadd.s32 v29, v23;
	v23 =	vshll.u32 v23, $0x2;
	v42 =	vshra.s32 v40, $0xE  }
0x7e: {  	v43 =	vsub.s32 v62, v41;
	v46 =	vshra.s32 v38, $0x1F;
	v18 =	vadd.s32 v19, v18  }
0x7f: {  	v32 =	vld [tilespmem:$0x1A0];
	v33 =	vshra.s32 v31, $0xE;
	v44 =	vshll.u32 v42, $0x10;
	v45 =	vshra.s32 v43, $0x1F  }
0x80: {  	v63 =	vld [tilespmem:$0x190];
	v28 =	vshrl.u32 v46, $0x10;
	v20 =	vadd.s32 v42, v34;
	v22 =	vshll.u32 v43, $0x2  }
0x81: {  	v29 =	vld [tilespmem:$0x170];
	v62 =	vshra.s32 v52, $0x1F;
	v35 =	vshll.u32 v33, $0x10;
	v19 =	vadd.s32 v33, v60  }
0x82: {  	v26 =	vshrl.u32 v45, $0x12;
	v24 =	vsub.s32 v25, v44;
	v48 =	vadd.s32 v28, v38  }
0x83: {  	v21 =	vsub.s32 v23, v35;
	v47 =	vadd.s32 v26, v43;
	v50 =	vand.u32 $0xFFFF0000, v48  }
0x84: {  	v20 =	vadd.s32 v24, v20;
	v48 =	vshra.s32 v32, $0x1F;
	v19 =	vadd.s32 v21, v19  }
0x85: {  	v49 =	vshra.s32 v47, $0xE;
	v26 =	vsub.s32 v38, v50;
	v42 =	vshra.s32 v63, $0x1F  }
0x86: {  	v51 =	vshll.u32 v49, $0x10;
	v53 =	vshra.s32 v26, $0x1F;
	v30 =	vshra.s32 v29, $0x1F  }
0x87: {  	v21 =	vadd.s32 v49, v41;
	v54 =	vshrl.u32 v53, $0x12;
	v55 =	vshrl.u32 v30, $0x10  }
0x88: {  	v22 =	vsub.s32 v22, v51;
	v56 =	vadd.s32 v54, v26;
	v57 =	vadd.s32 v55, v29  }
0x89: {  	v21 =	vadd.s32 v22, v21;
	v58 =	vshra.s32 v56, $0xE;
	v59 =	vand.u32 $0xFFFF0000, v57  }
0x8a: {  	v26 =	vshll.u32 v26, $0x2;
	v60 =	vshll.u32 v58, $0x10;
	v61 =	vsub.s32 v29, v59  }
0x8b: {  	v33 =	vld [tilespmem:$0x1B0];
	v29 =	vshrl.u32 v62, $0x10;
	v22 =	vadd.s32 v58, v50;
	v50 =	vshrl.u32 v48, $0x10  }
0x8c: {  	v31 =	vshra.s32 v61, $0x1F;
	v24 =	vsub.s32 v26, v60;
	v29 =	vadd.s32 v29, v52  }
0x8d: {  	v28 =	vshll.u32 v61, $0x2;
	v53 =	vadd.s32 v50, v32;
	v35 =	vshrl.u32 v31, $0x12  }
0x8e: {  	v37 =	vand.u32 $0xFFFF0000, v29;
	v22 =	vadd.s32 v24, v22;
	v31 =	vshrl.u32 v42, $0x10  }
0x8f: {  	v55 =	vand.u32 $0xFFFF0000, v53;
	v36 =	vadd.s32 v35, v61;
	v39 =	vsub.s32 v52, v37  }
0x90: {  	v56 =	vld [tilespmem:$0x1C0];
	v44 =	vadd.s32 v31, v63;
	v61 =	vshra.s32 v33, $0x1F;
	v38 =	vshra.s32 v36, $0xE  }
0x91: {  	v41 =	vshra.s32 v39, $0x1F;
	v46 =	vand.u32 $0xFFFF0000, v44;
	v25 =	vshll.u32 v39, $0x2  }
0x92: {  	v62 =	vshrl.u32 v61, $0x10;
	v40 =	vshll.u32 v38, $0x10;
	v29 =	vshrl.u32 v41, $0x12  }
0x93: {  	v23 =	vadd.s32 v38, v59;
	v59 =	vsub.s32 v32, v55;
	v26 =	vadd.s32 v62, v33  }
0x94: {  	v27 =	vsub.s32 v28, v40;
	v43 =	vadd.s32 v29, v39;
	v29 =	vsub.s32 v63, v46  }
0x95: {  	[tilespmem:$0x200] =	vst v0;
	v60 =	vshra.s32 v59, $0x1F;
	v28 =	vshra.s32 v56, $0x1F;
	v31 =	vshll.u32 v59, $0x2  }
0x96: {  	[tilespmem:$0x230] =	vst v3;
	v45 =	vshra.s32 v43, $0xE;
	v23 =	vadd.s32 v27, v23;
	v30 =	vshra.s32 v29, $0x1F  }
0x97: {  	[tilespmem:$0x240] =	vst v4;
	v58 =	vshll.u32 v29, $0x2;
	v3 =	vshrl.u32 v60, $0x12;
	v4 =	vshrl.u32 v28, $0x10  }
0x98: {  	[tilespmem:$0x210] =	vst v1;
	v47 =	vshll.u32 v45, $0x10;
	v49 =	vshrl.u32 v30, $0x12;
	v51 =	vadd.s32 v45, v37  }
0x99: {  	[tilespmem:$0x220] =	vst v2;
	v39 =	vld [tilespmem:$0x1E0];
	v63 =	vadd.s32 v3, v59;
	v3 =	vand.u32 $0xFFFF0000, v26;
	v4 =	vadd.s32 v4, v56  }
0x9a: {  	[tilespmem:$0x250] =	vst v5;
	v43 =	vld [tilespmem:$0x1F0];
	v25 =	vsub.s32 v25, v47;
	v52 =	vadd.s32 v49, v29;
	v30 =	vsub.s32 v33, v3  }
0x9b: {  	[tilespmem:$0x260] =	vst v6;
	v4 =	vand.u32 $0xFFFF0000, v4;
	v0 =	vadd.s32 v25, v51;
	v54 =	vshra.s32 v52, $0xE  }
0x9c: {  	[tilespmem:$0x280] =	vst v8;
	v32 =	vshra.s32 v30, $0x1F;
	v35 =	vsub.s32 v56, v4;
	v6 =	vshll.u32 v30, $0x2  }
0x9d: {  	[tilespmem:$0x270] =	vst v7;
	v57 =	vshll.u32 v54, $0x10;
	v1 =	vadd.s32 v54, v46;
	v34 =	vshrl.u32 v32, $0x12  }
0x9e: {  	[tilespmem:$0x290] =	vst v9;
	v33 =	vld [tilespmem:$0x1D0];
	v37 =	vshra.s32 v35, $0x1F;
	v8 =	vshll.u32 v35, $0x2;
	v47 =	vshra.s32 v39, $0x1F  }
0x9f: {  	[tilespmem:$0x2A0] =	vst v10;
	v2 =	vsub.s32 v58, v57;
	v7 =	vadd.s32 v34, v30;
	v49 =	vshra.s32 v43, $0x1F  }
0xa0: {  	[tilespmem:$0x2B0] =	vst v11;
	v1 =	vadd.s32 v2, v1;
	v2 =	vshra.s32 v63, $0xE;
	v36 =	vshra.s32 v7, $0xE  }
0xa1: {  	[tilespmem:$0x2C0] =	vst v12;
	v7 =	vshrl.u32 v37, $0x12;
	v11 =	vshrl.u32 v49, $0x10;
	v29 =	vshll.u32 v2, $0x10  }
0xa2: {  	[tilespmem:$0x2D0] =	vst v13;
	v2 =	vadd.s32 v2, v55;
	v38 =	vshll.u32 v36, $0x10;
	v7 =	vadd.s32 v7, v35  }
0xa3: {  	[tilespmem:$0x2E0] =	vst v14;
	v40 =	vshra.s32 v33, $0x1F;
	v3 =	vadd.s32 v36, v3;
	v11 =	vadd.s32 v11, v43  }
0xa4: {  	[tilespmem:$0x2F0] =	vst v15;
	v5 =	vsub.s32 v31, v29;
	v6 =	vsub.s32 v6, v38;
	v41 =	vshra.s32 v7, $0xE  }
0xa5: {  	[tilespmem:$0x310] =	vst v17;
	v42 =	vshrl.u32 v40, $0x10;
	v11 =	vand.u32 $0xFFFF0000, v11;
	v2 =	vadd.s32 v5, v2  }
0xa6: {  	[tilespmem:$0x300] =	vst v16;
	v44 =	vshll.u32 v41, $0x10;
	v7 =	vadd.s32 v42, v33;
	v3 =	vadd.s32 v6, v3  }
0xa7: {  	[tilespmem:$0x320] =	vst v18;
	v4 =	vadd.s32 v41, v4;
	v9 =	vsub.s32 v43, v11;
	v45 =	vsub.s32 v8, v44  }
0xa8: {  	[tilespmem:$0x340] =	vst v20;
	v7 =	vand.u32 $0xFFFF0000, v7;
	v8 =	vshrl.u32 v47, $0x10;
	v54 =	vshra.s32 v9, $0x1F  }
0xa9: {  	[tilespmem:$0x330] =	vst v19;
	v63 =	vshll.u32 v9, $0x2;
	v46 =	vsub.s32 v33, v7;
	v8 =	vadd.s32 v8, v39  }
0xaa: {  	[tilespmem:$0x350] =	vst v21;
	v4 =	vadd.s32 v45, v4;
	v48 =	vshra.s32 v46, $0x1F;
	v8 =	vand.u32 $0xFFFF0000, v8  }
0xab: {  	[tilespmem:$0x360] =	vst v22;
	v56 =	vshrl.u32 v54, $0x12;
	v6 =	vshrl.u32 v48, $0x12;
	v10 =	vsub.s32 v39, v8  }
0xac: {  	[tilespmem:$0x370] =	vst v23;
	v5 =	vshll.u32 v46, $0x2;
	v6 =	vadd.s32 v6, v46;
	v51 =	vshra.s32 v10, $0x1F  }
0xad: {  	[tilespmem:$0x380] =	vst v0;
	v58 =	vshll.u32 v10, $0x2;
	v6 =	vshra.s32 v6, $0xE;
	v13 =	vshrl.u32 v51, $0x12  }
0xae: {  	[tilespmem:$0x390] =	vst v1;
	v50 =	vshll.u32 v6, $0x10;
	v53 =	vadd.s32 v13, v10;
	v55 =	vadd.s32 v6, v7  }
0xaf: {  	[tilespmem:$0x3A0] =	vst v2;
	v6 =	vadd.s32 v56, v9;
	v52 =	vsub.s32 v5, v50;
	v5 =	vshra.s32 v53, $0xE  }
0xb0: {  	[tilespmem:$0x3B0] =	vst v3;
	v60 =	vshra.s32 v6, $0xE;
	v57 =	vshll.u32 v5, $0x10;
	v0 =	vadd.s32 v52, v55  }
0xb1: {  	[tilespmem:$0x3C0] =	vst v4;
	v61 =	vadd.s32 v5, v8;
	v62 =	vshll.u32 v60, $0x10;
	v59 =	vsub.s32 v58, v57  }
0xb2: {  	v2 =	vadd.s32 v60, v11;
	[tilespmem:$0x3D0] =	vst v0;
	v9 =	vsub.s32 v63, v62;
	v8 =	vadd.s32 v59, v61  }
0xb3: {  	v10 =	vadd.s32 v9, v2;
	[tilespmem:$0x3E0] =	vst v8  }
0xb4: {  	[tilespmem:$0x3F0] =	vst v10  }
0xb5: {  	[tilespmem:s15], [sflag:$0x1] =	stream.indirect.gather [hbm4b:s4+s14], $0x20, s14, s14, $0xb8;
	[tilespmem:$0xA600] =	vst v63  }
0xb6: {  	_ = 	snop  }
0xb7: {  	[tilespmem:s3], [sflag:$0x4] =	stream.linear.gather [hbm4b:s7+s3], $0x200, $0x38;
	[tilespmem:$0xA600] =	vst v63  }
0xb8: {  	_ =	swait.ge [sflag:s13], $0x200  }
0xb9: {  	[sflag:s13] =	ssyncset.done $0x0  }
0xba: {  	[sflag:s13] =	ssyncadd.s32 $0xFFFFFE00  }
0xbb: {  	v11 =	vld [tilespmem:$0x0]  }
0xbc: {  	v13 =	vld [tilespmem:$0x10]  }
0xbd: {  	v16 =	vld [tilespmem:$0x20]  }
0xbe: {  	v22 =	vld [tilespmem:$0x30]  }
0xbf: {  	v32 =	vld [tilespmem:$0x40]  }
0xc0: {  	v40 =	vld [tilespmem:$0x50]  }
0xc1: {  	v46 =	vld [tilespmem:$0x60]  }
0xc2: {  	v55 =	vld [tilespmem:$0x70];
	_ =	sdelay $0x2  }
0xc3: {  	v12 =	vshra.s32 v11, $0x1F;
	v15 =	vshra.s32 v13, $0x1F;
	v19 =	vshra.s32 v16, $0x1F  }
0xc4: {  	v29 =	vshra.s32 v22, $0x1F;
	v37 =	vshra.s32 v32, $0x1F;
	v43 =	vshra.s32 v40, $0x1F  }
0xc5: {  	v52 =	vshra.s32 v46, $0x1F;
	v60 =	vshra.s32 v55, $0x1F;
	v1 =	vshrl.u32 v12, $0x12  }
0xc6: {  	v4 =	vshrl.u32 v15, $0x12;
	v21 =	vshrl.u32 v19, $0x12;
	v8 =	vshrl.u32 v29, $0x12  }
0xc7: {  	v9 =	vshrl.u32 v37, $0x12;
	v45 =	vshrl.u32 v43, $0x12;
	v12 =	vshrl.u32 v60, $0x12  }
0xc8: {  	v1 =	vadd.s32 v1, v11;
	v4 =	vadd.s32 v4, v13;
	v24 =	vadd.s32 v21, v16  }
0xc9: {  	v31 =	vadd.s32 v8, v22;
	v39 =	vadd.s32 v9, v32;
	v48 =	vadd.s32 v45, v40  }
0xca: {  	v63 =	vld [tilespmem:$0x80];
	v62 =	vadd.s32 v12, v55;
	v1 =	vshrl.u32 v1, $0xE;
	v4 =	vshrl.u32 v4, $0xE  }
0xcb: {  	v34 =	vshrl.u32 v31, $0xE;
	v1 =	vshll.u32 v1, $0xE;
	v4 =	vshll.u32 v4, $0xE  }
0xcc: {  	v0 =	vsub.s32 v11, v1;
	v2 =	vsub.s32 v13, v4;
	v11 =	vshrl.u32 v52, $0x12  }
0xcd: {  	v14 =	vshll.u32 v0, $0x10;
	v18 =	vshll.u32 v2, $0x10;
	v54 =	vadd.s32 v11, v46  }
0xce: {  	v3 =	vshra.s32 v14, $0x1F;
	v6 =	vshra.s32 v18, $0x1F;
	v57 =	vshrl.u32 v54, $0xE  }
0xcf: {  	v18 =	vshra.s32 v63, $0x1F;
	v3 =	vand.u32 $0xFFF, v3;
	v20 =	vand.u32 $0xFFF, v6  }
0xd0: {  	v3 =	vadd.s32 v3, v0;
	v23 =	vadd.s32 v20, v2;
	v20 =	vshrl.u32 v18, $0x12  }
0xd1: {  	v21 =	vld [tilespmem:$0x90];
	v17 =	vand.u32 $0xF000, v3;
	v3 =	vshll.u32 v3, $0x10;
	v25 =	vshll.u32 v23, $0x10  }
0xd2: {  	v0 =	vsub.s32 v0, v17;
	v3 =	vshra.s32 v3, $0x10;
	v6 =	vshra.s32 v25, $0x10  }
0xd3: {  	v0 =	vshll.u32 v0, $0x10;
	v3 =	vshra.s32 v3, $0xC;
	v27 =	vshra.s32 v6, $0xC  }
0xd4: {  	v0 =	vshra.s32 v0, $0x10;
	v1 =	vadd.s32 v3, v1;
	v3 =	vshrl.u32 v24, $0xE  }
0xd5: {  	v0 =	vshll.u32 v0, $0x2;
	v26 =	vshll.u32 v3, $0xE;
	v3 =	vadd.s32 v27, v4  }
0xd6: {  	v4 =	vshll.u32 v34, $0xE;
	v27 =	vshra.s32 v21, $0x1F;
	v0 =	vadd.s32 v0, v1  }
0xd7: {  	v1 =	vand.u32 $0xF000, v23;
	v5 =	vsub.s32 v16, v26;
	v36 =	vsub.s32 v22, v4  }
0xd8: {  	v23 =	vadd.s32 v20, v63;
	v14 =	vshrl.u32 v27, $0x12;
	v1 =	vsub.s32 v2, v1  }
0xd9: {  	v28 =	vshll.u32 v5, $0x10;
	v7 =	vshll.u32 v36, $0x10;
	v29 =	vadd.s32 v14, v21  }
0xda: {  	v1 =	vshll.u32 v1, $0x10;
	v6 =	vshra.s32 v28, $0x1F;
	v7 =	vshra.s32 v7, $0x1F  }
0xdb: {  	v1 =	vshra.s32 v1, $0x10;
	v30 =	vand.u32 $0xFFF, v6;
	v7 =	vand.u32 $0xFFF, v7  }
0xdc: {  	v1 =	vshll.u32 v1, $0x2;
	v33 =	vadd.s32 v30, v5;
	v38 =	vadd.s32 v7, v36  }
0xdd: {  	v7 =	vshrl.u32 v39, $0xE;
	v1 =	vadd.s32 v1, v3;
	v35 =	vshll.u32 v33, $0x10  }
0xde: {  	v30 =	vld [tilespmem:$0xA0];
	v3 =	vand.u32 $0xF000, v33;
	v41 =	vand.u32 $0xF000, v38;
	v42 =	vshll.u32 v7, $0xE  }
0xdf: {  	v6 =	vshra.s32 v35, $0x10;
	v3 =	vsub.s32 v5, v3;
	v7 =	vsub.s32 v32, v42  }
0xe0: {  	v32 =	vshrl.u32 v29, $0xE;
	v6 =	vshra.s32 v6, $0xC;
	v3 =	vshll.u32 v3, $0x10  }
0xe1: {  	v8 =	vshll.u32 v7, $0x10;
	v3 =	vshra.s32 v3, $0x10;
	v2 =	vadd.s32 v6, v26  }
0xe2: {  	v6 =	vshll.u32 v38, $0x10;
	v8 =	vshra.s32 v8, $0x1F;
	v3 =	vshll.u32 v3, $0x2  }
0xe3: {  	v6 =	vshra.s32 v6, $0x10;
	v44 =	vand.u32 $0xFFF, v8;
	v35 =	vshra.s32 v30, $0x1F  }
0xe4: {  	v38 =	vld [tilespmem:$0xB0];
	v2 =	vadd.s32 v3, v2;
	v3 =	vsub.s32 v36, v41;
	v6 =	vshra.s32 v6, $0xC  }
0xe5: {  	v47 =	vadd.s32 v44, v7;
	v15 =	vshrl.u32 v35, $0x12;
	v3 =	vshll.u32 v3, $0x10  }
0xe6: {  	v4 =	vadd.s32 v6, v4;
	v49 =	vshll.u32 v47, $0x10;
	v6 =	vshrl.u32 v48, $0xE  }
0xe7: {  	v44 =	vld [tilespmem:$0xC0];
	v37 =	vadd.s32 v15, v30;
	v3 =	vshra.s32 v3, $0x10;
	v8 =	vshra.s32 v49, $0x10  }
0xe8: {  	v6 =	vshll.u32 v6, $0xE;
	v3 =	vshll.u32 v3, $0x2;
	v50 =	vshra.s32 v8, $0xC  }
0xe9: {  	v51 =	vsub.s32 v40, v6;
	v41 =	vshra.s32 v38, $0x1F;
	v3 =	vadd.s32 v3, v4  }
0xea: {  	v4 =	vand.u32 $0xF000, v47;
	v9 =	vshll.u32 v51, $0x10;
	v5 =	vadd.s32 v50, v42  }
0xeb: {  	v43 =	vshrl.u32 v41, $0x12;
	v4 =	vsub.s32 v7, v4;
	v9 =	vshra.s32 v9, $0x1F  }
0xec: {  	v7 =	vshll.u32 v57, $0xE;
	v50 =	vshra.s32 v44, $0x1F;
	v4 =	vshll.u32 v4, $0x10  }
0xed: {  	v53 =	vand.u32 $0xFFF, v9;
	v59 =	vsub.s32 v46, v7;
	v46 =	vadd.s32 v43, v38  }
0xee: {  	v4 =	vshra.s32 v4, $0x10;
	v56 =	vadd.s32 v53, v51;
	v10 =	vshll.u32 v59, $0x10  }
0xef: {  	v4 =	vshll.u32 v4, $0x2;
	v58 =	vshll.u32 v56, $0x10;
	v10 =	vshra.s32 v10, $0x1F  }
0xf0: {  	v53 =	vld [tilespmem:$0xD0];
	v4 =	vadd.s32 v4, v5;
	v5 =	vand.u32 $0xF000, v56;
	v9 =	vshra.s32 v58, $0x10  }
0xf1: {  	v10 =	vand.u32 $0xFFF, v10;
	v5 =	vsub.s32 v51, v5;
	v9 =	vshra.s32 v9, $0xC  }
0xf2: {  	v61 =	vadd.s32 v10, v59;
	v10 =	vshrl.u32 v62, $0xE;
	v5 =	vshll.u32 v5, $0x10  }
0xf3: {  	v6 =	vadd.s32 v9, v6;
	v16 =	vand.u32 $0xF000, v61;
	v9 =	vshll.u32 v61, $0x10  }
0xf4: {  	v17 =	vshll.u32 v10, $0xE;
	v5 =	vshra.s32 v5, $0x10;
	v9 =	vshra.s32 v9, $0x10  }
0xf5: {  	v10 =	vsub.s32 v55, v17;
	v58 =	vshra.s32 v53, $0x1F;
	v5 =	vshll.u32 v5, $0x2  }
0xf6: {  	v61 =	vld [tilespmem:$0xE0];
	v9 =	vshra.s32 v9, $0xC;
	v11 =	vshll.u32 v10, $0x10;
	v18 =	vshrl.u32 v58, $0x12  }
0xf7: {  	v5 =	vadd.s32 v5, v6;
	v6 =	vsub.s32 v59, v16;
	v11 =	vshra.s32 v11, $0x1F  }
0xf8: {  	v7 =	vadd.s32 v9, v7;
	v9 =	vshrl.u32 v23, $0xE;
	v60 =	vadd.s32 v18, v53  }
0xf9: {  	v6 =	vshll.u32 v6, $0x10;
	v19 =	vand.u32 $0xFFF, v11;
	v9 =	vshll.u32 v9, $0xE  }
0xfa: {  	v6 =	vshra.s32 v6, $0x10;
	v22 =	vadd.s32 v19, v10;
	v26 =	vsub.s32 v63, v9  }
0xfb: {  	v23 =	vshra.s32 v61, $0x1F;
	v6 =	vshll.u32 v6, $0x2;
	v24 =	vshll.u32 v22, $0x10  }
0xfc: {  	v12 =	vshll.u32 v26, $0x10;
	v6 =	vadd.s32 v6, v7;
	v7 =	vand.u32 $0xF000, v22  }
0xfd: {  	v11 =	vshra.s32 v24, $0x10;
	v12 =	vshra.s32 v12, $0x1F;
	v7 =	vsub.s32 v10, v7  }
0xfe: {  	v25 =	vshra.s32 v11, $0xC;
	v28 =	vand.u32 $0xFFF, v12;
	v10 =	vshll.u32 v32, $0xE  }
0xff: {  	v7 =	vshll.u32 v7, $0x10;
	v8 =	vadd.s32 v25, v17;
	v31 =	vadd.s32 v28, v26  }
0x100: {  	v34 =	vsub.s32 v21, v10;
	v17 =	vshrl.u32 v50, $0x12;
	v25 =	vshrl.u32 v23, $0x12  }
0x101: {  	v7 =	vshra.s32 v7, $0x10;
	v33 =	vshll.u32 v31, $0x10;
	v13 =	vshll.u32 v34, $0x10  }
0x102: {  	v52 =	vadd.s32 v17, v44;
	v28 =	vadd.s32 v25, v61;
	v7 =	vshll.u32 v7, $0x2  }
0x103: {  	v12 =	vshra.s32 v33, $0x10;
	v13 =	vshra.s32 v13, $0x1F;
	v55 =	vshrl.u32 v52, $0xE  }
0x104: {  	v7 =	vadd.s32 v7, v8;
	v8 =	vand.u32 $0xF000, v31;
	v12 =	vshra.s32 v12, $0xC  }
0x105: {  	v13 =	vand.u32 $0xFFF, v13;
	v8 =	vsub.s32 v26, v8;
	v9 =	vadd.s32 v12, v9  }
0x106: {  	v43 =	vld [tilespmem:$0x110];
	v36 =	vadd.s32 v13, v34;
	v13 =	vshrl.u32 v37, $0xE;
	v8 =	vshll.u32 v8, $0x10  }
0x107: {  	v39 =	vand.u32 $0xF000, v36;
	v12 =	vshll.u32 v36, $0x10;
	v40 =	vshll.u32 v13, $0xE  }
0x108: {  	v26 =	vld [tilespmem:$0xF0];
	v8 =	vshra.s32 v8, $0x10;
	v12 =	vshra.s32 v12, $0x10;
	v13 =	vsub.s32 v30, v40  }
0x109: {  	v8 =	vshll.u32 v8, $0x2;
	v12 =	vshra.s32 v12, $0xC;
	v14 =	vshll.u32 v13, $0x10  }
0x10a: {  	v8 =	vadd.s32 v8, v9;
	v9 =	vsub.s32 v34, v39;
	v14 =	vshra.s32 v14, $0x1F  }
0x10b: {  	v10 =	vadd.s32 v12, v10;
	v12 =	vshrl.u32 v46, $0xE;
	v46 =	vshra.s32 v43, $0x1F  }
0x10c: {  	v9 =	vshll.u32 v9, $0x10;
	v42 =	vand.u32 $0xFFF, v14;
	v12 =	vshll.u32 v12, $0xE  }
0x10d: {  	v32 =	vshra.s32 v26, $0x1F;
	v9 =	vshra.s32 v9, $0x10;
	v45 =	vadd.s32 v42, v13  }
0x10e: {  	v49 =	vsub.s32 v38, v12;
	v20 =	vshrl.u32 v32, $0x12;
	v9 =	vshll.u32 v9, $0x2  }
0x10f: {  	v35 =	vld [tilespmem:$0x100];
	v47 =	vshll.u32 v45, $0x10;
	v15 =	vshll.u32 v49, $0x10;
	v34 =	vadd.s32 v20, v26  }
0x110: {  	v9 =	vadd.s32 v9, v10;
	v10 =	vand.u32 $0xF000, v45;
	v14 =	vshra.s32 v47, $0x10  }
0x111: {  	v15 =	vshra.s32 v15, $0x1F;
	v37 =	vshrl.u32 v34, $0xE;
	v10 =	vsub.s32 v13, v10  }
0x112: {  	v48 =	vshra.s32 v14, $0xC;
	v51 =	vand.u32 $0xFFF, v15;
	v13 =	vshll.u32 v55, $0xE  }
0x113: {  	v10 =	vshll.u32 v10, $0x10;
	v11 =	vadd.s32 v48, v40;
	v54 =	vadd.s32 v51, v49  }
0x114: {  	v57 =	vsub.s32 v44, v13;
	v40 =	vshra.s32 v35, $0x1F;
	v48 =	vshrl.u32 v46, $0x12  }
0x115: {  	v10 =	vshra.s32 v10, $0x10;
	v56 =	vshll.u32 v54, $0x10;
	v16 =	vshll.u32 v57, $0x10  }
0x116: {  	v21 =	vshrl.u32 v40, $0x12;
	v51 =	vadd.s32 v48, v43;
	v10 =	vshll.u32 v10, $0x2  }
0x117: {  	v15 =	vshra.s32 v56, $0x10;
	v16 =	vshra.s32 v16, $0x1F;
	v42 =	vadd.s32 v21, v35  }
0x118: {  	v10 =	vadd.s32 v10, v11;
	v11 =	vand.u32 $0xF000, v54;
	v15 =	vshra.s32 v15, $0xC  }
0x119: {  	v16 =	vand.u32 $0xFFF, v16;
	v11 =	vsub.s32 v49, v11;
	v12 =	vadd.s32 v15, v12  }
0x11a: {  	v59 =	vadd.s32 v16, v57;
	v16 =	vshrl.u32 v60, $0xE;
	v11 =	vshll.u32 v11, $0x10  }
0x11b: {  	v49 =	vld [tilespmem:$0x120];
	v62 =	vand.u32 $0xF000, v59;
	v15 =	vshll.u32 v59, $0x10;
	v63 =	vshll.u32 v16, $0xE  }
0x11c: {  	v11 =	vshra.s32 v11, $0x10;
	v15 =	vshra.s32 v15, $0x10;
	v16 =	vsub.s32 v53, v63  }
0x11d: {  	v11 =	vshll.u32 v11, $0x2;
	v15 =	vshra.s32 v15, $0xC;
	v17 =	vshll.u32 v16, $0x10  }
0x11e: {  	v11 =	vadd.s32 v11, v12;
	v12 =	vsub.s32 v57, v62;
	v17 =	vshra.s32 v17, $0x1F  }
0x11f: {  	v13 =	vadd.s32 v15, v13;
	v15 =	vshrl.u32 v28, $0xE;
	v12 =	vshll.u32 v12, $0x10  }
0x120: {  	v24 =	vand.u32 $0xFFF, v17;
	v15 =	vshll.u32 v15, $0xE;
	v55 =	vshra.s32 v49, $0x1F  }
0x121: {  	v12 =	vshra.s32 v12, $0x10;
	v27 =	vadd.s32 v24, v16;
	v31 =	vsub.s32 v61, v15  }
0x122: {  	v23 =	vshrl.u32 v55, $0x12;
	v12 =	vshll.u32 v12, $0x2;
	v29 =	vshll.u32 v27, $0x10  }
0x123: {  	v58 =	vld [tilespmem:$0x130];
	v18 =	vshll.u32 v31, $0x10;
	v57 =	vadd.s32 v23, v49;
	v12 =	vadd.s32 v12, v13  }
0x124: {  	v13 =	vand.u32 $0xF000, v27;
	v17 =	vshra.s32 v29, $0x10;
	v18 =	vshra.s32 v18, $0x1F  }
0x125: {  	v60 =	vshrl.u32 v57, $0xE;
	v13 =	vsub.s32 v16, v13;
	v30 =	vshra.s32 v17, $0xC  }
0x126: {  	v33 =	vand.u32 $0xFFF, v18;
	v16 =	vshll.u32 v37, $0xE;
	v13 =	vshll.u32 v13, $0x10  }
0x127: {  	v14 =	vadd.s32 v30, v63;
	v36 =	vadd.s32 v33, v31;
	v39 =	vsub.s32 v26, v16  }
0x128: {  	v63 =	vshra.s32 v58, $0x1F;
	v13 =	vshra.s32 v13, $0x10;
	v38 =	vshll.u32 v36, $0x10  }
0x129: {  	v19 =	vshll.u32 v39, $0x10;
	v24 =	vshrl.u32 v63, $0x12;
	v13 =	vshll.u32 v13, $0x2  }
0x12a: {  	v30 =	vld [tilespmem:$0x140];
	v18 =	vshra.s32 v38, $0x10;
	v19 =	vshra.s32 v19, $0x1F;
	v29 =	vadd.s32 v24, v58  }
0x12b: {  	v13 =	vadd.s32 v13, v14;
	v14 =	vand.u32 $0xF000, v36;
	v18 =	vshra.s32 v18, $0xC  }
0x12c: {  	v19 =	vand.u32 $0xFFF, v19;
	v14 =	vsub.s32 v31, v14;
	v15 =	vadd.s32 v18, v15  }
0x12d: {  	v41 =	vadd.s32 v19, v39;
	v19 =	vshrl.u32 v42, $0xE;
	v14 =	vshll.u32 v14, $0x10  }
0x12e: {  	v36 =	vld [tilespmem:$0x150];
	v44 =	vand.u32 $0xF000, v41;
	v18 =	vshll.u32 v41, $0x10;
	v45 =	vshll.u32 v19, $0xE  }
0x12f: {  	v33 =	vshra.s32 v30, $0x1F;
	v14 =	vshra.s32 v14, $0x10;
	v18 =	vshra.s32 v18, $0x10  }
0x130: {  	v19 =	vsub.s32 v35, v45;
	v35 =	vshrl.u32 v33, $0x12;
	v14 =	vshll.u32 v14, $0x2  }
0x131: {  	v18 =	vshra.s32 v18, $0xC;
	v20 =	vshll.u32 v19, $0x10;
	v38 =	vadd.s32 v35, v30  }
0x132: {  	v14 =	vadd.s32 v14, v15;
	v15 =	vsub.s32 v39, v44;
	v20 =	vshra.s32 v20, $0x1F  }
0x133: {  	v16 =	vadd.s32 v18, v16;
	v18 =	vshrl.u32 v51, $0xE;
	v42 =	vshra.s32 v36, $0x1F  }
0x134: {  	v15 =	vshll.u32 v15, $0x10;
	v47 =	vand.u32 $0xFFF, v20;
	v18 =	vshll.u32 v18, $0xE  }
0x135: {  	v26 =	vshrl.u32 v42, $0x12;
	v15 =	vshra.s32 v15, $0x10;
	v50 =	vadd.s32 v47, v19  }
0x136: {  	v54 =	vsub.s32 v43, v18;
	v44 =	vadd.s32 v26, v36;
	v15 =	vshll.u32 v15, $0x2  }
0x137: {  	v51 =	vld [tilespmem:$0x170];
	v52 =	vshll.u32 v50, $0x10;
	v21 =	vshll.u32 v54, $0x10;
	v47 =	vshrl.u32 v44, $0xE  }
0x138: {  	v15 =	vadd.s32 v15, v16;
	v16 =	vand.u32 $0xF000, v50;
	v20 =	vshra.s32 v52, $0x10  }
0x139: {  	v21 =	vshra.s32 v21, $0x1F;
	v16 =	vsub.s32 v19, v16;
	v53 =	vshra.s32 v20, $0xC  }
0x13a: {  	v56 =	vand.u32 $0xFFF, v21;
	v19 =	vshll.u32 v60, $0xE;
	v16 =	vshll.u32 v16, $0x10  }
0x13b: {  	v17 =	vadd.s32 v53, v45;
	v59 =	vadd.s32 v56, v54;
	v62 =	vsub.s32 v49, v19  }
0x13c: {  	v56 =	vshra.s32 v51, $0x1F;
	v16 =	vshra.s32 v16, $0x10;
	v61 =	vshll.u32 v59, $0x10  }
0x13d: {  	v45 =	vld [tilespmem:$0x160];
	v22 =	vshll.u32 v62, $0x10;
	v16 =	vshll.u32 v16, $0x2;
	v21 =	vshra.s32 v61, $0x10  }
0x13e: {  	v22 =	vshra.s32 v22, $0x1F;
	v16 =	vadd.s32 v16, v17;
	v17 =	vand.u32 $0xF000, v59  }
0x13f: {  	v21 =	vshra.s32 v21, $0xC;
	v22 =	vand.u32 $0xFFF, v22;
	v17 =	vsub.s32 v54, v17  }
0x140: {  	v18 =	vadd.s32 v21, v18;
	v28 =	vadd.s32 v22, v62;
	v22 =	vshrl.u32 v29, $0xE  }
0x141: {  	v17 =	vshll.u32 v17, $0x10;
	v31 =	vand.u32 $0xF000, v28;
	v21 =	vshll.u32 v28, $0x10  }
0x142: {  	v59 =	vld [tilespmem:$0x180];
	v32 =	vshll.u32 v22, $0xE;
	v50 =	vshra.s32 v45, $0x1F;
	v17 =	vshra.s32 v17, $0x10  }
0x143: {  	v21 =	vshra.s32 v21, $0x10;
	v22 =	vsub.s32 v58, v32;
	v27 =	vshrl.u32 v50, $0x12  }
0x144: {  	v17 =	vshll.u32 v17, $0x2;
	v21 =	vshra.s32 v21, $0xC;
	v23 =	vshll.u32 v22, $0x10  }
0x145: {  	v53 =	vadd.s32 v27, v45;
	v27 =	vshrl.u32 v56, $0x12;
	v17 =	vadd.s32 v17, v18  }
0x146: {  	v18 =	vsub.s32 v62, v31;
	v23 =	vshra.s32 v23, $0x1F;
	v19 =	vadd.s32 v21, v19  }
0x147: {  	v21 =	vshrl.u32 v38, $0xE;
	v27 =	vadd.s32 v27, v51;
	v62 =	vshra.s32 v59, $0x1F  }
0x148: {  	v63 =	vld [tilespmem:$0x190];
	v18 =	vshll.u32 v18, $0x10;
	v34 =	vand.u32 $0xFFF, v23;
	v21 =	vshll.u32 v21, $0xE  }
0x149: {  	v58 =	vshrl.u32 v27, $0xE;
	v18 =	vshra.s32 v18, $0x10;
	v37 =	vadd.s32 v34, v22  }
0x14a: {  	v41 =	vsub.s32 v30, v21;
	v34 =	vshrl.u32 v62, $0x12;
	v18 =	vshll.u32 v18, $0x2  }
0x14b: {  	v39 =	vshll.u32 v37, $0x10;
	v24 =	vshll.u32 v41, $0x10;
	v18 =	vadd.s32 v18, v19  }
0x14c: {  	v19 =	vand.u32 $0xF000, v37;
	v23 =	vshra.s32 v39, $0x10;
	v24 =	vshra.s32 v24, $0x1F  }
0x14d: {  	v37 =	vshra.s32 v63, $0x1F;
	v19 =	vsub.s32 v22, v19;
	v40 =	vshra.s32 v23, $0xC  }
0x14e: {  	v43 =	vand.u32 $0xFFF, v24;
	v22 =	vshll.u32 v47, $0xE;
	v19 =	vshll.u32 v19, $0x10  }
0x14f: {  	v20 =	vadd.s32 v40, v32;
	v46 =	vadd.s32 v43, v41;
	v49 =	vsub.s32 v36, v22  }
0x150: {  	v19 =	vshra.s32 v19, $0x10;
	v48 =	vshll.u32 v46, $0x10;
	v25 =	vshll.u32 v49, $0x10  }
0x151: {  	v19 =	vshll.u32 v19, $0x2;
	v24 =	vshra.s32 v48, $0x10;
	v25 =	vshra.s32 v25, $0x1F  }
0x152: {  	v40 =	vld [tilespmem:$0x1A0];
	v19 =	vadd.s32 v19, v20;
	v20 =	vand.u32 $0xF000, v46;
	v24 =	vshra.s32 v24, $0xC  }
0x153: {  	v25 =	vand.u32 $0xFFF, v25;
	v20 =	vsub.s32 v41, v20;
	v21 =	vadd.s32 v24, v21  }
0x154: {  	v52 =	vadd.s32 v25, v49;
	v25 =	vshrl.u32 v53, $0xE;
	v20 =	vshll.u32 v20, $0x10  }
0x155: {  	v46 =	vld [tilespmem:$0x1B0];
	v54 =	vshll.u32 v52, $0x10;
	v24 =	vand.u32 $0xF000, v52;
	v25 =	vshll.u32 v25, $0xE  }
0x156: {  	v20 =	vshra.s32 v20, $0x10;
	v23 =	vsub.s32 v49, v24;
	v55 =	vsub.s32 v45, v25  }
0x157: {  	v45 =	vshra.s32 v40, $0x1F;
	v20 =	vshll.u32 v20, $0x2;
	v23 =	vshll.u32 v23, $0x10  }
0x158: {  	v26 =	vshll.u32 v55, $0x10;
	v31 =	vshrl.u32 v45, $0x12;
	v20 =	vadd.s32 v20, v21  }
0x159: {  	v52 =	vld [tilespmem:$0x1C0];
	v21 =	vshra.s32 v54, $0x10;
	v23 =	vshra.s32 v23, $0x10;
	v26 =	vshra.s32 v26, $0x1F  }
0x15a: {  	v31 =	vadd.s32 v31, v40;
	v50 =	vshra.s32 v46, $0x1F;
	v21 =	vshra.s32 v21, $0xC  }
0x15b: {  	v23 =	vshll.u32 v23, $0x2;
	v26 =	vand.u32 $0xFFF, v26;
	v49 =	vshrl.u32 v31, $0xE  }
0x15c: {  	v21 =	vadd.s32 v21, v22;
	v57 =	vadd.s32 v26, v55;
	v26 =	vshll.u32 v58, $0xE  }
0x15d: {  	v21 =	vadd.s32 v23, v21;
	v60 =	vand.u32 $0xF000, v57;
	v22 =	vshll.u32 v57, $0x10  }
0x15e: {  	v61 =	vsub.s32 v51, v26;
	v57 =	vshra.s32 v52, $0x1F;
	v23 =	vsub.s32 v55, v60  }
0x15f: {  	v22 =	vshra.s32 v22, $0x10;
	v28 =	vshll.u32 v61, $0x10;
	v23 =	vshll.u32 v23, $0x10  }
0x160: {  	v22 =	vshra.s32 v22, $0xC;
	v28 =	vshra.s32 v28, $0x1F;
	v23 =	vshra.s32 v23, $0x10  }
0x161: {  	v28 =	vand.u32 $0xFFF, v28;
	v22 =	vadd.s32 v22, v25;
	v23 =	vshll.u32 v23, $0x2  }
0x162: {  	v33 =	vadd.s32 v28, v61;
	v28 =	vadd.s32 v34, v59;
	v22 =	vadd.s32 v23, v22  }
0x163: {  	v35 =	vshll.u32 v33, $0x10;
	v25 =	vand.u32 $0xF000, v33;
	v28 =	vshrl.u32 v28, $0xE  }
0x164: {  	v34 =	vld [tilespmem:$0x1D0];
	v23 =	vshra.s32 v35, $0x10;
	v24 =	vsub.s32 v61, v25;
	v36 =	vshll.u32 v28, $0xE  }
0x165: {  	v28 =	vshrl.u32 v37, $0x12;
	v23 =	vshra.s32 v23, $0xC;
	v27 =	vsub.s32 v59, v36  }
0x166: {  	v24 =	vshll.u32 v24, $0x10;
	v28 =	vadd.s32 v28, v63;
	v38 =	vshll.u32 v27, $0x10  }
0x167: {  	v24 =	vshra.s32 v24, $0x10;
	v23 =	vadd.s32 v23, v26;
	v29 =	vshra.s32 v38, $0x1F  }
0x168: {  	v28 =	vshrl.u32 v28, $0xE;
	v24 =	vshll.u32 v24, $0x2;
	v39 =	vand.u32 $0xFFF, v29  }
0x169: {  	v42 =	vshll.u32 v28, $0xE;
	v35 =	vshra.s32 v34, $0x1F;
	v41 =	vadd.s32 v39, v27  }
0x16a: {  	v23 =	vadd.s32 v24, v23;
	v30 =	vsub.s32 v63, v42;
	v24 =	vand.u32 $0xF000, v41  }
0x16b: {  	v44 =	vshll.u32 v30, $0x10;
	v43 =	vshll.u32 v41, $0x10;
	v24 =	vsub.s32 v27, v24  }
0x16c: {  	v28 =	vshra.s32 v43, $0x10;
	v27 =	vshra.s32 v44, $0x1F;
	v24 =	vshll.u32 v24, $0x10  }
0x16d: {  	v28 =	vshra.s32 v28, $0xC;
	v27 =	vand.u32 $0xFFF, v27;
	v24 =	vshra.s32 v24, $0x10  }
0x16e: {  	v43 =	vld [tilespmem:$0x1F0];
	v27 =	vadd.s32 v27, v30;
	v25 =	vadd.s32 v28, v36;
	v28 =	vshll.u32 v49, $0xE  }
0x16f: {  	v24 =	vshll.u32 v24, $0x2;
	v47 =	vshll.u32 v27, $0x10;
	v27 =	vand.u32 $0xF000, v27  }
0x170: {  	v29 =	vsub.s32 v40, v28;
	v24 =	vadd.s32 v24, v25;
	v48 =	vshra.s32 v47, $0x10  }
0x171: {  	v27 =	vsub.s32 v30, v27;
	v51 =	vshll.u32 v29, $0x10;
	v30 =	vshrl.u32 v50, $0x12  }
0x172: {  	v25 =	vshra.s32 v48, $0xC;
	v27 =	vshll.u32 v27, $0x10;
	v31 =	vshra.s32 v51, $0x1F  }
0x173: {  	v40 =	vld [tilespmem:$0x1E0];
	v30 =	vadd.s32 v30, v46;
	v48 =	vshra.s32 v43, $0x1F;
	v27 =	vshra.s32 v27, $0x10  }
0x174: {  	v31 =	vand.u32 $0xFFF, v31;
	v30 =	vshrl.u32 v30, $0xE;
	v25 =	vadd.s32 v25, v42  }
0x175: {  	[tilespmem:$0x4A0] =	vst v10;
	v10 =	vshrl.u32 v48, $0x12;
	v27 =	vshll.u32 v27, $0x2;
	v53 =	vadd.s32 v31, v29  }
0x176: {  	v30 =	vshll.u32 v30, $0xE;
	v49 =	vadd.s32 v10, v43;
	v25 =	vadd.s32 v27, v25  }
0x177: {  	v54 =	vshll.u32 v53, $0x10;
	v55 =	vsub.s32 v46, v30;
	v26 =	vand.u32 $0xF000, v53  }
0x178: {  	[tilespmem:$0x470] =	vst v7;
	v45 =	vshra.s32 v40, $0x1F;
	v7 =	vshrl.u32 v49, $0xE;
	v27 =	vshra.s32 v54, $0x10  }
0x179: {  	v32 =	vshll.u32 v55, $0x10;
	v26 =	vsub.s32 v29, v26;
	v47 =	vshrl.u32 v45, $0x12  }
0x17a: {  	v7 =	vshll.u32 v7, $0xE;
	v27 =	vshra.s32 v27, $0xC;
	v56 =	vshra.s32 v32, $0x1F  }
0x17b: {  	[tilespmem:$0x490] =	vst v9;
	v26 =	vshll.u32 v26, $0x10;
	v32 =	vshrl.u32 v57, $0x12;
	v9 =	vsub.s32 v43, v7  }
0x17c: {  	v29 =	vand.u32 $0xFFF, v56;
	v26 =	vshra.s32 v26, $0x10;
	v32 =	vadd.s32 v32, v52  }
0x17d: {  	[tilespmem:$0x400] =	vst v0;
	v60 =	vadd.s32 v27, v28;
	v27 =	vshrl.u32 v35, $0x12;
	v29 =	vadd.s32 v29, v55  }
0x17e: {  	[tilespmem:$0x410] =	vst v1;
	v58 =	vshll.u32 v26, $0x2;
	v61 =	vshrl.u32 v32, $0xE;
	v37 =	vadd.s32 v27, v34  }
0x17f: {  	[tilespmem:$0x420] =	vst v2;
	v59 =	vshll.u32 v29, $0x10;
	v63 =	vshll.u32 v61, $0xE;
	v32 =	vand.u32 $0xF000, v29  }
0x180: {  	[tilespmem:$0x450] =	vst v5;
	v5 =	vshrl.u32 v37, $0xE;
	v26 =	vshra.s32 v59, $0x10;
	v33 =	vsub.s32 v52, v63  }
0x181: {  	[tilespmem:$0x430] =	vst v3;
	v3 =	vsub.s32 v55, v32;
	v5 =	vshll.u32 v5, $0xE;
	v52 =	vshll.u32 v9, $0x10  }
0x182: {  	[tilespmem:$0x440] =	vst v4;
	v62 =	vshra.s32 v26, $0xC;
	v36 =	vshll.u32 v33, $0x10;
	v3 =	vshll.u32 v3, $0x10  }
0x183: {  	[tilespmem:$0x460] =	vst v6;
	v39 =	vsub.s32 v34, v5;
	v53 =	vshra.s32 v52, $0x1F;
	v4 =	vshra.s32 v36, $0x1F  }
0x184: {  	[tilespmem:$0x480] =	vst v8;
	v3 =	vshra.s32 v3, $0x10;
	v1 =	vadd.s32 v62, v30;
	v42 =	vshll.u32 v39, $0x10  }
0x185: {  	[tilespmem:$0x4B0] =	vst v11;
	v4 =	vand.u32 $0xFFF, v4;
	v3 =	vshll.u32 v3, $0x2;
	v6 =	vshra.s32 v42, $0x1F  }
0x186: {  	[tilespmem:$0x4C0] =	vst v12;
	v4 =	vadd.s32 v4, v33;
	v1 =	vadd.s32 v3, v1;
	v6 =	vand.u32 $0xFFF, v6  }
0x187: {  	[tilespmem:$0x4D0] =	vst v13;
	v38 =	vand.u32 $0xF000, v4;
	v4 =	vshll.u32 v4, $0x10;
	v6 =	vadd.s32 v6, v39  }
0x188: {  	[tilespmem:$0x4E0] =	vst v14;
	v41 =	vsub.s32 v33, v38;
	v4 =	vshra.s32 v4, $0x10;
	v44 =	vshll.u32 v6, $0x10  }
0x189: {  	[tilespmem:$0x4F0] =	vst v15;
	v6 =	vand.u32 $0xF000, v6;
	v3 =	vshll.u32 v41, $0x10;
	v4 =	vshra.s32 v4, $0xC  }
0x18a: {  	[tilespmem:$0x500] =	vst v16;
	v46 =	vshra.s32 v44, $0x10;
	v6 =	vsub.s32 v39, v6;
	v3 =	vshra.s32 v3, $0x10  }
0x18b: {  	[tilespmem:$0x510] =	vst v17;
	v2 =	vadd.s32 v4, v63;
	v4 =	vadd.s32 v47, v40;
	v6 =	vshll.u32 v6, $0x10  }
0x18c: {  	[tilespmem:$0x520] =	vst v18;
	v3 =	vshll.u32 v3, $0x2;
	v4 =	vshrl.u32 v4, $0xE;
	v6 =	vshra.s32 v6, $0x10  }
0x18d: {  	[tilespmem:$0x530] =	vst v19;
	v2 =	vadd.s32 v3, v2;
	v3 =	vshra.s32 v46, $0xC;
	v4 =	vshll.u32 v4, $0xE  }
0x18e: {  	[tilespmem:$0x540] =	vst v20;
	v6 =	vshll.u32 v6, $0x2;
	v8 =	vsub.s32 v40, v4;
	v3 =	vadd.s32 v3, v5  }
0x18f: {  	[tilespmem:$0x550] =	vst v21;
	v50 =	vshll.u32 v8, $0x10;
	v3 =	vadd.s32 v6, v3;
	v6 =	vand.u32 $0xFFF, v53  }
0x190: {  	[tilespmem:$0x560] =	vst v22;
	v0 =	vadd.s32 v58, v60;
	v10 =	vshra.s32 v50, $0x1F;
	v6 =	vadd.s32 v6, v9  }
0x191: {  	[tilespmem:$0x570] =	vst v23;
	v51 =	vand.u32 $0xFFF, v10;
	v56 =	vand.u32 $0xF000, v6;
	v58 =	vshll.u32 v6, $0x10  }
0x192: {  	[tilespmem:$0x580] =	vst v24;
	v5 =	vadd.s32 v51, v8;
	v59 =	vsub.s32 v9, v56;
	v60 =	vshra.s32 v58, $0x10  }
0x193: {  	[tilespmem:$0x590] =	vst v25;
	v54 =	vshll.u32 v5, $0x10;
	v5 =	vand.u32 $0xF000, v5;
	v61 =	vshll.u32 v59, $0x10  }
0x194: {  	[tilespmem:$0x5B0] =	vst v1;
	v1 =	vshra.s32 v60, $0xC;
	v10 =	vshra.s32 v54, $0x10;
	v5 =	vsub.s32 v8, v5  }
0x195: {  	[tilespmem:$0x5A0] =	vst v0;
	v63 =	vshra.s32 v61, $0x10;
	v1 =	vadd.s32 v1, v7;
	v5 =	vshll.u32 v5, $0x10  }
0x196: {  	[tilespmem:$0x5C0] =	vst v2;
	v55 =	vshra.s32 v10, $0xC;
	v57 =	vshra.s32 v5, $0x10;
	v5 =	vshll.u32 v63, $0x2  }
0x197: {  	[tilespmem:$0x5D0] =	vst v3;
	v62 =	vadd.s32 v55, v4;
	v0 =	vshll.u32 v57, $0x2;
	v6 =	vadd.s32 v5, v1  }
0x198: {  	v0 =	vadd.s32 v0, v62;
	[tilespmem:$0x5F0] =	vst v6  }
0x199: {  	[tilespmem:$0x5E0] =	vst v0  }
0x19a: {  	[tilespmem:s17], [sflag:$0x2] =	stream.indirect.gather [hbm4b:s5+s14], $0x20, s16, s14, $0xb8;
	[tilespmem:$0xA600] =	vst v63  }
0x19b: {  	_ = 	snop  }
0x19c: {  	[tilespmem:s3], [sflag:$0x4] =	stream.linear.gather [hbm4b:s8+s3], $0x200, $0x38;
	[tilespmem:$0xA600] =	vst v63  }
0x19d: {  	_ =	swait.ge [sflag:s13], $0x200  }
0x19e: {  	[sflag:s13] =	ssyncset.done $0x0  }
0x19f: {  	[sflag:s13] =	ssyncadd.s32 $0xFFFFFE00  }
0x1a0: {  	v7 =	vld [tilespmem:$0x0]  }
0x1a1: {  	v9 =	vld [tilespmem:$0x10]  }
0x1a2: {  	v12 =	vld [tilespmem:$0x20]  }
0x1a3: {  	v18 =	vld [tilespmem:$0x30]  }
0x1a4: {  	v28 =	vld [tilespmem:$0x40]  }
0x1a5: {  	v36 =	vld [tilespmem:$0x50]  }
0x1a6: {  	v42 =	vld [tilespmem:$0x60]  }
0x1a7: {  	v51 =	vld [tilespmem:$0x70]  }
0x1a8: {  	v59 =	vld [tilespmem:$0x80];
	_ =	sdelay $0x2  }
0x1a9: {  	v8 =	vshra.s32 v7, $0x1F;
	v11 =	vshra.s32 v9, $0x1F;
	v15 =	vshra.s32 v12, $0x1F  }
0x1aa: {  	v25 =	vshra.s32 v18, $0x1F;
	v33 =	vshra.s32 v28, $0x1F;
	v39 =	vshra.s32 v36, $0x1F  }
0x1ab: {  	v48 =	vshra.s32 v42, $0x1F;
	v56 =	vshra.s32 v51, $0x1F;
	v62 =	vshra.s32 v59, $0x1F  }
0x1ac: {  	v1 =	vshrl.u32 v8, $0x16;
	v4 =	vshrl.u32 v11, $0x16;
	v17 =	vshrl.u32 v15, $0x16  }
0x1ad: {  	v8 =	vshrl.u32 v25, $0x16;
	v41 =	vshrl.u32 v39, $0x16;
	v11 =	vshrl.u32 v48, $0x16  }
0x1ae: {  	v1 =	vadd.s32 v1, v7;
	v4 =	vadd.s32 v4, v9;
	v20 =	vadd.s32 v17, v12  }
0x1af: {  	v27 =	vadd.s32 v8, v18;
	v1 =	vshrl.u32 v1, $0xA;
	v4 =	vshrl.u32 v4, $0xA  }
0x1b0: {  	v44 =	vadd.s32 v41, v36;
	v1 =	vshll.u32 v1, $0xA;
	v4 =	vshll.u32 v4, $0xA  }
0x1b1: {  	v50 =	vadd.s32 v11, v42;
	v0 =	vsub.s32 v7, v1;
	v2 =	vsub.s32 v9, v4  }
0x1b2: {  	v30 =	vshrl.u32 v27, $0xA;
	v10 =	vshll.u32 v0, $0x10;
	v14 =	vshll.u32 v2, $0x10  }
0x1b3: {  	v53 =	vshrl.u32 v50, $0xA;
	v3 =	vshra.s32 v10, $0x1F;
	v6 =	vshra.s32 v14, $0x1F  }
0x1b4: {  	v9 =	vshrl.u32 v33, $0x16;
	v3 =	vand.u32 $0x7F, v3;
	v16 =	vand.u32 $0x7F, v6  }
0x1b5: {  	v35 =	vadd.s32 v9, v28;
	v3 =	vadd.s32 v3, v0;
	v19 =	vadd.s32 v16, v2  }
0x1b6: {  	v17 =	vld [tilespmem:$0x90];
	v16 =	vshrl.u32 v62, $0x16;
	v13 =	vand.u32 $0xFF80, v3;
	v3 =	vshll.u32 v3, $0x10  }
0x1b7: {  	v21 =	vshll.u32 v19, $0x10;
	v0 =	vsub.s32 v0, v13;
	v3 =	vshra.s32 v3, $0x10  }
0x1b8: {  	v6 =	vshra.s32 v21, $0x10;
	v0 =	vshll.u32 v0, $0x10;
	v3 =	vshra.s32 v3, $0x7  }
0x1b9: {  	v0 =	vshra.s32 v0, $0x10;
	v1 =	vadd.s32 v3, v1;
	v3 =	vshrl.u32 v20, $0xA  }
0x1ba: {  	v23 =	vshra.s32 v6, $0x7;
	v0 =	vshll.u32 v0, $0x3;
	v22 =	vshll.u32 v3, $0xA  }
0x1bb: {  	v3 =	vadd.s32 v23, v4;
	v4 =	vshll.u32 v30, $0xA;
	v23 =	vshra.s32 v17, $0x1F  }
0x1bc: {  	v0 =	vadd.s32 v0, v1;
	v1 =	vand.u32 $0xFF80, v19;
	v5 =	vsub.s32 v12, v22  }
0x1bd: {  	v32 =	vsub.s32 v18, v4;
	v12 =	vshrl.u32 v56, $0x16;
	v19 =	vadd.s32 v16, v59  }
0x1be: {  	v14 =	vshrl.u32 v23, $0x16;
	v1 =	vsub.s32 v2, v1;
	v24 =	vshll.u32 v5, $0x10  }
0x1bf: {  	v7 =	vshll.u32 v32, $0x10;
	v58 =	vadd.s32 v12, v51;
	v25 =	vadd.s32 v14, v17  }
0x1c0: {  	v1 =	vshll.u32 v1, $0x10;
	v6 =	vshra.s32 v24, $0x1F;
	v7 =	vshra.s32 v7, $0x1F  }
0x1c1: {  	v1 =	vshra.s32 v1, $0x10;
	v26 =	vand.u32 $0x7F, v6;
	v7 =	vand.u32 $0x7F, v7  }
0x1c2: {  	v1 =	vshll.u32 v1, $0x3;
	v29 =	vadd.s32 v26, v5;
	v34 =	vadd.s32 v7, v32  }
0x1c3: {  	v7 =	vshrl.u32 v35, $0xA;
	v1 =	vadd.s32 v1, v3;
	v31 =	vshll.u32 v29, $0x10  }
0x1c4: {  	v26 =	vld [tilespmem:$0xA0];
	v3 =	vand.u32 $0xFF80, v29;
	v37 =	vand.u32 $0xFF80, v34;
	v38 =	vshll.u32 v7, $0xA  }
0x1c5: {  	v6 =	vshra.s32 v31, $0x10;
	v3 =	vsub.s32 v5, v3;
	v7 =	vsub.s32 v28, v38  }
0x1c6: {  	v28 =	vshrl.u32 v25, $0xA;
	v6 =	vshra.s32 v6, $0x7;
	v3 =	vshll.u32 v3, $0x10  }
0x1c7: {  	v8 =	vshll.u32 v7, $0x10;
	v3 =	vshra.s32 v3, $0x10;
	v2 =	vadd.s32 v6, v22  }
0x1c8: {  	v6 =	vshll.u32 v34, $0x10;
	v8 =	vshra.s32 v8, $0x1F;
	v3 =	vshll.u32 v3, $0x3  }
0x1c9: {  	v6 =	vshra.s32 v6, $0x10;
	v40 =	vand.u32 $0x7F, v8;
	v31 =	vshra.s32 v26, $0x1F  }
0x1ca: {  	v34 =	vld [tilespmem:$0xB0];
	v2 =	vadd.s32 v3, v2;
	v3 =	vsub.s32 v32, v37;
	v6 =	vshra.s32 v6, $0x7  }
0x1cb: {  	v43 =	vadd.s32 v40, v7;
	v15 =	vshrl.u32 v31, $0x16;
	v3 =	vshll.u32 v3, $0x10  }
0x1cc: {  	v4 =	vadd.s32 v6, v4;
	v45 =	vshll.u32 v43, $0x10;
	v6 =	vshrl.u32 v44, $0xA  }
0x1cd: {  	v40 =	vld [tilespmem:$0xC0];
	v33 =	vadd.s32 v15, v26;
	v3 =	vshra.s32 v3, $0x10;
	v8 =	vshra.s32 v45, $0x10  }
0x1ce: {  	v6 =	vshll.u32 v6, $0xA;
	v3 =	vshll.u32 v3, $0x3;
	v46 =	vshra.s32 v8, $0x7  }
0x1cf: {  	v47 =	vsub.s32 v36, v6;
	v37 =	vshra.s32 v34, $0x1F;
	v3 =	vadd.s32 v3, v4  }
0x1d0: {  	v4 =	vand.u32 $0xFF80, v43;
	v9 =	vshll.u32 v47, $0x10;
	v5 =	vadd.s32 v46, v38  }
0x1d1: {  	v39 =	vshrl.u32 v37, $0x16;
	v4 =	vsub.s32 v7, v4;
	v9 =	vshra.s32 v9, $0x1F  }
0x1d2: {  	v7 =	vshll.u32 v53, $0xA;
	v46 =	vshra.s32 v40, $0x1F;
	v4 =	vshll.u32 v4, $0x10  }
0x1d3: {  	v49 =	vand.u32 $0x7F, v9;
	v55 =	vsub.s32 v42, v7;
	v42 =	vadd.s32 v39, v34  }
0x1d4: {  	v4 =	vshra.s32 v4, $0x10;
	v52 =	vadd.s32 v49, v47;
	v10 =	vshll.u32 v55, $0x10  }
0x1d5: {  	v4 =	vshll.u32 v4, $0x3;
	v54 =	vshll.u32 v52, $0x10;
	v10 =	vshra.s32 v10, $0x1F  }
0x1d6: {  	v49 =	vld [tilespmem:$0xD0];
	v4 =	vadd.s32 v4, v5;
	v5 =	vand.u32 $0xFF80, v52;
	v9 =	vshra.s32 v54, $0x10  }
0x1d7: {  	v10 =	vand.u32 $0x7F, v10;
	v5 =	vsub.s32 v47, v5;
	v9 =	vshra.s32 v9, $0x7  }
0x1d8: {  	v57 =	vadd.s32 v10, v55;
	v10 =	vshrl.u32 v58, $0xA;
	v5 =	vshll.u32 v5, $0x10  }
0x1d9: {  	v6 =	vadd.s32 v9, v6;
	v60 =	vand.u32 $0xFF80, v57;
	v9 =	vshll.u32 v57, $0x10  }
0x1da: {  	v61 =	vshll.u32 v10, $0xA;
	v5 =	vshra.s32 v5, $0x10;
	v9 =	vshra.s32 v9, $0x10  }
0x1db: {  	v57 =	vld [tilespmem:$0xE0];
	v10 =	vsub.s32 v51, v61;
	v54 =	vshra.s32 v49, $0x1F;
	v5 =	vshll.u32 v5, $0x3  }
0x1dc: {  	v9 =	vshra.s32 v9, $0x7;
	v11 =	vshll.u32 v10, $0x10;
	v5 =	vadd.s32 v5, v6  }
0x1dd: {  	v6 =	vsub.s32 v55, v60;
	v11 =	vshra.s32 v11, $0x1F;
	v7 =	vadd.s32 v9, v7  }
0x1de: {  	v9 =	vshrl.u32 v19, $0xA;
	v6 =	vshll.u32 v6, $0x10;
	v63 =	vand.u32 $0x7F, v11  }
0x1df: {  	v9 =	vshll.u32 v9, $0xA;
	v6 =	vshra.s32 v6, $0x10;
	v18 =	vadd.s32 v63, v10  }
0x1e0: {  	v22 =	vsub.s32 v59, v9;
	v60 =	vshra.s32 v57, $0x1F;
	v6 =	vshll.u32 v6, $0x3  }
0x1e1: {  	v20 =	vshll.u32 v18, $0x10;
	v12 =	vshll.u32 v22, $0x10;
	v62 =	vshrl.u32 v60, $0x16  }
0x1e2: {  	v6 =	vadd.s32 v6, v7;
	v7 =	vand.u32 $0xFF80, v18;
	v11 =	vshra.s32 v20, $0x10  }
0x1e3: {  	v12 =	vshra.s32 v12, $0x1F;
	v18 =	vshrl.u32 v54, $0x16;
	v23 =	vadd.s32 v62, v57  }
0x1e4: {  	v7 =	vsub.s32 v10, v7;
	v21 =	vshra.s32 v11, $0x7;
	v24 =	vand.u32 $0x7F, v12  }
0x1e5: {  	v10 =	vshll.u32 v28, $0xA;
	v56 =	vadd.s32 v18, v49;
	v7 =	vshll.u32 v7, $0x10  }
0x1e6: {  	v63 =	vld [tilespmem:$0xF0];
	v8 =	vadd.s32 v21, v61;
	v27 =	vadd.s32 v24, v22;
	v30 =	vsub.s32 v17, v10  }
0x1e7: {  	v17 =	vshrl.u32 v46, $0x16;
	v7 =	vshra.s32 v7, $0x10;
	v29 =	vshll.u32 v27, $0x10  }
0x1e8: {  	v13 =	vshll.u32 v30, $0x10;
	v48 =	vadd.s32 v17, v40;
	v7 =	vshll.u32 v7, $0x3  }
0x1e9: {  	v12 =	vshra.s32 v29, $0x10;
	v13 =	vshra.s32 v13, $0x1F;
	v51 =	vshrl.u32 v48, $0xA  }
0x1ea: {  	v7 =	vadd.s32 v7, v8;
	v8 =	vand.u32 $0xFF80, v27;
	v12 =	vshra.s32 v12, $0x7  }
0x1eb: {  	v13 =	vand.u32 $0x7F, v13;
	v27 =	vshra.s32 v63, $0x1F;
	v8 =	vsub.s32 v22, v8  }
0x1ec: {  	v9 =	vadd.s32 v12, v9;
	v32 =	vadd.s32 v13, v30;
	v13 =	vshrl.u32 v33, $0xA  }
0x1ed: {  	v20 =	vshrl.u32 v27, $0x16;
	v8 =	vshll.u32 v8, $0x10;
	v35 =	vand.u32 $0xFF80, v32  }
0x1ee: {  	v12 =	vshll.u32 v32, $0x10;
	v36 =	vshll.u32 v13, $0xA;
	v29 =	vadd.s32 v20, v63  }
0x1ef: {  	v8 =	vshra.s32 v8, $0x10;
	v12 =	vshra.s32 v12, $0x10;
	v13 =	vsub.s32 v26, v36  }
0x1f0: {  	v32 =	vshrl.u32 v29, $0xA;
	v8 =	vshll.u32 v8, $0x3;
	v12 =	vshra.s32 v12, $0x7  }
0x1f1: {  	v14 =	vshll.u32 v13, $0x10;
	v8 =	vadd.s32 v8, v9;
	v9 =	vsub.s32 v30, v35  }
0x1f2: {  	v14 =	vshra.s32 v14, $0x1F;
	v10 =	vadd.s32 v12, v10;
	v12 =	vshrl.u32 v42, $0xA  }
0x1f3: {  	v30 =	vld [tilespmem:$0x100];
	v9 =	vshll.u32 v9, $0x10;
	v38 =	vand.u32 $0x7F, v14;
	v12 =	vshll.u32 v12, $0xA  }
0x1f4: {  	v9 =	vshra.s32 v9, $0x10;
	v41 =	vadd.s32 v38, v13;
	v45 =	vsub.s32 v34, v12  }
0x1f5: {  	v9 =	vshll.u32 v9, $0x3;
	v43 =	vshll.u32 v41, $0x10;
	v15 =	vshll.u32 v45, $0x10  }
0x1f6: {  	v9 =	vadd.s32 v9, v10;
	v10 =	vand.u32 $0xFF80, v41;
	v14 =	vshra.s32 v43, $0x10  }
0x1f7: {  	v38 =	vld [tilespmem:$0x110];
	v15 =	vshra.s32 v15, $0x1F;
	v10 =	vsub.s32 v13, v10;
	v44 =	vshra.s32 v14, $0x7  }
0x1f8: {  	v47 =	vand.u32 $0x7F, v15;
	v13 =	vshll.u32 v51, $0xA;
	v35 =	vshra.s32 v30, $0x1F  }
0x1f9: {  	v10 =	vshll.u32 v10, $0x10;
	v11 =	vadd.s32 v44, v36;
	v50 =	vadd.s32 v47, v45  }
0x1fa: {  	v53 =	vsub.s32 v40, v13;
	v21 =	vshrl.u32 v35, $0x16;
	v10 =	vshra.s32 v10, $0x10  }
0x1fb: {  	v52 =	vshll.u32 v50, $0x10;
	v16 =	vshll.u32 v53, $0x10;
	v37 =	vadd.s32 v21, v30  }
0x1fc: {  	v41 =	vshra.s32 v38, $0x1F;
	v10 =	vshll.u32 v10, $0x3;
	v15 =	vshra.s32 v52, $0x10  }
0x1fd: {  	v44 =	vld [tilespmem:$0x120];
	v16 =	vshra.s32 v16, $0x1F;
	v43 =	vshrl.u32 v41, $0x16;
	v10 =	vadd.s32 v10, v11  }
0x1fe: {  	v11 =	vand.u32 $0xFF80, v50;
	v15 =	vshra.s32 v15, $0x7;
	v16 =	vand.u32 $0x7F, v16  }
0x1ff: {  	v46 =	vadd.s32 v43, v38;
	v11 =	vsub.s32 v45, v11;
	v12 =	vadd.s32 v15, v12  }
0x200: {  	v55 =	vadd.s32 v16, v53;
	v16 =	vshrl.u32 v56, $0xA;
	v11 =	vshll.u32 v11, $0x10  }
0x201: {  	v58 =	vand.u32 $0xFF80, v55;
	v15 =	vshll.u32 v55, $0x10;
	v59 =	vshll.u32 v16, $0xA  }
0x202: {  	v50 =	vshra.s32 v44, $0x1F;
	v11 =	vshra.s32 v11, $0x10;
	v15 =	vshra.s32 v15, $0x10  }
0x203: {  	v16 =	vsub.s32 v49, v59;
	v11 =	vshll.u32 v11, $0x3;
	v15 =	vshra.s32 v15, $0x7  }
0x204: {  	v17 =	vshll.u32 v16, $0x10;
	v11 =	vadd.s32 v11, v12;
	v12 =	vsub.s32 v53, v58  }
0x205: {  	v17 =	vshra.s32 v17, $0x1F;
	v13 =	vadd.s32 v15, v13;
	v15 =	vshrl.u32 v23, $0xA  }
0x206: {  	v23 =	vshrl.u32 v50, $0x16;
	v12 =	vshll.u32 v12, $0x10;
	v61 =	vand.u32 $0x7F, v17  }
0x207: {  	v53 =	vld [tilespmem:$0x130];
	v15 =	vshll.u32 v15, $0xA;
	v52 =	vadd.s32 v23, v44;
	v12 =	vshra.s32 v12, $0x10  }
0x208: {  	v22 =	vadd.s32 v61, v16;
	v26 =	vsub.s32 v57, v15;
	v55 =	vshrl.u32 v52, $0xA  }
0x209: {  	v12 =	vshll.u32 v12, $0x3;
	v24 =	vshll.u32 v22, $0x10;
	v18 =	vshll.u32 v26, $0x10  }
0x20a: {  	v12 =	vadd.s32 v12, v13;
	v13 =	vand.u32 $0xFF80, v22;
	v17 =	vshra.s32 v24, $0x10  }
0x20b: {  	v61 =	vld [tilespmem:$0x140];
	v18 =	vshra.s32 v18, $0x1F;
	v13 =	vsub.s32 v16, v13;
	v25 =	vshra.s32 v17, $0x7  }
0x20c: {  	v28 =	vand.u32 $0x7F, v18;
	v16 =	vshll.u32 v32, $0xA;
	v58 =	vshra.s32 v53, $0x1F  }
0x20d: {  	v13 =	vshll.u32 v13, $0x10;
	v14 =	vadd.s32 v25, v59;
	v31 =	vadd.s32 v28, v26  }
0x20e: {  	v34 =	vsub.s32 v63, v16;
	v24 =	vshrl.u32 v58, $0x16;
	v13 =	vshra.s32 v13, $0x10  }
0x20f: {  	v33 =	vshll.u32 v31, $0x10;
	v19 =	vshll.u32 v34, $0x10;
	v60 =	vadd.s32 v24, v53  }
0x210: {  	v28 =	vshra.s32 v61, $0x1F;
	v13 =	vshll.u32 v13, $0x3;
	v18 =	vshra.s32 v33, $0x10  }
0x211: {  	v19 =	vshra.s32 v19, $0x1F;
	v13 =	vadd.s32 v13, v14;
	v14 =	vand.u32 $0xFF80, v31  }
0x212: {  	v18 =	vshra.s32 v18, $0x7;
	v19 =	vand.u32 $0x7F, v19;
	v14 =	vsub.s32 v26, v14  }
0x213: {  	v15 =	vadd.s32 v18, v15;
	v36 =	vadd.s32 v19, v34;
	v19 =	vshrl.u32 v37, $0xA  }
0x214: {  	v31 =	vld [tilespmem:$0x150];
	v14 =	vshll.u32 v14, $0x10;
	v39 =	vand.u32 $0xFF80, v36;
	v18 =	vshll.u32 v36, $0x10  }
0x215: {  	v40 =	vshll.u32 v19, $0xA;
	v14 =	vshra.s32 v14, $0x10;
	v18 =	vshra.s32 v18, $0x10  }
0x216: {  	v19 =	vsub.s32 v30, v40;
	v30 =	vshrl.u32 v28, $0x16;
	v14 =	vshll.u32 v14, $0x3  }
0x217: {  	v18 =	vshra.s32 v18, $0x7;
	v20 =	vshll.u32 v19, $0x10;
	v33 =	vadd.s32 v30, v61  }
0x218: {  	v14 =	vadd.s32 v14, v15;
	v15 =	vsub.s32 v34, v39;
	v20 =	vshra.s32 v20, $0x1F  }
0x219: {  	v16 =	vadd.s32 v18, v16;
	v18 =	vshrl.u32 v46, $0xA;
	v37 =	vshra.s32 v31, $0x1F  }
0x21a: {  	v15 =	vshll.u32 v15, $0x10;
	v42 =	vand.u32 $0x7F, v20;
	v18 =	vshll.u32 v18, $0xA  }
0x21b: {  	v26 =	vshrl.u32 v37, $0x16;
	v15 =	vshra.s32 v15, $0x10;
	v45 =	vadd.s32 v42, v19  }
0x21c: {  	v49 =	vsub.s32 v38, v18;
	v39 =	vadd.s32 v26, v31;
	v15 =	vshll.u32 v15, $0x3  }
0x21d: {  	v47 =	vshll.u32 v45, $0x10;
	v21 =	vshll.u32 v49, $0x10;
	v42 =	vshrl.u32 v39, $0xA  }
0x21e: {  	v15 =	vadd.s32 v15, v16;
	v16 =	vand.u32 $0xFF80, v45;
	v20 =	vshra.s32 v47, $0x10  }
0x21f: {  	v21 =	vshra.s32 v21, $0x1F;
	v16 =	vsub.s32 v19, v16;
	v48 =	vshra.s32 v20, $0x7  }
0x220: {  	v51 =	vand.u32 $0x7F, v21;
	v19 =	vshll.u32 v55, $0xA;
	v16 =	vshll.u32 v16, $0x10  }
0x221: {  	v17 =	vadd.s32 v48, v40;
	v54 =	vadd.s32 v51, v49;
	v57 =	vsub.s32 v44, v19  }
0x222: {  	v40 =	vld [tilespmem:$0x160];
	v16 =	vshra.s32 v16, $0x10;
	v56 =	vshll.u32 v54, $0x10;
	v22 =	vshll.u32 v57, $0x10  }
0x223: {  	v48 =	vld [tilespmem:$0x170];
	v16 =	vshll.u32 v16, $0x3;
	v21 =	vshra.s32 v56, $0x10;
	v22 =	vshra.s32 v22, $0x1F  }
0x224: {  	v16 =	vadd.s32 v16, v17;
	v17 =	vand.u32 $0xFF80, v54;
	v21 =	vshra.s32 v21, $0x7  }
0x225: {  	v22 =	vand.u32 $0x7F, v22;
	v17 =	vsub.s32 v49, v17;
	v18 =	vadd.s32 v21, v18  }
0x226: {  	v59 =	vadd.s32 v22, v57;
	v22 =	vshrl.u32 v60, $0xA;
	v17 =	vshll.u32 v17, $0x10  }
0x227: {  	v62 =	vand.u32 $0xFF80, v59;
	v21 =	vshll.u32 v59, $0x10;
	v63 =	vshll.u32 v22, $0xA  }
0x228: {  	v54 =	vld [tilespmem:$0x180];
	v45 =	vshra.s32 v40, $0x1F;
	v51 =	vshra.s32 v48, $0x1F;
	v17 =	vshra.s32 v17, $0x10  }
0x229: {  	v21 =	vshra.s32 v21, $0x10;
	v22 =	vsub.s32 v53, v63;
	v27 =	vshrl.u32 v45, $0x16  }
0x22a: {  	v53 =	vshrl.u32 v51, $0x16;
	v17 =	vshll.u32 v17, $0x3;
	v21 =	vshra.s32 v21, $0x7  }
0x22b: {  	v23 =	vshll.u32 v22, $0x10;
	v47 =	vadd.s32 v27, v40;
	v56 =	vadd.s32 v53, v48  }
0x22c: {  	v17 =	vadd.s32 v17, v18;
	v18 =	vsub.s32 v57, v62;
	v23 =	vshra.s32 v23, $0x1F  }
0x22d: {  	v19 =	vadd.s32 v21, v19;
	v21 =	vshrl.u32 v33, $0xA;
	v60 =	vshra.s32 v54, $0x1F  }
0x22e: {  	v18 =	vshll.u32 v18, $0x10;
	v29 =	vand.u32 $0x7F, v23;
	v21 =	vshll.u32 v21, $0xA  }
0x22f: {  	v18 =	vshra.s32 v18, $0x10;
	v32 =	vadd.s32 v29, v22;
	v36 =	vsub.s32 v61, v21  }
0x230: {  	v29 =	vshrl.u32 v60, $0x16;
	v18 =	vshll.u32 v18, $0x3;
	v34 =	vshll.u32 v32, $0x10  }
0x231: {  	v24 =	vshll.u32 v36, $0x10;
	v62 =	vadd.s32 v29, v54;
	v18 =	vadd.s32 v18, v19  }
0x232: {  	v19 =	vand.u32 $0xFF80, v32;
	v23 =	vshra.s32 v34, $0x10;
	v24 =	vshra.s32 v24, $0x1F  }
0x233: {  	v34 =	vshrl.u32 v62, $0xA;
	v19 =	vsub.s32 v22, v19;
	v35 =	vshra.s32 v23, $0x7  }
0x234: {  	v38 =	vand.u32 $0x7F, v24;
	v22 =	vshll.u32 v42, $0xA;
	v19 =	vshll.u32 v19, $0x10  }
0x235: {  	v20 =	vadd.s32 v35, v63;
	v41 =	vadd.s32 v38, v36;
	v44 =	vsub.s32 v31, v22  }
0x236: {  	v19 =	vshra.s32 v19, $0x10;
	v43 =	vshll.u32 v41, $0x10;
	v25 =	vshll.u32 v44, $0x10  }
0x237: {  	v63 =	vld [tilespmem:$0x190];
	v19 =	vshll.u32 v19, $0x3;
	v24 =	vshra.s32 v43, $0x10;
	v25 =	vshra.s32 v25, $0x1F  }
0x238: {  	v19 =	vadd.s32 v19, v20;
	v20 =	vand.u32 $0xFF80, v41;
	v24 =	vshra.s32 v24, $0x7  }
0x239: {  	v25 =	vand.u32 $0x7F, v25;
	v20 =	vsub.s32 v36, v20;
	v21 =	vadd.s32 v24, v21  }
0x23a: {  	v46 =	vadd.s32 v25, v44;
	v25 =	vshrl.u32 v47, $0xA;
	v20 =	vshll.u32 v20, $0x10  }
0x23b: {  	v49 =	vand.u32 $0xFF80, v46;
	v24 =	vshll.u32 v46, $0x10;
	v50 =	vshll.u32 v25, $0xA  }
0x23c: {  	v37 =	vshra.s32 v63, $0x1F;
	v20 =	vshra.s32 v20, $0x10;
	v24 =	vshra.s32 v24, $0x10  }
0x23d: {  	v46 =	vld [tilespmem:$0x1B0];
	v25 =	vsub.s32 v40, v50;
	v30 =	vshrl.u32 v37, $0x16;
	v20 =	vshll.u32 v20, $0x3  }
0x23e: {  	v24 =	vshra.s32 v24, $0x7;
	v26 =	vshll.u32 v25, $0x10;
	v39 =	vadd.s32 v30, v63  }
0x23f: {  	v40 =	vld [tilespmem:$0x1A0];
	v20 =	vadd.s32 v20, v21;
	v21 =	vsub.s32 v44, v49;
	v26 =	vshra.s32 v26, $0x1F  }
0x240: {  	v22 =	vadd.s32 v24, v22;
	v24 =	vshrl.u32 v56, $0xA;
	v21 =	vshll.u32 v21, $0x10  }
0x241: {  	v52 =	vand.u32 $0x7F, v26;
	v24 =	vshll.u32 v24, $0xA;
	v21 =	vshra.s32 v21, $0x10  }
0x242: {  	v55 =	vadd.s32 v52, v25;
	v59 =	vsub.s32 v48, v24;
	v52 =	vshra.s32 v46, $0x1F  }
0x243: {  	v21 =	vshll.u32 v21, $0x3;
	v57 =	vshll.u32 v55, $0x10;
	v27 =	vshll.u32 v59, $0x10  }
0x244: {  	v43 =	vshra.s32 v40, $0x1F;
	v32 =	vshrl.u32 v52, $0x16;
	v21 =	vadd.s32 v21, v22  }
0x245: {  	v22 =	vand.u32 $0xFF80, v55;
	v26 =	vshra.s32 v57, $0x10;
	v27 =	vshra.s32 v27, $0x1F  }
0x246: {  	v45 =	vshrl.u32 v43, $0x16;
	v22 =	vsub.s32 v25, v22;
	v58 =	vshra.s32 v26, $0x7  }
0x247: {  	v61 =	vand.u32 $0x7F, v27;
	v25 =	vshll.u32 v34, $0xA;
	v48 =	vadd.s32 v45, v40  }
0x248: {  	v55 =	vld [tilespmem:$0x1C0];
	v22 =	vshll.u32 v22, $0x10;
	v23 =	vadd.s32 v58, v50;
	v33 =	vadd.s32 v61, v59  }
0x249: {  	v36 =	vsub.s32 v54, v25;
	v54 =	vadd.s32 v32, v46;
	v22 =	vshra.s32 v22, $0x10  }
0x24a: {  	v35 =	vshll.u32 v33, $0x10;
	v28 =	vshll.u32 v36, $0x10;
	v57 =	vshrl.u32 v54, $0xA  }
0x24b: {  	v22 =	vshll.u32 v22, $0x3;
	v27 =	vshra.s32 v35, $0x10;
	v28 =	vshra.s32 v28, $0x1F  }
0x24c: {  	v22 =	vadd.s32 v22, v23;
	v23 =	vand.u32 $0xFF80, v33;
	v27 =	vshra.s32 v27, $0x7  }
0x24d: {  	v28 =	vand.u32 $0x7F, v28;
	v60 =	vshra.s32 v55, $0x1F;
	v23 =	vsub.s32 v59, v23  }
0x24e: {  	v24 =	vadd.s32 v27, v24;
	v38 =	vadd.s32 v28, v36;
	v28 =	vshrl.u32 v39, $0xA  }
0x24f: {  	v62 =	vshrl.u32 v60, $0x16;
	v23 =	vshll.u32 v23, $0x10;
	v41 =	vand.u32 $0xFF80, v38  }
0x250: {  	v27 =	vshll.u32 v38, $0x10;
	v42 =	vshll.u32 v28, $0xA;
	v38 =	vadd.s32 v62, v55  }
0x251: {  	v23 =	vshra.s32 v23, $0x10;
	v27 =	vshra.s32 v27, $0x10;
	v28 =	vsub.s32 v63, v42  }
0x252: {  	v23 =	vshll.u32 v23, $0x3;
	v27 =	vshra.s32 v27, $0x7;
	v29 =	vshll.u32 v28, $0x10  }
0x253: {  	v63 =	vld [tilespmem:$0x1D0];
	v23 =	vadd.s32 v23, v24;
	v24 =	vsub.s32 v36, v41;
	v29 =	vshra.s32 v29, $0x1F  }
0x254: {  	v25 =	vadd.s32 v27, v25;
	v27 =	vshrl.u32 v48, $0xA;
	v24 =	vshll.u32 v24, $0x10  }
0x255: {  	v44 =	vand.u32 $0x7F, v29;
	v27 =	vshll.u32 v27, $0xA;
	v24 =	vshra.s32 v24, $0x10  }
0x256: {  	v47 =	vadd.s32 v44, v28;
	v51 =	vsub.s32 v40, v27;
	v40 =	vshrl.u32 v38, $0xA  }
0x257: {  	v24 =	vshll.u32 v24, $0x3;
	v49 =	vshll.u32 v47, $0x10;
	v30 =	vshll.u32 v51, $0x10  }
0x258: {  	v45 =	vshra.s32 v63, $0x1F;
	v24 =	vadd.s32 v24, v25;
	v25 =	vand.u32 $0xFF80, v47  }
0x259: {  	v29 =	vshra.s32 v49, $0x10;
	v30 =	vshra.s32 v30, $0x1F;
	v25 =	vsub.s32 v28, v25  }
0x25a: {  	v50 =	vshra.s32 v29, $0x7;
	v53 =	vand.u32 $0x7F, v30;
	v28 =	vshll.u32 v57, $0xA  }
0x25b: {  	v25 =	vshll.u32 v25, $0x10;
	v26 =	vadd.s32 v50, v42;
	v56 =	vadd.s32 v53, v51  }
0x25c: {  	v59 =	vsub.s32 v46, v28;
	v42 =	vshll.u32 v40, $0xA;
	v46 =	vshrl.u32 v45, $0x16  }
0x25d: {  	v47 =	vld [tilespmem:$0x1E0];
	v25 =	vshra.s32 v25, $0x10;
	v58 =	vshll.u32 v56, $0x10;
	v31 =	vshll.u32 v59, $0x10  }
0x25e: {  	[tilespmem:$0x50] =	vst v5;
	v43 =	vsub.s32 v55, v42;
	v5 =	vadd.s32 v46, v63;
	v25 =	vshll.u32 v25, $0x3  }
0x25f: {  	v30 =	vshra.s32 v58, $0x10;
	v31 =	vshra.s32 v31, $0x1F;
	v44 =	vshll.u32 v43, $0x10  }
0x260: {  	v5 =	vshrl.u32 v5, $0xA;
	v25 =	vadd.s32 v25, v26;
	v26 =	vand.u32 $0xFF80, v56  }
0x261: {  	[tilespmem:$0x40] =	vst v4;
	v30 =	vshra.s32 v30, $0x7;
	v61 =	vand.u32 $0x7F, v31;
	v4 =	vshra.s32 v44, $0x1F  }
0x262: {  	[tilespmem:$0x0] =	vst v0;
	v5 =	vshll.u32 v5, $0xA;
	v52 =	vshra.s32 v47, $0x1F;
	v26 =	vsub.s32 v51, v26  }
0x263: {  	[tilespmem:$0x10] =	vst v1;
	v27 =	vadd.s32 v30, v27;
	v37 =	vadd.s32 v61, v59;
	v4 =	vand.u32 $0x7F, v4  }
0x264: {  	[tilespmem:$0x90] =	vst v9;
	v49 =	vsub.s32 v63, v5;
	v9 =	vshrl.u32 v52, $0x16;
	v26 =	vshll.u32 v26, $0x10  }
0x265: {  	[tilespmem:$0x20] =	vst v2;
	v39 =	vshll.u32 v37, $0x10;
	v41 =	vand.u32 $0xFF80, v37;
	v4 =	vadd.s32 v4, v43  }
0x266: {  	[tilespmem:$0x30] =	vst v3;
	v50 =	vshll.u32 v49, $0x10;
	v9 =	vadd.s32 v9, v47;
	v26 =	vshra.s32 v26, $0x10  }
0x267: {  	[tilespmem:$0x60] =	vst v6;
	v1 =	vshra.s32 v39, $0x10;
	v2 =	vsub.s32 v59, v41;
	v48 =	vand.u32 $0xFF80, v4  }
0x268: {  	[tilespmem:$0x70] =	vst v7;
	v4 =	vshll.u32 v4, $0x10;
	v7 =	vshra.s32 v50, $0x1F;
	v9 =	vshrl.u32 v9, $0xA  }
0x269: {  	[tilespmem:$0x80] =	vst v8;
	v51 =	vld [tilespmem:$0x1F0];
	v36 =	vshll.u32 v26, $0x3;
	v1 =	vshra.s32 v1, $0x7;
	v2 =	vshll.u32 v2, $0x10  }
0x26a: {  	[tilespmem:$0xA0] =	vst v10;
	v4 =	vshra.s32 v4, $0x10;
	v7 =	vand.u32 $0x7F, v7;
	v9 =	vshll.u32 v9, $0xA  }
0x26b: {  	[tilespmem:$0xB0] =	vst v11;
	v0 =	vadd.s32 v36, v27;
	v2 =	vshra.s32 v2, $0x10;
	v1 =	vadd.s32 v1, v28  }
0x26c: {  	[tilespmem:$0xC0] =	vst v12;
	v4 =	vshra.s32 v4, $0x7;
	v7 =	vadd.s32 v7, v49;
	v6 =	vsub.s32 v47, v9  }
0x26d: {  	[tilespmem:$0xD0] =	vst v13;
	v2 =	vshll.u32 v2, $0x3;
	v4 =	vadd.s32 v4, v42;
	v53 =	vshll.u32 v7, $0x10  }
0x26e: {  	[tilespmem:$0xE0] =	vst v14;
	v54 =	vshra.s32 v51, $0x1F;
	v7 =	vand.u32 $0xFF80, v7;
	v55 =	vshll.u32 v6, $0x10  }
0x26f: {  	[tilespmem:$0xF0] =	vst v15;
	v1 =	vadd.s32 v2, v1;
	v2 =	vsub.s32 v43, v48;
	v10 =	vshrl.u32 v54, $0x16  }
0x270: {  	[tilespmem:$0x100] =	vst v16;
	v3 =	vsub.s32 v49, v7;
	v7 =	vshra.s32 v55, $0x1F;
	v2 =	vshll.u32 v2, $0x10  }
0x271: {  	[tilespmem:$0x110] =	vst v17;
	v10 =	vadd.s32 v10, v51;
	v3 =	vshll.u32 v3, $0x10;
	v7 =	vand.u32 $0x7F, v7  }
0x272: {  	[tilespmem:$0x120] =	vst v18;
	v2 =	vshra.s32 v2, $0x10;
	v10 =	vshrl.u32 v10, $0xA;
	v3 =	vshra.s32 v3, $0x10  }
0x273: {  	[tilespmem:$0x130] =	vst v19;
	v7 =	vadd.s32 v7, v6;
	v2 =	vshll.u32 v2, $0x3;
	v10 =	vshll.u32 v10, $0xA  }
0x274: {  	[tilespmem:$0x140] =	vst v20;
	v3 =	vshll.u32 v3, $0x3;
	v57 =	vshll.u32 v7, $0x10;
	v8 =	vsub.s32 v51, v10  }
0x275: {  	[tilespmem:$0x150] =	vst v21;
	v7 =	vand.u32 $0xFF80, v7;
	v2 =	vadd.s32 v2, v4;
	v56 =	vshll.u32 v8, $0x10  }
0x276: {  	[tilespmem:$0x160] =	vst v22;
	v4 =	vshra.s32 v53, $0x10;
	v58 =	vshra.s32 v57, $0x10;
	v11 =	vshra.s32 v56, $0x1F  }
0x277: {  	[tilespmem:$0x170] =	vst v23;
	v6 =	vsub.s32 v6, v7;
	v4 =	vshra.s32 v4, $0x7;
	v59 =	vand.u32 $0x7F, v11  }
0x278: {  	[tilespmem:$0x180] =	vst v24;
	v6 =	vshll.u32 v6, $0x10;
	v4 =	vadd.s32 v4, v5;
	v5 =	vadd.s32 v59, v8  }
0x279: {  	[tilespmem:$0x190] =	vst v25;
	v62 =	vshra.s32 v6, $0x10;
	v3 =	vadd.s32 v3, v4;
	v60 =	vand.u32 $0xFF80, v5  }
0x27a: {  	[tilespmem:$0x1A0] =	vst v0;
	v4 =	vshra.s32 v58, $0x7;
	v5 =	vshll.u32 v5, $0x10;
	v61 =	vsub.s32 v8, v60  }
0x27b: {  	[tilespmem:$0x1B0] =	vst v1;
	v1 =	vshll.u32 v62, $0x3;
	v5 =	vshra.s32 v5, $0x10;
	v0 =	vshll.u32 v61, $0x10  }
0x27c: {  	[tilespmem:$0x1C0] =	vst v2;
	v4 =	vadd.s32 v4, v9;
	v63 =	vshra.s32 v5, $0x7;
	v0 =	vshra.s32 v0, $0x10  }
0x27d: {  	[tilespmem:$0x1D0] =	vst v3;
	v1 =	vadd.s32 v1, v4;
	v2 =	vadd.s32 v63, v10;
	v0 =	vshll.u32 v0, $0x3  }
0x27e: {  	[tilespmem:$0x1E0] =	vst v1;
	v0 =	vadd.s32 v0, v2  }
0x27f: {  	[tilespmem:$0x1F0] =	vst v0  }
0x280: {  	[tilespmem:s18], [sflag:$0x3] =	stream.indirect.gather [hbm4b:s2+s14], $0x10, s3, s14, $0xb8;
	[tilespmem:$0xA600] =	vst v63  }
0x281: {  	_ =	swait.ge [sflag:s19], $0x4000  }
0x282: {  	[sflag:s19] =	ssyncset.done $0x0  }
0x283: {  	[sflag:s19] =	ssyncadd.s32 $0xFFFFC000  }
0x284: {  	[hbm4b:s9+s3] =	stream.linear.scatter [tilespmem:s15], [sflag:$0x4], $0x4000, $0x38;
	[tilespmem:$0xA600] =	vst v63  }
0x285: {  	_ =	swait.ge [sflag:s13], $0x4000  }
0x286: {  	[sflag:s13] =	ssyncset.done $0x0  }
0x287: {  	[sflag:s13] =	ssyncadd.s32 $0xFFFFC000  }
0x288: {  	_ =	swait.ge [sflag:s20], $0x4000  }
0x289: {  	[sflag:s20] =	ssyncset.done $0x0  }
0x28a: {  	[sflag:s20] =	ssyncadd.s32 $0xFFFFC000  }
0x28b: {  	[hbm4b:s10+s3] =	stream.linear.scatter [tilespmem:s17], [sflag:$0x4], $0x4000, $0x38;
	[tilespmem:$0xA600] =	vst v63  }
0x28c: {  	_ =	swait.ge [sflag:s13], $0x4000  }
0x28d: {  	[sflag:s13] =	ssyncset.done $0x0  }
0x28e: {  	[sflag:s13] =	ssyncadd.s32 $0xFFFFC000  }
0x28f: {  	_ =	swait.ge [sflag:s21], $0x2000  }
0x290: {  	p0 =	sne.s32 s12, $0x1;
	[sflag:s21] =	ssyncset.done $0x0  }
.Ltmp0:
0x291: {  	[sflag:s21] =	ssyncadd.s32 $0xFFFFE000;
	(pc) =	sbr.rel @p0 .LBB2_1-.Ltmp0, $4  }
0x292: {  	[hbm4b:s11+s3] =	stream.linear.scatter [tilespmem:s18], [sflag:$0x4], $0x2000, $0x38;
	[tilespmem:$0xA600] =	vst v63  }
0x293: {  	_ =	swait.ge [sflag:s13], $0x2000  }
0x294: {  	[sflag:s13] =	ssyncset.done $0x0  }
0x295: {  	s12 =	sadd.s32 $0xFFFFFFFF, s12;
	[sflag:s13] =	ssyncadd.s32 $0xFFFFE000  }
0x296: {  	_ =	sfence.sel $0x180000  }
0x297: {  	[bflag:$0x0] =	sbarrier.arrive $0xFFFF  }
0x298: {  	p0 =	sne.s32 s1, $0x0;
	_ =	strace $0x90000047  }
0x299: {  	s0 =	sadd.s32 @!p0 $0x100000, s0;
	[bflag:$0x2] =	sbarrier.arrive $0xFFFF  }
0x29a: {  	[sflag:s0] =	ssyncadd.tile.s32 @!p0 $0x1;
	_ =	shalt  }
.Lfunc_end2:
_tile_overlayer_lowered:
.L_overlay_start_2:
0x29b: {  	(tag) =	ssettag $0x2  }
0x29c: {  	s0 =	rddreg [dreg:$0x0];
	s2 =	stileid.u32  }
0x29d: {  	s1 =	rddreg [dreg:$0x1];
	p0 =	sne.s32 s2, $0x0  }
0x29e: {  	s3 =	rddreg [dreg:$0x2];
	[bflag:$0x3] =	sbarrier.arrive $0xFFFF;
	s2 =	simm.s32 @!p0 $0x1C04  }
0x29f: {  	[timem:s3], [sflag:s2] =	dma.local @!p0 [hbm:s0], s1  }
0x2a0: {  	s0 =	simm.s32 @!p0 $0x4  }
0x2a1: {  	_ =	swait.ge @!p0 [sflag:s0], s1  }
0x2a2: {  	s1 =	ssub.s32 @!p0 $0x0, s1;
	[sflag:s0] =	ssyncset.done @!p0 $0x0  }
0x2a3: {  	[sflag:s0] =	ssyncadd.s32 @!p0 s1  }
0x2a4: {  	[bflag:$0x3] =	sbarrier.arrive $0xFFFF  }
0x2a5: {  	_ =	shalt  }

</sc_bundles>
